<compile_context>
chip_gen: v7x
topology: tpu7x:2x2x1
jax: 0.10.2.dev20260603
libtpu: 0.0.44.dev20260713+nightly
codegen_flags: <defaults>
</compile_context>

<pallas_src>
import jax
import jax.numpy as jnp
from jax import lax
from jax.experimental import pallas as pl
from jax.experimental.pallas import tpu as pltpu
from jax.experimental.pallas import tpu_sc as plsc

N_NODES = 10000
N_EDGES = 160000
D_FEAT = 128
UNITS = 2
EPS = 1e-07

NCH = 8
NSUB = 16
NCORE = 2
EDGES_PER_SUB = N_EDGES // NSUB
EPB = 80
NBLK = EDGES_PER_SUB // EPB
NPAD = 10240
NODES_PER_SUB = NPAD // NSUB
NSLOT = 3
ZCOPY = NODES_PER_SUB // EPB

EB1 = 2000
NB3 = 1280


def _stage1_body(x_ref, o_ref):
    x = jnp.clip(x_ref[...], EPS, 1.0 - EPS)
    o_ref[0] = jnp.log(x)
    o_ref[1] = jnp.log(1.0 - x)


def _stage1(data):
    return pl.pallas_call(
        _stage1_body,
        grid=(N_EDGES // EB1,),
        in_specs=[pl.BlockSpec((EB1, D_FEAT), lambda i: (i, 0))],
        out_specs=pl.BlockSpec((2, EB1, D_FEAT), lambda i: (0, i, 0)),
        out_shape=jax.ShapeDtypeStruct((2, N_EDGES, D_FEAT), jnp.float32),
    )(data)


def _sc_body(l_hbm, idx_hbm, p_hbm, out_hbm,
             buf, idx_all, p_buf, acc, sem_a, sem_b, sem_out):
    cid = lax.axis_index("c")
    sid = lax.axis_index("s")

    pltpu.sync_copy(p_hbm, p_buf)
    pltpu.sync_copy(idx_hbm.at[sid], idx_all)

    z16 = jnp.zeros((16,), jnp.float32)

    def round_body(r, rcarry):
        ch = r * NCORE + cid
        b01 = lax.rem(r, 2)
        pch = p_buf[pl.ds(ch * 16, 16)]

        def in_cp(blk, sem):
            base = sid * EDGES_PER_SUB + blk * EPB
            slot = lax.rem(blk, NSLOT)
            return pltpu.make_async_copy(
                l_hbm.at[pl.ds(b01 * N_EDGES + base, EPB)],
                buf.at[slot], sem)

        def scat_cp(blk):
            return pltpu.make_async_copy(
                buf.at[lax.rem(blk, NSLOT)],
                acc.at[idx_all.at[blk]], sem_out)

        def zfill(i, carry):
            for t in range(D_FEAT // 16):
                buf[0, i, pl.ds(t * 16, 16)] = z16
            return carry

        lax.fori_loop(0, EPB, zfill, 0)
        zd = [pltpu.async_copy(
                  buf.at[0],
                  acc.at[pl.ds(sid * NODES_PER_SUB + z * EPB, EPB)],
                  sem_a)
              for z in range(ZCOPY)]
        for d in zd:
            d.wait()
        plsc.subcore_barrier()

        in_cp(0, sem_a).start()
        in_cp(1, sem_b).start()

        def do_block(k, sem, first):
            slot = lax.rem(k, NSLOT)
            in_cp(k, sem).wait()

            @plsc.parallel_loop(0, EPB, unroll=4)
            def edge(j):
                for t in range(NCH):
                    lv = buf[slot, j, pl.ds(t * 16, 16)]
                    buf[slot, j, pl.ds(t * 16, 16)] = jnp.exp(pch * lv)

            if first:
                @pl.when(k > 0)
                def _():
                    scat_cp(k - 1).wait()
            else:
                scat_cp(k - 1).wait()

            @pl.when(k + 2 < NBLK)
            def _():
                in_cp(k + 2, sem).start()

            pltpu.async_copy(
                buf.at[slot], acc.at[idx_all.at[k]], sem_out, add=True)

        def pair_body(m, carry):
            do_block(2 * m, sem_a, True)
            do_block(2 * m + 1, sem_b, False)
            return carry

        lax.fori_loop(0, (NBLK - 1) // 2, pair_body, 0)
        do_block(NBLK - 1, sem_a, False)
        scat_cp(NBLK - 1).wait()
        plsc.subcore_barrier()

        pltpu.sync_copy(
            acc.at[pl.ds(sid * NODES_PER_SUB, NODES_PER_SUB)],
            out_hbm.at[pl.ds(ch * NPAD + sid * NODES_PER_SUB, NODES_PER_SUB)])
        plsc.subcore_barrier()
        return rcarry

    lax.fori_loop(0, NCH // NCORE, round_body, 0)


def _sc_scatter(l_arr, index, p_arr):
    mesh = plsc.VectorSubcoreMesh(core_axis_name="c", subcore_axis_name="s")
    f = pl.kernel(
        _sc_body,
        out_type=jax.ShapeDtypeStruct((NCH * NPAD, D_FEAT), jnp.float32),
        mesh=mesh,
        scratch_types=[
            pltpu.VMEM((NSLOT, EPB, D_FEAT), jnp.float32),
            pltpu.VMEM((NBLK, EPB), jnp.int32),
            pltpu.VMEM((NCH * 16,), jnp.float32),
            pltpu.VMEM_SHARED((NPAD, D_FEAT), jnp.float32),
            pltpu.SemaphoreType.DMA,
            pltpu.SemaphoreType.DMA,
            pltpu.SemaphoreType.DMA,
        ],
    )
    return f(l_arr.reshape(2 * N_EDGES, D_FEAT),
             index.reshape(NSUB, NBLK, EPB), p_arr)


def _stage3_body(s_ref, qb_ref, o_ref):
    terms = []
    for ch in range(NCH):
        s = jnp.clip(s_ref[ch], EPS, None)
        q = qb_ref[0, ch:ch + 1, :]
        ab = qb_ref[1, ch:ch + 1, :]
        terms.append(jnp.exp(q * jnp.log(s)) * ab)
    for u in range(UNITS):
        num = terms[u] + terms[2 + u]
        den = terms[4 + u] + terms[6 + u]
        mult = 2.0 * jnp.clip(jnp.sign(den), 0.0, None) - 1.0
        den = jnp.where((den < EPS) & (den > -EPS), mult * EPS, den)
        o_ref[u] = num / den


def _stage3(s_arr, qb_arr):
    return pl.pallas_call(
        _stage3_body,
        grid=(NPAD // NB3,),
        in_specs=[
            pl.BlockSpec((NCH, NB3, D_FEAT), lambda nb: (0, nb, 0)),
            pl.BlockSpec((2, NCH, 128), lambda nb: (0, 0, 0)),
        ],
        out_specs=pl.BlockSpec((UNITS, NB3, D_FEAT), lambda nb: (0, nb, 0)),
        out_shape=jax.ShapeDtypeStruct((UNITS, NPAD, D_FEAT), jnp.float32),
    )(s_arr, qb_arr)


def kernel(data, index, W):
    p = jax.nn.relu(W[0:4]).reshape(NCH)
    p_arr = jnp.broadcast_to(p[:, None], (NCH, 16)).reshape(NCH * 16)
    q = jax.nn.relu(W[4:8]).reshape(NCH)
    ab = W[8:12].reshape(NCH)
    qb_arr = jnp.stack([
        jnp.broadcast_to(q[:, None], (NCH, 128)),
        jnp.broadcast_to(ab[:, None], (NCH, 128)),
    ])
    l_arr = _stage1(data)
    s_arr = _sc_scatter(l_arr, index, p_arr).reshape(NCH, NPAD, D_FEAT)
    r_arr = _stage3(s_arr, qb_arr)
    return jnp.transpose(r_arr, (1, 2, 0))[:N_NODES]

# --- scband reference (transcript-rebuilt; emitter-appended) ---
"""Pipeline reference for scband-laflayer-15015205667103 (READ-ONLY COPY).

The authoritative reference and input builder live on the scoring server;
editing this copy changes nothing except your own understanding.
"""

import jax, jax.numpy as jnp
import numpy as np

N_NODES = 10000
N_EDGES = 160000
D_FEAT = 128
UNITS = 2
EPS = 1e-07


def setup_inputs(seed: int = 0) -> dict:
    key = jax.random.key(seed)
    k1, k2, k3 = jax.random.split(key, 3)
    data = jax.random.uniform(k1, (N_EDGES, D_FEAT), dtype=jnp.float32)
    index = jax.random.randint(k2, (N_EDGES,), 0, N_NODES, dtype=jnp.int32)
    W = jax.random.normal(k3, (12, UNITS), dtype=jnp.float32)
    return {"data": data, "index": index, "W": W}


def reference(data, index, W):
    eps = EPS
    sup = 1.0 - eps
    e = jnp.array([1.0, -1.0, 1.0, -1.0], dtype=jnp.float32).reshape(1, 1, 4)
    num_idx = jnp.array([1.0, 1.0, 0.0, 0.0], dtype=jnp.float32).reshape(1, 1, 4, 1)
    den_idx = jnp.array([0.0, 0.0, 1.0, 1.0], dtype=jnp.float32).reshape(1, 1, 4, 1)

    x = jnp.clip(data, eps, sup)
    x = x[..., None]                      # [E, d, 1]
    exps = (1.0 - e) / 2.0 + x * e        # [E, d, 4]
    exps = exps[..., None]                # [E, d, 4, 1]
    exps = jnp.power(exps, jax.nn.relu(W[0:4]))   # [E, d, 4, units]
    scatter = jax.ops.segment_sum(exps, index, num_segments=N_NODES)  # [N, d, 4, units]
    scatter = jnp.clip(scatter, eps, None)
    sqrt = jnp.power(scatter, jax.nn.relu(W[4:8]))
    alpha_beta = W[8:12].reshape(1, 1, 4, UNITS)
    terms = sqrt * alpha_beta
    num = jnp.sum(terms * num_idx, axis=2)   # [N, d, units]
    den = jnp.sum(terms * den_idx, axis=2)   # [N, d, units]
    multiplier = 2.0 * jnp.clip(jnp.sign(den), 0.0, None) - 1.0
    den = jnp.where((den < eps) & (den > -eps), multiplier * eps, den)
    res = num / den
    return res

if __name__ == "__main__":
    import jax
    _d = setup_inputs()
    print(jax.jit(kernel)(*tuple(_d.values())))

</pallas_src>

<mosaic_0001>
#map = affine_map<(d0, d1) -> (0, 0)>
#map1 = affine_map<(d0, d1) -> (0, 0, 0)>
#map2 = affine_map<(d0, d1) -> (0)>
module attributes {stable_mosaic.version = 14 : i64} {
  func.func @_sc_body(%arg0: i32, %arg1: i32, %arg2: memref<320000x128xf32, #tpu.memory_space<hbm>>, %arg3: memref<16x125x80xi32, #tpu.memory_space<hbm>>, %arg4: memref<128xf32, #tpu.memory_space<hbm>>, %arg5: memref<81920x128xf32, #tpu.memory_space<hbm>>, %arg6: memref<3x80x128xf32, #tpu.memory_space<vmem>>, %arg7: memref<125x80xi32, #tpu.memory_space<vmem>>, %arg8: memref<128xf32, #tpu.memory_space<vmem>>, %arg9: memref<10240x128xf32, #tpu.memory_space<vmem_shared>>, %arg10: memref<!tpu.dma_semaphore, #tpu.memory_space<semaphore_mem>>, %arg11: memref<!tpu.dma_semaphore, #tpu.memory_space<semaphore_mem>>, %arg12: memref<!tpu.dma_semaphore, #tpu.memory_space<semaphore_mem>>) attributes {dimension_semantics = [#tpu.dimension_semantics<core_parallel>, #tpu.dimension_semantics<subcore_parallel>], iteration_bounds = array<i64: 2, 16>, scalar_prefetch = 0 : i64, scratch_operands = 7 : i64, tpu.core_type = #tpu.core_type<sc_vector_subcore>, window_params = [{transform_indices = #map}, {transform_indices = #map1}, {transform_indices = #map2}, {transform_indices = #map}]} {
    "tpu.region"() ({
      %run_scoped3A = tpu.sem_alloc : memref<!tpu.dma_semaphore, #tpu.memory_space<semaphore_mem>>
      tpu.enqueue_dma source(%arg4 : memref<128xf32, #tpu.memory_space<hbm>>) target(%arg8 : memref<128xf32, #tpu.memory_space<vmem>>) target_semaphore(%run_scoped3A : memref<!tpu.dma_semaphore, #tpu.memory_space<semaphore_mem>>)
      tpu.wait_dma2 semaphore(%run_scoped3A : memref<!tpu.dma_semaphore, #tpu.memory_space<semaphore_mem>>) src(%arg4 : memref<128xf32, #tpu.memory_space<hbm>>) dst(%arg8 : memref<128xf32, #tpu.memory_space<vmem>>)
      tpu.yield
    }) : () -> ()
    "tpu.region"() ({
      %run_scoped3A = tpu.sem_alloc : memref<!tpu.dma_semaphore, #tpu.memory_space<semaphore_mem>>
      %dma_start3A = arith.constant 0 : i32
      %dma_start3A_6 = arith.constant 0 : i32
      %dma_start3A_7 = tpu.memref_slice %arg3[%arg1, %dma_start3A, %dma_start3A_6] : memref<16x125x80xi32, #tpu.memory_space<hbm>> -> memref<1x125x80xi32, #tpu.memory_space<hbm>>
      %dma_start3A_8 = tpu.memref_squeeze %dma_start3A_7 : memref<1x125x80xi32, #tpu.memory_space<hbm>> -> memref<125x80xi32, #tpu.memory_space<hbm>>
      %dma_start3A_9 = arith.constant 0 : i32
      %dma_start3A_10 = arith.constant 0 : i32
      %dma_start3A_11 = tpu.memref_slice %arg3[%arg1, %dma_start3A_9, %dma_start3A_10] : memref<16x125x80xi32, #tpu.memory_space<hbm>> -> memref<1x125x80xi32, #tpu.memory_space<hbm>>
      %dma_start3A_12 = tpu.memref_squeeze %dma_start3A_11 : memref<1x125x80xi32, #tpu.memory_space<hbm>> -> memref<125x80xi32, #tpu.memory_space<hbm>>
      tpu.enqueue_dma source(%dma_start3A_12 : memref<125x80xi32, #tpu.memory_space<hbm>>) target(%arg7 : memref<125x80xi32, #tpu.memory_space<vmem>>) target_semaphore(%run_scoped3A : memref<!tpu.dma_semaphore, #tpu.memory_space<semaphore_mem>>)
      %dma_wait3A = arith.constant 0 : i32
      %dma_wait3A_13 = arith.constant 0 : i32
      %dma_wait3A_14 = tpu.memref_slice %arg3[%arg1, %dma_wait3A, %dma_wait3A_13] : memref<16x125x80xi32, #tpu.memory_space<hbm>> -> memref<1x125x80xi32, #tpu.memory_space<hbm>>
      %dma_wait3A_15 = tpu.memref_squeeze %dma_wait3A_14 : memref<1x125x80xi32, #tpu.memory_space<hbm>> -> memref<125x80xi32, #tpu.memory_space<hbm>>
      %dma_wait3A_16 = arith.constant 0 : i32
      %dma_wait3A_17 = arith.constant 0 : i32
      %dma_wait3A_18 = tpu.memref_slice %arg3[%arg1, %dma_wait3A_16, %dma_wait3A_17] : memref<16x125x80xi32, #tpu.memory_space<hbm>> -> memref<1x125x80xi32, #tpu.memory_space<hbm>>
      %dma_wait3A_19 = tpu.memref_squeeze %dma_wait3A_18 : memref<1x125x80xi32, #tpu.memory_space<hbm>> -> memref<125x80xi32, #tpu.memory_space<hbm>>
      tpu.wait_dma2 semaphore(%run_scoped3A : memref<!tpu.dma_semaphore, #tpu.memory_space<semaphore_mem>>) src(%dma_wait3A_19 : memref<125x80xi32, #tpu.memory_space<hbm>>) dst(%arg7 : memref<125x80xi32, #tpu.memory_space<vmem>>)
      tpu.yield
    }) : () -> ()
    %broadcast_in_dim3A = arith.constant 0.000000e+00 : f32
    %broadcast_in_dim3A_0 = vector.broadcast %broadcast_in_dim3A : f32 to vector<16xf32>
    %scan3A = arith.constant 0 : i32
    %scan3A_1 = arith.constant 0 : i32
    %scan3A_2 = arith.constant 4 : i32
    %scan3A_3 = arith.addi %scan3A_1, %scan3A_2 : i32
    %scan3A_4 = arith.constant 1 : i32
    scf.for %scan3A_6 = %scan3A_1 to %scan3A_3 step %scan3A_4  : i32 {
      %mul3A = arith.constant 2 : i32
      %mul3A_7 = arith.muli %scan3A_6, %mul3A : i32
      %add3A = arith.addi %mul3A_7, %arg0 : i32
      %rem3A = arith.constant 2 : i32
      %rem3A_8 = arith.remsi %scan3A_6, %rem3A : i32
      %mul3A_9 = arith.constant 16 : i32
      %mul3A_10 = arith.muli %add3A, %mul3A_9 : i32
      %get3A = arith.index_cast %mul3A_10 : i32 to index
      %get3A_11 = tpu.vector_load %arg8[%get3A] {strides = array<i32>} : memref<128xf32, #tpu.memory_space<vmem>>, vector<16xf32>,
      %get3A_12 = vector.shape_cast %get3A_11 : vector<16xf32> to vector<16xf32>
      %scan3A_13 = arith.constant 0 : i32
      %scan3A_14 = arith.constant 0 : i32
      %scan3A_15 = arith.constant 80 : i32
      %scan3A_16 = arith.addi %scan3A_14, %scan3A_15 : i32
      %scan3A_17 = arith.constant 1 : i32
      scf.for %scan3A_382 = %scan3A_14 to %scan3A_16 step %scan3A_17  : i32 {
        %swap3A = arith.constant 0 : i32
        %swap3A_383 = arith.index_cast %swap3A : i32 to index
        %swap3A_384 = arith.index_cast %scan3A_382 : i32 to index
        %swap3A_385 = arith.constant 0 : index
        %swap3A_386 = tpu.vector_load %arg6[%swap3A_383, %swap3A_384, %swap3A_385] {strides = array<i32>} : memref<3x80x128xf32, #tpu.memory_space<vmem>>, vector<1x1x16xf32>,
        %swap3A_387 = vector.shape_cast %swap3A_386 : vector<1x1x16xf32> to vector<16xf32>
        %swap3A_388 = vector.shape_cast %broadcast_in_dim3A_0 : vector<16xf32> to vector<1x1x16xf32>
        tpu.vector_store %arg6[%swap3A_383, %swap3A_384, %swap3A_385], %swap3A_388 {strides = array<i32>} : memref<3x80x128xf32, #tpu.memory_space<vmem>>, vector<1x1x16xf32>,
        %swap3A_389 = arith.constant 0 : i32
        %swap3A_390 = arith.index_cast %swap3A_389 : i32 to index
        %swap3A_391 = arith.index_cast %scan3A_382 : i32 to index
        %swap3A_392 = arith.constant 16 : index
        %swap3A_393 = tpu.vector_load %arg6[%swap3A_390, %swap3A_391, %swap3A_392] {strides = array<i32>} : memref<3x80x128xf32, #tpu.memory_space<vmem>>, vector<1x1x16xf32>,
        %swap3A_394 = vector.shape_cast %swap3A_393 : vector<1x1x16xf32> to vector<16xf32>
        %swap3A_395 = vector.shape_cast %broadcast_in_dim3A_0 : vector<16xf32> to vector<1x1x16xf32>
        tpu.vector_store %arg6[%swap3A_390, %swap3A_391, %swap3A_392], %swap3A_395 {strides = array<i32>} : memref<3x80x128xf32, #tpu.memory_space<vmem>>, vector<1x1x16xf32>,
        %swap3A_396 = arith.constant 0 : i32
        %swap3A_397 = arith.index_cast %swap3A_396 : i32 to index
        %swap3A_398 = arith.index_cast %scan3A_382 : i32 to index
        %swap3A_399 = arith.constant 32 : index
        %swap3A_400 = tpu.vector_load %arg6[%swap3A_397, %swap3A_398, %swap3A_399] {strides = array<i32>} : memref<3x80x128xf32, #tpu.memory_space<vmem>>, vector<1x1x16xf32>,
        %swap3A_401 = vector.shape_cast %swap3A_400 : vector<1x1x16xf32> to vector<16xf32>
        %swap3A_402 = vector.shape_cast %broadcast_in_dim3A_0 : vector<16xf32> to vector<1x1x16xf32>
        tpu.vector_store %arg6[%swap3A_397, %swap3A_398, %swap3A_399], %swap3A_402 {strides = array<i32>} : memref<3x80x128xf32, #tpu.memory_space<vmem>>, vector<1x1x16xf32>,
        %swap3A_403 = arith.constant 0 : i32
        %swap3A_404 = arith.index_cast %swap3A_403 : i32 to index
        %swap3A_405 = arith.index_cast %scan3A_382 : i32 to index
        %swap3A_406 = arith.constant 48 : index
        %swap3A_407 = tpu.vector_load %arg6[%swap3A_404, %swap3A_405, %swap3A_406] {strides = array<i32>} : memref<3x80x128xf32, #tpu.memory_space<vmem>>, vector<1x1x16xf32>,
        %swap3A_408 = vector.shape_cast %swap3A_407 : vector<1x1x16xf32> to vector<16xf32>
        %swap3A_409 = vector.shape_cast %broadcast_in_dim3A_0 : vector<16xf32> to vector<1x1x16xf32>
        tpu.vector_store %arg6[%swap3A_404, %swap3A_405, %swap3A_406], %swap3A_409 {strides = array<i32>} : memref<3x80x128xf32, #tpu.memory_space<vmem>>, vector<1x1x16xf32>,
        %swap3A_410 = arith.constant 0 : i32
        %swap3A_411 = arith.index_cast %swap3A_410 : i32 to index
        %swap3A_412 = arith.index_cast %scan3A_382 : i32 to index
        %swap3A_413 = arith.constant 64 : index
        %swap3A_414 = tpu.vector_load %arg6[%swap3A_411, %swap3A_412, %swap3A_413] {strides = array<i32>} : memref<3x80x128xf32, #tpu.memory_space<vmem>>, vector<1x1x16xf32>,
        %swap3A_415 = vector.shape_cast %swap3A_414 : vector<1x1x16xf32> to vector<16xf32>
        %swap3A_416 = vector.shape_cast %broadcast_in_dim3A_0 : vector<16xf32> to vector<1x1x16xf32>
        tpu.vector_store %arg6[%swap3A_411, %swap3A_412, %swap3A_413], %swap3A_416 {strides = array<i32>} : memref<3x80x128xf32, #tpu.memory_space<vmem>>, vector<1x1x16xf32>,
        %swap3A_417 = arith.constant 0 : i32
        %swap3A_418 = arith.index_cast %swap3A_417 : i32 to index
        %swap3A_419 = arith.index_cast %scan3A_382 : i32 to index
        %swap3A_420 = arith.constant 80 : index
        %swap3A_421 = tpu.vector_load %arg6[%swap3A_418, %swap3A_419, %swap3A_420] {strides = array<i32>} : memref<3x80x128xf32, #tpu.memory_space<vmem>>, vector<1x1x16xf32>,
        %swap3A_422 = vector.shape_cast %swap3A_421 : vector<1x1x16xf32> to vector<16xf32>
        %swap3A_423 = vector.shape_cast %broadcast_in_dim3A_0 : vector<16xf32> to vector<1x1x16xf32>
        tpu.vector_store %arg6[%swap3A_418, %swap3A_419, %swap3A_420], %swap3A_423 {strides = array<i32>} : memref<3x80x128xf32, #tpu.memory_space<vmem>>, vector<1x1x16xf32>,
        %swap3A_424 = arith.constant 0 : i32
        %swap3A_425 = arith.index_cast %swap3A_424 : i32 to index
        %swap3A_426 = arith.index_cast %scan3A_382 : i32 to index
        %swap3A_427 = arith.constant 96 : index
        %swap3A_428 = tpu.vector_load %arg6[%swap3A_425, %swap3A_426, %swap3A_427] {strides = array<i32>} : memref<3x80x128xf32, #tpu.memory_space<vmem>>, vector<1x1x16xf32>,
        %swap3A_429 = vector.shape_cast %swap3A_428 : vector<1x1x16xf32> to vector<16xf32>
        %swap3A_430 = vector.shape_cast %broadcast_in_dim3A_0 : vector<16xf32> to vector<1x1x16xf32>
        tpu.vector_store %arg6[%swap3A_425, %swap3A_426, %swap3A_427], %swap3A_430 {strides = array<i32>} : memref<3x80x128xf32, #tpu.memory_space<vmem>>, vector<1x1x16xf32>,
        %swap3A_431 = arith.constant 0 : i32
        %swap3A_432 = arith.index_cast %swap3A_431 : i32 to index
        %swap3A_433 = arith.index_cast %scan3A_382 : i32 to index
        %swap3A_434 = arith.constant 112 : index
        %swap3A_435 = tpu.vector_load %arg6[%swap3A_432, %swap3A_433, %swap3A_434] {strides = array<i32>} : memref<3x80x128xf32, #tpu.memory_space<vmem>>, vector<1x1x16xf32>,
        %swap3A_436 = vector.shape_cast %swap3A_435 : vector<1x1x16xf32> to vector<16xf32>
        %swap3A_437 = vector.shape_cast %broadcast_in_dim3A_0 : vector<16xf32> to vector<1x1x16xf32>
        tpu.vector_store %arg6[%swap3A_432, %swap3A_433, %swap3A_434], %swap3A_437 {strides = array<i32>} : memref<3x80x128xf32, #tpu.memory_space<vmem>>, vector<1x1x16xf32>,
      }
      %scan3A_18 = arith.constant 80 : i32
      %mul3A_19 = arith.constant 640 : i32
      %mul3A_20 = arith.muli %arg1, %mul3A_19 : i32
      %add3A_21 = arith.constant 0 : i32
      %add3A_22 = arith.addi %mul3A_20, %add3A_21 : i32
      %dma_start3A = arith.constant 0 : i32
      %dma_start3A_23 = arith.constant 0 : i32
      %dma_start3A_24 = arith.constant 0 : i32
      %dma_start3A_25 = tpu.memref_slice %arg6[%dma_start3A, %dma_start3A_23, %dma_start3A_24] : memref<3x80x128xf32, #tpu.memory_space<vmem>> -> memref<1x80x128xf32, #tpu.memory_space<vmem>>
      %dma_start3A_26 = tpu.memref_squeeze %dma_start3A_25 : memref<1x80x128xf32, #tpu.memory_space<vmem>> -> memref<80x128xf32, #tpu.memory_space<vmem>>
      %dma_start3A_27 = arith.constant 0 : i32
      %dma_start3A_28 = tpu.memref_slice %arg9[%add3A_22, %dma_start3A_27] : memref<10240x128xf32, #tpu.memory_space<vmem_shared>> -> memref<80x128xf32, #tpu.memory_space<vmem_shared>>
      %dma_start3A_29 = arith.constant 0 : i32
      %dma_start3A_30 = tpu.memref_slice %arg9[%add3A_22, %dma_start3A_29] : memref<10240x128xf32, #tpu.memory_space<vmem_shared>> -> memref<80x128xf32, #tpu.memory_space<vmem_shared>>
      %dma_start3A_31 = arith.constant 0 : i32
      %dma_start3A_32 = arith.constant 0 : i32
      %dma_start3A_33 = tpu.memref_slice %arg6[%dma_start3A, %dma_start3A_31, %dma_start3A_32] : memref<3x80x128xf32, #tpu.memory_space<vmem>> -> memref<1x80x128xf32, #tpu.memory_space<vmem>>
      %dma_start3A_34 = tpu.memref_squeeze %dma_start3A_33 : memref<1x80x128xf32, #tpu.memory_space<vmem>> -> memref<80x128xf32, #tpu.memory_space<vmem>>
      tpu.enqueue_dma source(%dma_start3A_34 : memref<80x128xf32, #tpu.memory_space<vmem>>) target(%dma_start3A_30 : memref<80x128xf32, #tpu.memory_space<vmem_shared>>) target_semaphore(%arg10 : memref<!tpu.dma_semaphore, #tpu.memory_space<semaphore_mem>>)
      %mul3A_35 = arith.constant 640 : i32
      %mul3A_36 = arith.muli %arg1, %mul3A_35 : i32
      %add3A_37 = arith.constant 80 : i32
      %add3A_38 = arith.addi %mul3A_36, %add3A_37 : i32
      %dma_start3A_39 = arith.constant 0 : i32
      %dma_start3A_40 = arith.constant 0 : i32
      %dma_start3A_41 = arith.constant 0 : i32
      %dma_start3A_42 = tpu.memref_slice %arg6[%dma_start3A_39, %dma_start3A_40, %dma_start3A_41] : memref<3x80x128xf32, #tpu.memory_space<vmem>> -> memref<1x80x128xf32, #tpu.memory_space<vmem>>
      %dma_start3A_43 = tpu.memref_squeeze %dma_start3A_42 : memref<1x80x128xf32, #tpu.memory_space<vmem>> -> memref<80x128xf32, #tpu.memory_space<vmem>>
      %dma_start3A_44 = arith.constant 0 : i32
      %dma_start3A_45 = tpu.memref_slice %arg9[%add3A_38, %dma_start3A_44] : memref<10240x128xf32, #tpu.memory_space<vmem_shared>> -> memref<80x128xf32, #tpu.memory_space<vmem_shared>>
      %dma_start3A_46 = arith.constant 0 : i32
      %dma_start3A_47 = tpu.memref_slice %arg9[%add3A_38, %dma_start3A_46] : memref<10240x128xf32, #tpu.memory_space<vmem_shared>> -> memref<80x128xf32, #tpu.memory_space<vmem_shared>>
      %dma_start3A_48 = arith.constant 0 : i32
      %dma_start3A_49 = arith.constant 0 : i32
      %dma_start3A_50 = tpu.memref_slice %arg6[%dma_start3A_39, %dma_start3A_48, %dma_start3A_49] : memref<3x80x128xf32, #tpu.memory_space<vmem>> -> memref<1x80x128xf32, #tpu.memory_space<vmem>>
      %dma_start3A_51 = tpu.memref_squeeze %dma_start3A_50 : memref<1x80x128xf32, #tpu.memory_space<vmem>> -> memref<80x128xf32, #tpu.memory_space<vmem>>
      tpu.enqueue_dma source(%dma_start3A_51 : memref<80x128xf32, #tpu.memory_space<vmem>>) target(%dma_start3A_47 : memref<80x128xf32, #tpu.memory_space<vmem_shared>>) target_semaphore(%arg10 : memref<!tpu.dma_semaphore, #tpu.memory_space<semaphore_mem>>)
      %mul3A_52 = arith.constant 640 : i32
      %mul3A_53 = arith.muli %arg1, %mul3A_52 : i32
      %add3A_54 = arith.constant 160 : i32
      %add3A_55 = arith.addi %mul3A_53, %add3A_54 : i32
      %dma_start3A_56 = arith.constant 0 : i32
      %dma_start3A_57 = arith.constant 0 : i32
      %dma_start3A_58 = arith.constant 0 : i32
      %dma_start3A_59 = tpu.memref_slice %arg6[%dma_start3A_56, %dma_start3A_57, %dma_start3A_58] : memref<3x80x128xf32, #tpu.memory_space<vmem>> -> memref<1x80x128xf32, #tpu.memory_space<vmem>>
      %dma_start3A_60 = tpu.memref_squeeze %dma_start3A_59 : memref<1x80x128xf32, #tpu.memory_space<vmem>> -> memref<80x128xf32, #tpu.memory_space<vmem>>
      %dma_start3A_61 = arith.constant 0 : i32
      %dma_start3A_62 = tpu.memref_slice %arg9[%add3A_55, %dma_start3A_61] : memref<10240x128xf32, #tpu.memory_space<vmem_shared>> -> memref<80x128xf32, #tpu.memory_space<vmem_shared>>
      %dma_start3A_63 = arith.constant 0 : i32
      %dma_start3A_64 = tpu.memref_slice %arg9[%add3A_55, %dma_start3A_63] : memref<10240x128xf32, #tpu.memory_space<vmem_shared>> -> memref<80x128xf32, #tpu.memory_space<vmem_shared>>
      %dma_start3A_65 = arith.constant 0 : i32
      %dma_start3A_66 = arith.constant 0 : i32
      %dma_start3A_67 = tpu.memref_slice %arg6[%dma_start3A_56, %dma_start3A_65, %dma_start3A_66] : memref<3x80x128xf32, #tpu.memory_space<vmem>> -> memref<1x80x128xf32, #tpu.memory_space<vmem>>
      %dma_start3A_68 = tpu.memref_squeeze %dma_start3A_67 : memref<1x80x128xf32, #tpu.memory_space<vmem>> -> memref<80x128xf32, #tpu.memory_space<vmem>>
      tpu.enqueue_dma source(%dma_start3A_68 : memref<80x128xf32, #tpu.memory_space<vmem>>) target(%dma_start3A_64 : memref<80x128xf32, #tpu.memory_space<vmem_shared>>) target_semaphore(%arg10 : memref<!tpu.dma_semaphore, #tpu.memory_space<semaphore_mem>>)
      %mul3A_69 = arith.constant 640 : i32
      %mul3A_70 = arith.muli %arg1, %mul3A_69 : i32
      %add3A_71 = arith.constant 240 : i32
      %add3A_72 = arith.addi %mul3A_70, %add3A_71 : i32
      %dma_start3A_73 = arith.constant 0 : i32
      %dma_start3A_74 = arith.constant 0 : i32
      %dma_start3A_75 = arith.constant 0 : i32
      %dma_start3A_76 = tpu.memref_slice %arg6[%dma_start3A_73, %dma_start3A_74, %dma_start3A_75] : memref<3x80x128xf32, #tpu.memory_space<vmem>> -> memref<1x80x128xf32, #tpu.memory_space<vmem>>
      %dma_start3A_77 = tpu.memref_squeeze %dma_start3A_76 : memref<1x80x128xf32, #tpu.memory_space<vmem>> -> memref<80x128xf32, #tpu.memory_space<vmem>>
      %dma_start3A_78 = arith.constant 0 : i32
      %dma_start3A_79 = tpu.memref_slice %arg9[%add3A_72, %dma_start3A_78] : memref<10240x128xf32, #tpu.memory_space<vmem_shared>> -> memref<80x128xf32, #tpu.memory_space<vmem_shared>>
      %dma_start3A_80 = arith.constant 0 : i32
      %dma_start3A_81 = tpu.memref_slice %arg9[%add3A_72, %dma_start3A_80] : memref<10240x128xf32, #tpu.memory_space<vmem_shared>> -> memref<80x128xf32, #tpu.memory_space<vmem_shared>>
      %dma_start3A_82 = arith.constant 0 : i32
      %dma_start3A_83 = arith.constant 0 : i32
      %dma_start3A_84 = tpu.memref_slice %arg6[%dma_start3A_73, %dma_start3A_82, %dma_start3A_83] : memref<3x80x128xf32, #tpu.memory_space<vmem>> -> memref<1x80x128xf32, #tpu.memory_space<vmem>>
      %dma_start3A_85 = tpu.memref_squeeze %dma_start3A_84 : memref<1x80x128xf32, #tpu.memory_space<vmem>> -> memref<80x128xf32, #tpu.memory_space<vmem>>
      tpu.enqueue_dma source(%dma_start3A_85 : memref<80x128xf32, #tpu.memory_space<vmem>>) target(%dma_start3A_81 : memref<80x128xf32, #tpu.memory_space<vmem_shared>>) target_semaphore(%arg10 : memref<!tpu.dma_semaphore, #tpu.memory_space<semaphore_mem>>)
      %mul3A_86 = arith.constant 640 : i32
      %mul3A_87 = arith.muli %arg1, %mul3A_86 : i32
      %add3A_88 = arith.constant 320 : i32
      %add3A_89 = arith.addi %mul3A_87, %add3A_88 : i32
      %dma_start3A_90 = arith.constant 0 : i32
      %dma_start3A_91 = arith.constant 0 : i32
      %dma_start3A_92 = arith.constant 0 : i32
      %dma_start3A_93 = tpu.memref_slice %arg6[%dma_start3A_90, %dma_start3A_91, %dma_start3A_92] : memref<3x80x128xf32, #tpu.memory_space<vmem>> -> memref<1x80x128xf32, #tpu.memory_space<vmem>>
      %dma_start3A_94 = tpu.memref_squeeze %dma_start3A_93 : memref<1x80x128xf32, #tpu.memory_space<vmem>> -> memref<80x128xf32, #tpu.memory_space<vmem>>
      %dma_start3A_95 = arith.constant 0 : i32
      %dma_start3A_96 = tpu.memref_slice %arg9[%add3A_89, %dma_start3A_95] : memref<10240x128xf32, #tpu.memory_space<vmem_shared>> -> memref<80x128xf32, #tpu.memory_space<vmem_shared>>
      %dma_start3A_97 = arith.constant 0 : i32
      %dma_start3A_98 = tpu.memref_slice %arg9[%add3A_89, %dma_start3A_97] : memref<10240x128xf32, #tpu.memory_space<vmem_shared>> -> memref<80x128xf32, #tpu.memory_space<vmem_shared>>
      %dma_start3A_99 = arith.constant 0 : i32
      %dma_start3A_100 = arith.constant 0 : i32
      %dma_start3A_101 = tpu.memref_slice %arg6[%dma_start3A_90, %dma_start3A_99, %dma_start3A_100] : memref<3x80x128xf32, #tpu.memory_space<vmem>> -> memref<1x80x128xf32, #tpu.memory_space<vmem>>
      %dma_start3A_102 = tpu.memref_squeeze %dma_start3A_101 : memref<1x80x128xf32, #tpu.memory_space<vmem>> -> memref<80x128xf32, #tpu.memory_space<vmem>>
      tpu.enqueue_dma source(%dma_start3A_102 : memref<80x128xf32, #tpu.memory_space<vmem>>) target(%dma_start3A_98 : memref<80x128xf32, #tpu.memory_space<vmem_shared>>) target_semaphore(%arg10 : memref<!tpu.dma_semaphore, #tpu.memory_space<semaphore_mem>>)
      %mul3A_103 = arith.constant 640 : i32
      %mul3A_104 = arith.muli %arg1, %mul3A_103 : i32
      %add3A_105 = arith.constant 400 : i32
      %add3A_106 = arith.addi %mul3A_104, %add3A_105 : i32
      %dma_start3A_107 = arith.constant 0 : i32
      %dma_start3A_108 = arith.constant 0 : i32
      %dma_start3A_109 = arith.constant 0 : i32
      %dma_start3A_110 = tpu.memref_slice %arg6[%dma_start3A_107, %dma_start3A_108, %dma_start3A_109] : memref<3x80x128xf32, #tpu.memory_space<vmem>> -> memref<1x80x128xf32, #tpu.memory_space<vmem>>
      %dma_start3A_111 = tpu.memref_squeeze %dma_start3A_110 : memref<1x80x128xf32, #tpu.memory_space<vmem>> -> memref<80x128xf32, #tpu.memory_space<vmem>>
      %dma_start3A_112 = arith.constant 0 : i32
      %dma_start3A_113 = tpu.memref_slice %arg9[%add3A_106, %dma_start3A_112] : memref<10240x128xf32, #tpu.memory_space<vmem_shared>> -> memref<80x128xf32, #tpu.memory_space<vmem_shared>>
      %dma_start3A_114 = arith.constant 0 : i32
      %dma_start3A_115 = tpu.memref_slice %arg9[%add3A_106, %dma_start3A_114] : memref<10240x128xf32, #tpu.memory_space<vmem_shared>> -> memref<80x128xf32, #tpu.memory_space<vmem_shared>>
      %dma_start3A_116 = arith.constant 0 : i32
      %dma_start3A_117 = arith.constant 0 : i32
      %dma_start3A_118 = tpu.memref_slice %arg6[%dma_start3A_107, %dma_start3A_116, %dma_start3A_117] : memref<3x80x128xf32, #tpu.memory_space<vmem>> -> memref<1x80x128xf32, #tpu.memory_space<vmem>>
      %dma_start3A_119 = tpu.memref_squeeze %dma_start3A_118 : memref<1x80x128xf32, #tpu.memory_space<vmem>> -> memref<80x128xf32, #tpu.memory_space<vmem>>
      tpu.enqueue_dma source(%dma_start3A_119 : memref<80x128xf32, #tpu.memory_space<vmem>>) target(%dma_start3A_115 : memref<80x128xf32, #tpu.memory_space<vmem_shared>>) target_semaphore(%arg10 : memref<!tpu.dma_semaphore, #tpu.memory_space<semaphore_mem>>)
      %mul3A_120 = arith.constant 640 : i32
      %mul3A_121 = arith.muli %arg1, %mul3A_120 : i32
      %add3A_122 = arith.constant 480 : i32
      %add3A_123 = arith.addi %mul3A_121, %add3A_122 : i32
      %dma_start3A_124 = arith.constant 0 : i32
      %dma_start3A_125 = arith.constant 0 : i32
      %dma_start3A_126 = arith.constant 0 : i32
      %dma_start3A_127 = tpu.memref_slice %arg6[%dma_start3A_124, %dma_start3A_125, %dma_start3A_126] : memref<3x80x128xf32, #tpu.memory_space<vmem>> -> memref<1x80x128xf32, #tpu.memory_space<vmem>>
      %dma_start3A_128 = tpu.memref_squeeze %dma_start3A_127 : memref<1x80x128xf32, #tpu.memory_space<vmem>> -> memref<80x128xf32, #tpu.memory_space<vmem>>
      %dma_start3A_129 = arith.constant 0 : i32
      %dma_start3A_130 = tpu.memref_slice %arg9[%add3A_123, %dma_start3A_129] : memref<10240x128xf32, #tpu.memory_space<vmem_shared>> -> memref<80x128xf32, #tpu.memory_space<vmem_shared>>
      %dma_start3A_131 = arith.constant 0 : i32
      %dma_start3A_132 = tpu.memref_slice %arg9[%add3A_123, %dma_start3A_131] : memref<10240x128xf32, #tpu.memory_space<vmem_shared>> -> memref<80x128xf32, #tpu.memory_space<vmem_shared>>
      %dma_start3A_133 = arith.constant 0 : i32
      %dma_start3A_134 = arith.constant 0 : i32
      %dma_start3A_135 = tpu.memref_slice %arg6[%dma_start3A_124, %dma_start3A_133, %dma_start3A_134] : memref<3x80x128xf32, #tpu.memory_space<vmem>> -> memref<1x80x128xf32, #tpu.memory_space<vmem>>
      %dma_start3A_136 = tpu.memref_squeeze %dma_start3A_135 : memref<1x80x128xf32, #tpu.memory_space<vmem>> -> memref<80x128xf32, #tpu.memory_space<vmem>>
      tpu.enqueue_dma source(%dma_start3A_136 : memref<80x128xf32, #tpu.memory_space<vmem>>) target(%dma_start3A_132 : memref<80x128xf32, #tpu.memory_space<vmem_shared>>) target_semaphore(%arg10 : memref<!tpu.dma_semaphore, #tpu.memory_space<semaphore_mem>>)
      %mul3A_137 = arith.constant 640 : i32
      %mul3A_138 = arith.muli %arg1, %mul3A_137 : i32
      %add3A_139 = arith.constant 560 : i32
      %add3A_140 = arith.addi %mul3A_138, %add3A_139 : i32
      %dma_start3A_141 = arith.constant 0 : i32
      %dma_start3A_142 = arith.constant 0 : i32
      %dma_start3A_143 = arith.constant 0 : i32
      %dma_start3A_144 = tpu.memref_slice %arg6[%dma_start3A_141, %dma_start3A_142, %dma_start3A_143] : memref<3x80x128xf32, #tpu.memory_space<vmem>> -> memref<1x80x128xf32, #tpu.memory_space<vmem>>
      %dma_start3A_145 = tpu.memref_squeeze %dma_start3A_144 : memref<1x80x128xf32, #tpu.memory_space<vmem>> -> memref<80x128xf32, #tpu.memory_space<vmem>>
      %dma_start3A_146 = arith.constant 0 : i32
      %dma_start3A_147 = tpu.memref_slice %arg9[%add3A_140, %dma_start3A_146] : memref<10240x128xf32, #tpu.memory_space<vmem_shared>> -> memref<80x128xf32, #tpu.memory_space<vmem_shared>>
      %dma_start3A_148 = arith.constant 0 : i32
      %dma_start3A_149 = tpu.memref_slice %arg9[%add3A_140, %dma_start3A_148] : memref<10240x128xf32, #tpu.memory_space<vmem_shared>> -> memref<80x128xf32, #tpu.memory_space<vmem_shared>>
      %dma_start3A_150 = arith.constant 0 : i32
      %dma_start3A_151 = arith.constant 0 : i32
      %dma_start3A_152 = tpu.memref_slice %arg6[%dma_start3A_141, %dma_start3A_150, %dma_start3A_151] : memref<3x80x128xf32, #tpu.memory_space<vmem>> -> memref<1x80x128xf32, #tpu.memory_space<vmem>>
      %dma_start3A_153 = tpu.memref_squeeze %dma_start3A_152 : memref<1x80x128xf32, #tpu.memory_space<vmem>> -> memref<80x128xf32, #tpu.memory_space<vmem>>
      tpu.enqueue_dma source(%dma_start3A_153 : memref<80x128xf32, #tpu.memory_space<vmem>>) target(%dma_start3A_149 : memref<80x128xf32, #tpu.memory_space<vmem_shared>>) target_semaphore(%arg10 : memref<!tpu.dma_semaphore, #tpu.memory_space<semaphore_mem>>)
      %dma_wait3A = arith.constant 0 : i32
      %dma_wait3A_154 = arith.constant 0 : i32
      %dma_wait3A_155 = arith.constant 0 : i32
      %dma_wait3A_156 = tpu.memref_slice %arg6[%dma_wait3A, %dma_wait3A_154, %dma_wait3A_155] : memref<3x80x128xf32, #tpu.memory_space<vmem>> -> memref<1x80x128xf32, #tpu.memory_space<vmem>>
      %dma_wait3A_157 = tpu.memref_squeeze %dma_wait3A_156 : memref<1x80x128xf32, #tpu.memory_space<vmem>> -> memref<80x128xf32, #tpu.memory_space<vmem>>
      %dma_wait3A_158 = arith.constant 0 : i32
      %dma_wait3A_159 = tpu.memref_slice %arg9[%add3A_22, %dma_wait3A_158] : memref<10240x128xf32, #tpu.memory_space<vmem_shared>> -> memref<80x128xf32, #tpu.memory_space<vmem_shared>>
      %dma_wait3A_160 = arith.constant 0 : i32
      %dma_wait3A_161 = tpu.memref_slice %arg9[%add3A_22, %dma_wait3A_160] : memref<10240x128xf32, #tpu.memory_space<vmem_shared>> -> memref<80x128xf32, #tpu.memory_space<vmem_shared>>
      %dma_wait3A_162 = arith.constant 0 : i32
      %dma_wait3A_163 = arith.constant 0 : i32
      %dma_wait3A_164 = tpu.memref_slice %arg6[%dma_wait3A, %dma_wait3A_162, %dma_wait3A_163] : memref<3x80x128xf32, #tpu.memory_space<vmem>> -> memref<1x80x128xf32, #tpu.memory_space<vmem>>
      %dma_wait3A_165 = tpu.memref_squeeze %dma_wait3A_164 : memref<1x80x128xf32, #tpu.memory_space<vmem>> -> memref<80x128xf32, #tpu.memory_space<vmem>>
      tpu.wait_dma2 semaphore(%arg10 : memref<!tpu.dma_semaphore, #tpu.memory_space<semaphore_mem>>) src(%dma_wait3A_165 : memref<80x128xf32, #tpu.memory_space<vmem>>) dst(%dma_wait3A_161 : memref<80x128xf32, #tpu.memory_space<vmem_shared>>)
      %dma_wait3A_166 = arith.constant 0 : i32
      %dma_wait3A_167 = arith.constant 0 : i32
      %dma_wait3A_168 = arith.constant 0 : i32
      %dma_wait3A_169 = tpu.memref_slice %arg6[%dma_wait3A_166, %dma_wait3A_167, %dma_wait3A_168] : memref<3x80x128xf32, #tpu.memory_space<vmem>> -> memref<1x80x128xf32, #tpu.memory_space<vmem>>
      %dma_wait3A_170 = tpu.memref_squeeze %dma_wait3A_169 : memref<1x80x128xf32, #tpu.memory_space<vmem>> -> memref<80x128xf32, #tpu.memory_space<vmem>>
      %dma_wait3A_171 = arith.constant 0 : i32
      %dma_wait3A_172 = tpu.memref_slice %arg9[%add3A_38, %dma_wait3A_171] : memref<10240x128xf32, #tpu.memory_space<vmem_shared>> -> memref<80x128xf32, #tpu.memory_space<vmem_shared>>
      %dma_wait3A_173 = arith.constant 0 : i32
      %dma_wait3A_174 = tpu.memref_slice %arg9[%add3A_38, %dma_wait3A_173] : memref<10240x128xf32, #tpu.memory_space<vmem_shared>> -> memref<80x128xf32, #tpu.memory_space<vmem_shared>>
      %dma_wait3A_175 = arith.constant 0 : i32
      %dma_wait3A_176 = arith.constant 0 : i32
      %dma_wait3A_177 = tpu.memref_slice %arg6[%dma_wait3A_166, %dma_wait3A_175, %dma_wait3A_176] : memref<3x80x128xf32, #tpu.memory_space<vmem>> -> memref<1x80x128xf32, #tpu.memory_space<vmem>>
      %dma_wait3A_178 = tpu.memref_squeeze %dma_wait3A_177 : memref<1x80x128xf32, #tpu.memory_space<vmem>> -> memref<80x128xf32, #tpu.memory_space<vmem>>
      tpu.wait_dma2 semaphore(%arg10 : memref<!tpu.dma_semaphore, #tpu.memory_space<semaphore_mem>>) src(%dma_wait3A_178 : memref<80x128xf32, #tpu.memory_space<vmem>>) dst(%dma_wait3A_174 : memref<80x128xf32, #tpu.memory_space<vmem_shared>>)
      %dma_wait3A_179 = arith.constant 0 : i32
      %dma_wait3A_180 = arith.constant 0 : i32
      %dma_wait3A_181 = arith.constant 0 : i32
      %dma_wait3A_182 = tpu.memref_slice %arg6[%dma_wait3A_179, %dma_wait3A_180, %dma_wait3A_181] : memref<3x80x128xf32, #tpu.memory_space<vmem>> -> memref<1x80x128xf32, #tpu.memory_space<vmem>>
      %dma_wait3A_183 = tpu.memref_squeeze %dma_wait3A_182 : memref<1x80x128xf32, #tpu.memory_space<vmem>> -> memref<80x128xf32, #tpu.memory_space<vmem>>
      %dma_wait3A_184 = arith.constant 0 : i32
      %dma_wait3A_185 = tpu.memref_slice %arg9[%add3A_55, %dma_wait3A_184] : memref<10240x128xf32, #tpu.memory_space<vmem_shared>> -> memref<80x128xf32, #tpu.memory_space<vmem_shared>>
      %dma_wait3A_186 = arith.constant 0 : i32
      %dma_wait3A_187 = tpu.memref_slice %arg9[%add3A_55, %dma_wait3A_186] : memref<10240x128xf32, #tpu.memory_space<vmem_shared>> -> memref<80x128xf32, #tpu.memory_space<vmem_shared>>
      %dma_wait3A_188 = arith.constant 0 : i32
      %dma_wait3A_189 = arith.constant 0 : i32
      %dma_wait3A_190 = tpu.memref_slice %arg6[%dma_wait3A_179, %dma_wait3A_188, %dma_wait3A_189] : memref<3x80x128xf32, #tpu.memory_space<vmem>> -> memref<1x80x128xf32, #tpu.memory_space<vmem>>
      %dma_wait3A_191 = tpu.memref_squeeze %dma_wait3A_190 : memref<1x80x128xf32, #tpu.memory_space<vmem>> -> memref<80x128xf32, #tpu.memory_space<vmem>>
      tpu.wait_dma2 semaphore(%arg10 : memref<!tpu.dma_semaphore, #tpu.memory_space<semaphore_mem>>) src(%dma_wait3A_191 : memref<80x128xf32, #tpu.memory_space<vmem>>) dst(%dma_wait3A_187 : memref<80x128xf32, #tpu.memory_space<vmem_shared>>)
      %dma_wait3A_192 = arith.constant 0 : i32
      %dma_wait3A_193 = arith.constant 0 : i32
      %dma_wait3A_194 = arith.constant 0 : i32
      %dma_wait3A_195 = tpu.memref_slice %arg6[%dma_wait3A_192, %dma_wait3A_193, %dma_wait3A_194] : memref<3x80x128xf32, #tpu.memory_space<vmem>> -> memref<1x80x128xf32, #tpu.memory_space<vmem>>
      %dma_wait3A_196 = tpu.memref_squeeze %dma_wait3A_195 : memref<1x80x128xf32, #tpu.memory_space<vmem>> -> memref<80x128xf32, #tpu.memory_space<vmem>>
      %dma_wait3A_197 = arith.constant 0 : i32
      %dma_wait3A_198 = tpu.memref_slice %arg9[%add3A_72, %dma_wait3A_197] : memref<10240x128xf32, #tpu.memory_space<vmem_shared>> -> memref<80x128xf32, #tpu.memory_space<vmem_shared>>
      %dma_wait3A_199 = arith.constant 0 : i32
      %dma_wait3A_200 = tpu.memref_slice %arg9[%add3A_72, %dma_wait3A_199] : memref<10240x128xf32, #tpu.memory_space<vmem_shared>> -> memref<80x128xf32, #tpu.memory_space<vmem_shared>>
      %dma_wait3A_201 = arith.constant 0 : i32
      %dma_wait3A_202 = arith.constant 0 : i32
      %dma_wait3A_203 = tpu.memref_slice %arg6[%dma_wait3A_192, %dma_wait3A_201, %dma_wait3A_202] : memref<3x80x128xf32, #tpu.memory_space<vmem>> -> memref<1x80x128xf32, #tpu.memory_space<vmem>>
      %dma_wait3A_204 = tpu.memref_squeeze %dma_wait3A_203 : memref<1x80x128xf32, #tpu.memory_space<vmem>> -> memref<80x128xf32, #tpu.memory_space<vmem>>
      tpu.wait_dma2 semaphore(%arg10 : memref<!tpu.dma_semaphore, #tpu.memory_space<semaphore_mem>>) src(%dma_wait3A_204 : memref<80x128xf32, #tpu.memory_space<vmem>>) dst(%dma_wait3A_200 : memref<80x128xf32, #tpu.memory_space<vmem_shared>>)
      %dma_wait3A_205 = arith.constant 0 : i32
      %dma_wait3A_206 = arith.constant 0 : i32
      %dma_wait3A_207 = arith.constant 0 : i32
      %dma_wait3A_208 = tpu.memref_slice %arg6[%dma_wait3A_205, %dma_wait3A_206, %dma_wait3A_207] : memref<3x80x128xf32, #tpu.memory_space<vmem>> -> memref<1x80x128xf32, #tpu.memory_space<vmem>>
      %dma_wait3A_209 = tpu.memref_squeeze %dma_wait3A_208 : memref<1x80x128xf32, #tpu.memory_space<vmem>> -> memref<80x128xf32, #tpu.memory_space<vmem>>
      %dma_wait3A_210 = arith.constant 0 : i32
      %dma_wait3A_211 = tpu.memref_slice %arg9[%add3A_89, %dma_wait3A_210] : memref<10240x128xf32, #tpu.memory_space<vmem_shared>> -> memref<80x128xf32, #tpu.memory_space<vmem_shared>>
      %dma_wait3A_212 = arith.constant 0 : i32
      %dma_wait3A_213 = tpu.memref_slice %arg9[%add3A_89, %dma_wait3A_212] : memref<10240x128xf32, #tpu.memory_space<vmem_shared>> -> memref<80x128xf32, #tpu.memory_space<vmem_shared>>
      %dma_wait3A_214 = arith.constant 0 : i32
      %dma_wait3A_215 = arith.constant 0 : i32
      %dma_wait3A_216 = tpu.memref_slice %arg6[%dma_wait3A_205, %dma_wait3A_214, %dma_wait3A_215] : memref<3x80x128xf32, #tpu.memory_space<vmem>> -> memref<1x80x128xf32, #tpu.memory_space<vmem>>
      %dma_wait3A_217 = tpu.memref_squeeze %dma_wait3A_216 : memref<1x80x128xf32, #tpu.memory_space<vmem>> -> memref<80x128xf32, #tpu.memory_space<vmem>>
      tpu.wait_dma2 semaphore(%arg10 : memref<!tpu.dma_semaphore, #tpu.memory_space<semaphore_mem>>) src(%dma_wait3A_217 : memref<80x128xf32, #tpu.memory_space<vmem>>) dst(%dma_wait3A_213 : memref<80x128xf32, #tpu.memory_space<vmem_shared>>)
      %dma_wait3A_218 = arith.constant 0 : i32
      %dma_wait3A_219 = arith.constant 0 : i32
      %dma_wait3A_220 = arith.constant 0 : i32
      %dma_wait3A_221 = tpu.memref_slice %arg6[%dma_wait3A_218, %dma_wait3A_219, %dma_wait3A_220] : memref<3x80x128xf32, #tpu.memory_space<vmem>> -> memref<1x80x128xf32, #tpu.memory_space<vmem>>
      %dma_wait3A_222 = tpu.memref_squeeze %dma_wait3A_221 : memref<1x80x128xf32, #tpu.memory_space<vmem>> -> memref<80x128xf32, #tpu.memory_space<vmem>>
      %dma_wait3A_223 = arith.constant 0 : i32
      %dma_wait3A_224 = tpu.memref_slice %arg9[%add3A_106, %dma_wait3A_223] : memref<10240x128xf32, #tpu.memory_space<vmem_shared>> -> memref<80x128xf32, #tpu.memory_space<vmem_shared>>
      %dma_wait3A_225 = arith.constant 0 : i32
      %dma_wait3A_226 = tpu.memref_slice %arg9[%add3A_106, %dma_wait3A_225] : memref<10240x128xf32, #tpu.memory_space<vmem_shared>> -> memref<80x128xf32, #tpu.memory_space<vmem_shared>>
      %dma_wait3A_227 = arith.constant 0 : i32
      %dma_wait3A_228 = arith.constant 0 : i32
      %dma_wait3A_229 = tpu.memref_slice %arg6[%dma_wait3A_218, %dma_wait3A_227, %dma_wait3A_228] : memref<3x80x128xf32, #tpu.memory_space<vmem>> -> memref<1x80x128xf32, #tpu.memory_space<vmem>>
      %dma_wait3A_230 = tpu.memref_squeeze %dma_wait3A_229 : memref<1x80x128xf32, #tpu.memory_space<vmem>> -> memref<80x128xf32, #tpu.memory_space<vmem>>
      tpu.wait_dma2 semaphore(%arg10 : memref<!tpu.dma_semaphore, #tpu.memory_space<semaphore_mem>>) src(%dma_wait3A_230 : memref<80x128xf32, #tpu.memory_space<vmem>>) dst(%dma_wait3A_226 : memref<80x128xf32, #tpu.memory_space<vmem_shared>>)
      %dma_wait3A_231 = arith.constant 0 : i32
      %dma_wait3A_232 = arith.constant 0 : i32
      %dma_wait3A_233 = arith.constant 0 : i32
      %dma_wait3A_234 = tpu.memref_slice %arg6[%dma_wait3A_231, %dma_wait3A_232, %dma_wait3A_233] : memref<3x80x128xf32, #tpu.memory_space<vmem>> -> memref<1x80x128xf32, #tpu.memory_space<vmem>>
      %dma_wait3A_235 = tpu.memref_squeeze %dma_wait3A_234 : memref<1x80x128xf32, #tpu.memory_space<vmem>> -> memref<80x128xf32, #tpu.memory_space<vmem>>
      %dma_wait3A_236 = arith.constant 0 : i32
      %dma_wait3A_237 = tpu.memref_slice %arg9[%add3A_123, %dma_wait3A_236] : memref<10240x128xf32, #tpu.memory_space<vmem_shared>> -> memref<80x128xf32, #tpu.memory_space<vmem_shared>>
      %dma_wait3A_238 = arith.constant 0 : i32
      %dma_wait3A_239 = tpu.memref_slice %arg9[%add3A_123, %dma_wait3A_238] : memref<10240x128xf32, #tpu.memory_space<vmem_shared>> -> memref<80x128xf32, #tpu.memory_space<vmem_shared>>
      %dma_wait3A_240 = arith.constant 0 : i32
      %dma_wait3A_241 = arith.constant 0 : i32
      %dma_wait3A_242 = tpu.memref_slice %arg6[%dma_wait3A_231, %dma_wait3A_240, %dma_wait3A_241] : memref<3x80x128xf32, #tpu.memory_space<vmem>> -> memref<1x80x128xf32, #tpu.memory_space<vmem>>
      %dma_wait3A_243 = tpu.memref_squeeze %dma_wait3A_242 : memref<1x80x128xf32, #tpu.memory_space<vmem>> -> memref<80x128xf32, #tpu.memory_space<vmem>>
      tpu.wait_dma2 semaphore(%arg10 : memref<!tpu.dma_semaphore, #tpu.memory_space<semaphore_mem>>) src(%dma_wait3A_243 : memref<80x128xf32, #tpu.memory_space<vmem>>) dst(%dma_wait3A_239 : memref<80x128xf32, #tpu.memory_space<vmem_shared>>)
      %dma_wait3A_244 = arith.constant 0 : i32
      %dma_wait3A_245 = arith.constant 0 : i32
      %dma_wait3A_246 = arith.constant 0 : i32
      %dma_wait3A_247 = tpu.memref_slice %arg6[%dma_wait3A_244, %dma_wait3A_245, %dma_wait3A_246] : memref<3x80x128xf32, #tpu.memory_space<vmem>> -> memref<1x80x128xf32, #tpu.memory_space<vmem>>
      %dma_wait3A_248 = tpu.memref_squeeze %dma_wait3A_247 : memref<1x80x128xf32, #tpu.memory_space<vmem>> -> memref<80x128xf32, #tpu.memory_space<vmem>>
      %dma_wait3A_249 = arith.constant 0 : i32
      %dma_wait3A_250 = tpu.memref_slice %arg9[%add3A_140, %dma_wait3A_249] : memref<10240x128xf32, #tpu.memory_space<vmem_shared>> -> memref<80x128xf32, #tpu.memory_space<vmem_shared>>
      %dma_wait3A_251 = arith.constant 0 : i32
      %dma_wait3A_252 = tpu.memref_slice %arg9[%add3A_140, %dma_wait3A_251] : memref<10240x128xf32, #tpu.memory_space<vmem_shared>> -> memref<80x128xf32, #tpu.memory_space<vmem_shared>>
      %dma_wait3A_253 = arith.constant 0 : i32
      %dma_wait3A_254 = arith.constant 0 : i32
      %dma_wait3A_255 = tpu.memref_slice %arg6[%dma_wait3A_244, %dma_wait3A_253, %dma_wait3A_254] : memref<3x80x128xf32, #tpu.memory_space<vmem>> -> memref<1x80x128xf32, #tpu.memory_space<vmem>>
      %dma_wait3A_256 = tpu.memref_squeeze %dma_wait3A_255 : memref<1x80x128xf32, #tpu.memory_space<vmem>> -> memref<80x128xf32, #tpu.memory_space<vmem>>
      tpu.wait_dma2 semaphore(%arg10 : memref<!tpu.dma_semaphore, #tpu.memory_space<semaphore_mem>>) src(%dma_wait3A_256 : memref<80x128xf32, #tpu.memory_space<vmem>>) dst(%dma_wait3A_252 : memref<80x128xf32, #tpu.memory_space<vmem_shared>>)
      %barrier3A = arith.constant 0 : index
      tpu.barrier barrier_id(%barrier3A)
      %mul3A_257 = arith.constant 10000 : i32
      %mul3A_258 = arith.muli %arg1, %mul3A_257 : i32
      %add3A_259 = arith.constant 0 : i32
      %add3A_260 = arith.addi %mul3A_258, %add3A_259 : i32
      %rem3A_261 = arith.constant 0 : i32
      %rem3A_262 = arith.constant 3 : i32
      %rem3A_263 = arith.remsi %rem3A_261, %rem3A_262 : i32
      %mul3A_264 = arith.constant 160000 : i32
      %mul3A_265 = arith.muli %rem3A_8, %mul3A_264 : i32
      %add3A_266 = arith.addi %mul3A_265, %add3A_260 : i32
      %dma_start3A_267 = arith.constant 0 : i32
      %dma_start3A_268 = arith.constant 0 : i32
      %dma_start3A_269 = tpu.memref_slice %arg6[%rem3A_263, %dma_start3A_267, %dma_start3A_268] : memref<3x80x128xf32, #tpu.memory_space<vmem>> -> memref<1x80x128xf32, #tpu.memory_space<vmem>>
      %dma_start3A_270 = tpu.memref_squeeze %dma_start3A_269 : memref<1x80x128xf32, #tpu.memory_space<vmem>> -> memref<80x128xf32, #tpu.memory_space<vmem>>
      %dma_start3A_271 = arith.constant 0 : i32
      %dma_start3A_272 = tpu.memref_slice %arg2[%add3A_266, %dma_start3A_271] : memref<320000x128xf32, #tpu.memory_space<hbm>> -> memref<80x128xf32, #tpu.memory_space<hbm>>
      %dma_start3A_273 = arith.constant 0 : i32
      %dma_start3A_274 = arith.constant 0 : i32
      %dma_start3A_275 = tpu.memref_slice %arg6[%rem3A_263, %dma_start3A_273, %dma_start3A_274] : memref<3x80x128xf32, #tpu.memory_space<vmem>> -> memref<1x80x128xf32, #tpu.memory_space<vmem>>
      %dma_start3A_276 = tpu.memref_squeeze %dma_start3A_275 : memref<1x80x128xf32, #tpu.memory_space<vmem>> -> memref<80x128xf32, #tpu.memory_space<vmem>>
      %dma_start3A_277 = arith.constant 0 : i32
      %dma_start3A_278 = tpu.memref_slice %arg2[%add3A_266, %dma_start3A_277] : memref<320000x128xf32, #tpu.memory_space<hbm>> -> memref<80x128xf32, #tpu.memory_space<hbm>>
      tpu.enqueue_dma source(%dma_start3A_278 : memref<80x128xf32, #tpu.memory_space<hbm>>) target(%dma_start3A_276 : memref<80x128xf32, #tpu.memory_space<vmem>>) target_semaphore(%arg10 : memref<!tpu.dma_semaphore, #tpu.memory_space<semaphore_mem>>)
      %mul3A_279 = arith.constant 10000 : i32
      %mul3A_280 = arith.muli %arg1, %mul3A_279 : i32
      %add3A_281 = arith.constant 80 : i32
      %add3A_282 = arith.addi %mul3A_280, %add3A_281 : i32
      %rem3A_283 = arith.constant 1 : i32
      %rem3A_284 = arith.constant 3 : i32
      %rem3A_285 = arith.remsi %rem3A_283, %rem3A_284 : i32
      %mul3A_286 = arith.constant 160000 : i32
      %mul3A_287 = arith.muli %rem3A_8, %mul3A_286 : i32
      %add3A_288 = arith.addi %mul3A_287, %add3A_282 : i32
      %dma_start3A_289 = arith.constant 0 : i32
      %dma_start3A_290 = arith.constant 0 : i32
      %dma_start3A_291 = tpu.memref_slice %arg6[%rem3A_285, %dma_start3A_289, %dma_start3A_290] : memref<3x80x128xf32, #tpu.memory_space<vmem>> -> memref<1x80x128xf32, #tpu.memory_space<vmem>>
      %dma_start3A_292 = tpu.memref_squeeze %dma_start3A_291 : memref<1x80x128xf32, #tpu.memory_space<vmem>> -> memref<80x128xf32, #tpu.memory_space<vmem>>
      %dma_start3A_293 = arith.constant 0 : i32
      %dma_start3A_294 = tpu.memref_slice %arg2[%add3A_288, %dma_start3A_293] : memref<320000x128xf32, #tpu.memory_space<hbm>> -> memref<80x128xf32, #tpu.memory_space<hbm>>
      %dma_start3A_295 = arith.constant 0 : i32
      %dma_start3A_296 = arith.constant 0 : i32
      %dma_start3A_297 = tpu.memref_slice %arg6[%rem3A_285, %dma_start3A_295, %dma_start3A_296] : memref<3x80x128xf32, #tpu.memory_space<vmem>> -> memref<1x80x128xf32, #tpu.memory_space<vmem>>
      %dma_start3A_298 = tpu.memref_squeeze %dma_start3A_297 : memref<1x80x128xf32, #tpu.memory_space<vmem>> -> memref<80x128xf32, #tpu.memory_space<vmem>>
      %dma_start3A_299 = arith.constant 0 : i32
      %dma_start3A_300 = tpu.memref_slice %arg2[%add3A_288, %dma_start3A_299] : memref<320000x128xf32, #tpu.memory_space<hbm>> -> memref<80x128xf32, #tpu.memory_space<hbm>>
      tpu.enqueue_dma source(%dma_start3A_300 : memref<80x128xf32, #tpu.memory_space<hbm>>) target(%dma_start3A_298 : memref<80x128xf32, #tpu.memory_space<vmem>>) target_semaphore(%arg11 : memref<!tpu.dma_semaphore, #tpu.memory_space<semaphore_mem>>)
      %scan3A_301 = arith.constant 0 : i32
      %scan3A_302 = arith.constant 0 : i32
      %scan3A_303 = arith.constant 62 : i32
      %scan3A_304 = arith.addi %scan3A_302, %scan3A_303 : i32
      %scan3A_305 = arith.constant 1 : i32
      scf.for %scan3A_382 = %scan3A_302 to %scan3A_304 step %scan3A_305  : i32 {
        %mul3A_383 = arith.constant 2 : i32
        %mul3A_384 = arith.muli %mul3A_383, %scan3A_382 : i32
        %rem3A_385 = arith.constant 3 : i32
        %rem3A_386 = arith.remsi %mul3A_384, %rem3A_385 : i32
        %mul3A_387 = arith.constant 10000 : i32
        %mul3A_388 = arith.muli %arg1, %mul3A_387 : i32
        %mul3A_389 = arith.constant 80 : i32
        %mul3A_390 = arith.muli %mul3A_384, %mul3A_389 : i32
        %add3A_391 = arith.addi %mul3A_388, %mul3A_390 : i32
        %rem3A_392 = arith.constant 3 : i32
        %rem3A_393 = arith.remsi %mul3A_384, %rem3A_392 : i32
        %mul3A_394 = arith.constant 160000 : i32
        %mul3A_395 = arith.muli %rem3A_8, %mul3A_394 : i32
        %add3A_396 = arith.addi %mul3A_395, %add3A_391 : i32
        %dma_wait3A_397 = arith.constant 0 : i32
        %dma_wait3A_398 = arith.constant 0 : i32
        %dma_wait3A_399 = tpu.memref_slice %arg6[%rem3A_393, %dma_wait3A_397, %dma_wait3A_398] : memref<3x80x128xf32, #tpu.memory_space<vmem>> -> memref<1x80x128xf32, #tpu.memory_space<vmem>>
        %dma_wait3A_400 = tpu.memref_squeeze %dma_wait3A_399 : memref<1x80x128xf32, #tpu.memory_space<vmem>> -> memref<80x128xf32, #tpu.memory_space<vmem>>
        %dma_wait3A_401 = arith.constant 0 : i32
        %dma_wait3A_402 = tpu.memref_slice %arg2[%add3A_396, %dma_wait3A_401] : memref<320000x128xf32, #tpu.memory_space<hbm>> -> memref<80x128xf32, #tpu.memory_space<hbm>>
        %dma_wait3A_403 = arith.constant 0 : i32
        %dma_wait3A_404 = arith.constant 0 : i32
        %dma_wait3A_405 = tpu.memref_slice %arg6[%rem3A_393, %dma_wait3A_403, %dma_wait3A_404] : memref<3x80x128xf32, #tpu.memory_space<vmem>> -> memref<1x80x128xf32, #tpu.memory_space<vmem>>
        %dma_wait3A_406 = tpu.memref_squeeze %dma_wait3A_405 : memref<1x80x128xf32, #tpu.memory_space<vmem>> -> memref<80x128xf32, #tpu.memory_space<vmem>>
        %dma_wait3A_407 = arith.constant 0 : i32
        %dma_wait3A_408 = tpu.memref_slice %arg2[%add3A_396, %dma_wait3A_407] : memref<320000x128xf32, #tpu.memory_space<hbm>> -> memref<80x128xf32, #tpu.memory_space<hbm>>
        tpu.wait_dma2 semaphore(%arg10 : memref<!tpu.dma_semaphore, #tpu.memory_space<semaphore_mem>>) src(%dma_wait3A_408 : memref<80x128xf32, #tpu.memory_space<hbm>>) dst(%dma_wait3A_406 : memref<80x128xf32, #tpu.memory_space<vmem>>)
        %parallel_loop3A_409 = arith.constant 0 : i32
        %parallel_loop3A_410 = arith.constant 80 : i32
        %parallel_loop3A_411 = arith.constant 1 : i32
        scf.for %parallel_loop3A_491 = %parallel_loop3A_409 to %parallel_loop3A_410 step %parallel_loop3A_411  : i32 {
          %parallel_loop3A_492 = arith.index_cast %rem3A_386 : i32 to index
          %parallel_loop3A_493 = arith.index_cast %parallel_loop3A_491 : i32 to index
          %parallel_loop3A_494 = arith.constant 0 : index
          %parallel_loop3A_495 = tpu.vector_load %arg6[%parallel_loop3A_492, %parallel_loop3A_493, %parallel_loop3A_494] {strides = array<i32>} : memref<3x80x128xf32, #tpu.memory_space<vmem>>, vector<1x1x16xf32>,
          %parallel_loop3A_496 = vector.shape_cast %parallel_loop3A_495 : vector<1x1x16xf32> to vector<16xf32>
          %parallel_loop3A_497 = arith.mulf %get3A_12, %parallel_loop3A_496 : vector<16xf32>
          %parallel_loop3A_498 = math.exp %parallel_loop3A_497 : vector<16xf32>
          %parallel_loop3A_499 = arith.index_cast %rem3A_386 : i32 to index
          %parallel_loop3A_500 = arith.index_cast %parallel_loop3A_491 : i32 to index
          %parallel_loop3A_501 = arith.constant 0 : index
          %parallel_loop3A_502 = tpu.vector_load %arg6[%parallel_loop3A_499, %parallel_loop3A_500, %parallel_loop3A_501] {strides = array<i32>} : memref<3x80x128xf32, #tpu.memory_space<vmem>>, vector<1x1x16xf32>,
          %parallel_loop3A_503 = vector.shape_cast %parallel_loop3A_502 : vector<1x1x16xf32> to vector<16xf32>
          %parallel_loop3A_504 = vector.shape_cast %parallel_loop3A_498 : vector<16xf32> to vector<1x1x16xf32>
          tpu.vector_store %arg6[%parallel_loop3A_499, %parallel_loop3A_500, %parallel_loop3A_501], %parallel_loop3A_504 {strides = array<i32>} : memref<3x80x128xf32, #tpu.memory_space<vmem>>, vector<1x1x16xf32>,
          %parallel_loop3A_505 = arith.index_cast %rem3A_386 : i32 to index
          %parallel_loop3A_506 = arith.index_cast %parallel_loop3A_491 : i32 to index
          %parallel_loop3A_507 = arith.constant 16 : index
          %parallel_loop3A_508 = tpu.vector_load %arg6[%parallel_loop3A_505, %parallel_loop3A_506, %parallel_loop3A_507] {strides = array<i32>} : memref<3x80x128xf32, #tpu.memory_space<vmem>>, vector<1x1x16xf32>,
          %parallel_loop3A_509 = vector.shape_cast %parallel_loop3A_508 : vector<1x1x16xf32> to vector<16xf32>
          %parallel_loop3A_510 = arith.mulf %get3A_12, %parallel_loop3A_509 : vector<16xf32>
          %parallel_loop3A_511 = math.exp %parallel_loop3A_510 : vector<16xf32>
          %parallel_loop3A_512 = arith.index_cast %rem3A_386 : i32 to index
          %parallel_loop3A_513 = arith.index_cast %parallel_loop3A_491 : i32 to index
          %parallel_loop3A_514 = arith.constant 16 : index
          %parallel_loop3A_515 = tpu.vector_load %arg6[%parallel_loop3A_512, %parallel_loop3A_513, %parallel_loop3A_514] {strides = array<i32>} : memref<3x80x128xf32, #tpu.memory_space<vmem>>, vector<1x1x16xf32>,
          %parallel_loop3A_516 = vector.shape_cast %parallel_loop3A_515 : vector<1x1x16xf32> to vector<16xf32>
          %parallel_loop3A_517 = vector.shape_cast %parallel_loop3A_511 : vector<16xf32> to vector<1x1x16xf32>
          tpu.vector_store %arg6[%parallel_loop3A_512, %parallel_loop3A_513, %parallel_loop3A_514], %parallel_loop3A_517 {strides = array<i32>} : memref<3x80x128xf32, #tpu.memory_space<vmem>>, vector<1x1x16xf32>,
          %parallel_loop3A_518 = arith.index_cast %rem3A_386 : i32 to index
          %parallel_loop3A_519 = arith.index_cast %parallel_loop3A_491 : i32 to index
          %parallel_loop3A_520 = arith.constant 32 : index
          %parallel_loop3A_521 = tpu.vector_load %arg6[%parallel_loop3A_518, %parallel_loop3A_519, %parallel_loop3A_520] {strides = array<i32>} : memref<3x80x128xf32, #tpu.memory_space<vmem>>, vector<1x1x16xf32>,
          %parallel_loop3A_522 = vector.shape_cast %parallel_loop3A_521 : vector<1x1x16xf32> to vector<16xf32>
          %parallel_loop3A_523 = arith.mulf %get3A_12, %parallel_loop3A_522 : vector<16xf32>
          %parallel_loop3A_524 = math.exp %parallel_loop3A_523 : vector<16xf32>
          %parallel_loop3A_525 = arith.index_cast %rem3A_386 : i32 to index
          %parallel_loop3A_526 = arith.index_cast %parallel_loop3A_491 : i32 to index
          %parallel_loop3A_527 = arith.constant 32 : index
          %parallel_loop3A_528 = tpu.vector_load %arg6[%parallel_loop3A_525, %parallel_loop3A_526, %parallel_loop3A_527] {strides = array<i32>} : memref<3x80x128xf32, #tpu.memory_space<vmem>>, vector<1x1x16xf32>,
          %parallel_loop3A_529 = vector.shape_cast %parallel_loop3A_528 : vector<1x1x16xf32> to vector<16xf32>
          %parallel_loop3A_530 = vector.shape_cast %parallel_loop3A_524 : vector<16xf32> to vector<1x1x16xf32>
          tpu.vector_store %arg6[%parallel_loop3A_525, %parallel_loop3A_526, %parallel_loop3A_527], %parallel_loop3A_530 {strides = array<i32>} : memref<3x80x128xf32, #tpu.memory_space<vmem>>, vector<1x1x16xf32>,
          %parallel_loop3A_531 = arith.index_cast %rem3A_386 : i32 to index
          %parallel_loop3A_532 = arith.index_cast %parallel_loop3A_491 : i32 to index
          %parallel_loop3A_533 = arith.constant 48 : index
          %parallel_loop3A_534 = tpu.vector_load %arg6[%parallel_loop3A_531, %parallel_loop3A_532, %parallel_loop3A_533] {strides = array<i32>} : memref<3x80x128xf32, #tpu.memory_space<vmem>>, vector<1x1x16xf32>,
          %parallel_loop3A_535 = vector.shape_cast %parallel_loop3A_534 : vector<1x1x16xf32> to vector<16xf32>
          %parallel_loop3A_536 = arith.mulf %get3A_12, %parallel_loop3A_535 : vector<16xf32>
          %parallel_loop3A_537 = math.exp %parallel_loop3A_536 : vector<16xf32>
          %parallel_loop3A_538 = arith.index_cast %rem3A_386 : i32 to index
          %parallel_loop3A_539 = arith.index_cast %parallel_loop3A_491 : i32 to index
          %parallel_loop3A_540 = arith.constant 48 : index
          %parallel_loop3A_541 = tpu.vector_load %arg6[%parallel_loop3A_538, %parallel_loop3A_539, %parallel_loop3A_540] {strides = array<i32>} : memref<3x80x128xf32, #tpu.memory_space<vmem>>, vector<1x1x16xf32>,
          %parallel_loop3A_542 = vector.shape_cast %parallel_loop3A_541 : vector<1x1x16xf32> to vector<16xf32>
          %parallel_loop3A_543 = vector.shape_cast %parallel_loop3A_537 : vector<16xf32> to vector<1x1x16xf32>
          tpu.vector_store %arg6[%parallel_loop3A_538, %parallel_loop3A_539, %parallel_loop3A_540], %parallel_loop3A_543 {strides = array<i32>} : memref<3x80x128xf32, #tpu.memory_space<vmem>>, vector<1x1x16xf32>,
          %parallel_loop3A_544 = arith.index_cast %rem3A_386 : i32 to index
          %parallel_loop3A_545 = arith.index_cast %parallel_loop3A_491 : i32 to index
          %parallel_loop3A_546 = arith.constant 64 : index
          %parallel_loop3A_547 = tpu.vector_load %arg6[%parallel_loop3A_544, %parallel_loop3A_545, %parallel_loop3A_546] {strides = array<i32>} : memref<3x80x128xf32, #tpu.memory_space<vmem>>, vector<1x1x16xf32>,
          %parallel_loop3A_548 = vector.shape_cast %parallel_loop3A_547 : vector<1x1x16xf32> to vector<16xf32>
          %parallel_loop3A_549 = arith.mulf %get3A_12, %parallel_loop3A_548 : vector<16xf32>
          %parallel_loop3A_550 = math.exp %parallel_loop3A_549 : vector<16xf32>
          %parallel_loop3A_551 = arith.index_cast %rem3A_386 : i32 to index
          %parallel_loop3A_552 = arith.index_cast %parallel_loop3A_491 : i32 to index
          %parallel_loop3A_553 = arith.constant 64 : index
          %parallel_loop3A_554 = tpu.vector_load %arg6[%parallel_loop3A_551, %parallel_loop3A_552, %parallel_loop3A_553] {strides = array<i32>} : memref<3x80x128xf32, #tpu.memory_space<vmem>>, vector<1x1x16xf32>,
          %parallel_loop3A_555 = vector.shape_cast %parallel_loop3A_554 : vector<1x1x16xf32> to vector<16xf32>
          %parallel_loop3A_556 = vector.shape_cast %parallel_loop3A_550 : vector<16xf32> to vector<1x1x16xf32>
          tpu.vector_store %arg6[%parallel_loop3A_551, %parallel_loop3A_552, %parallel_loop3A_553], %parallel_loop3A_556 {strides = array<i32>} : memref<3x80x128xf32, #tpu.memory_space<vmem>>, vector<1x1x16xf32>,
          %parallel_loop3A_557 = arith.index_cast %rem3A_386 : i32 to index
          %parallel_loop3A_558 = arith.index_cast %parallel_loop3A_491 : i32 to index
          %parallel_loop3A_559 = arith.constant 80 : index
          %parallel_loop3A_560 = tpu.vector_load %arg6[%parallel_loop3A_557, %parallel_loop3A_558, %parallel_loop3A_559] {strides = array<i32>} : memref<3x80x128xf32, #tpu.memory_space<vmem>>, vector<1x1x16xf32>,
          %parallel_loop3A_561 = vector.shape_cast %parallel_loop3A_560 : vector<1x1x16xf32> to vector<16xf32>
          %parallel_loop3A_562 = arith.mulf %get3A_12, %parallel_loop3A_561 : vector<16xf32>
          %parallel_loop3A_563 = math.exp %parallel_loop3A_562 : vector<16xf32>
          %parallel_loop3A_564 = arith.index_cast %rem3A_386 : i32 to index
          %parallel_loop3A_565 = arith.index_cast %parallel_loop3A_491 : i32 to index
          %parallel_loop3A_566 = arith.constant 80 : index
          %parallel_loop3A_567 = tpu.vector_load %arg6[%parallel_loop3A_564, %parallel_loop3A_565, %parallel_loop3A_566] {strides = array<i32>} : memref<3x80x128xf32, #tpu.memory_space<vmem>>, vector<1x1x16xf32>,
          %parallel_loop3A_568 = vector.shape_cast %parallel_loop3A_567 : vector<1x1x16xf32> to vector<16xf32>
          %parallel_loop3A_569 = vector.shape_cast %parallel_loop3A_563 : vector<16xf32> to vector<1x1x16xf32>
          tpu.vector_store %arg6[%parallel_loop3A_564, %parallel_loop3A_565, %parallel_loop3A_566], %parallel_loop3A_569 {strides = array<i32>} : memref<3x80x128xf32, #tpu.memory_space<vmem>>, vector<1x1x16xf32>,
          %parallel_loop3A_570 = arith.index_cast %rem3A_386 : i32 to index
          %parallel_loop3A_571 = arith.index_cast %parallel_loop3A_491 : i32 to index
          %parallel_loop3A_572 = arith.constant 96 : index
          %parallel_loop3A_573 = tpu.vector_load %arg6[%parallel_loop3A_570, %parallel_loop3A_571, %parallel_loop3A_572] {strides = array<i32>} : memref<3x80x128xf32, #tpu.memory_space<vmem>>, vector<1x1x16xf32>,
          %parallel_loop3A_574 = vector.shape_cast %parallel_loop3A_573 : vector<1x1x16xf32> to vector<16xf32>
          %parallel_loop3A_575 = arith.mulf %get3A_12, %parallel_loop3A_574 : vector<16xf32>
          %parallel_loop3A_576 = math.exp %parallel_loop3A_575 : vector<16xf32>
          %parallel_loop3A_577 = arith.index_cast %rem3A_386 : i32 to index
          %parallel_loop3A_578 = arith.index_cast %parallel_loop3A_491 : i32 to index
          %parallel_loop3A_579 = arith.constant 96 : index
          %parallel_loop3A_580 = tpu.vector_load %arg6[%parallel_loop3A_577, %parallel_loop3A_578, %parallel_loop3A_579] {strides = array<i32>} : memref<3x80x128xf32, #tpu.memory_space<vmem>>, vector<1x1x16xf32>,
          %parallel_loop3A_581 = vector.shape_cast %parallel_loop3A_580 : vector<1x1x16xf32> to vector<16xf32>
          %parallel_loop3A_582 = vector.shape_cast %parallel_loop3A_576 : vector<16xf32> to vector<1x1x16xf32>
          tpu.vector_store %arg6[%parallel_loop3A_577, %parallel_loop3A_578, %parallel_loop3A_579], %parallel_loop3A_582 {strides = array<i32>} : memref<3x80x128xf32, #tpu.memory_space<vmem>>, vector<1x1x16xf32>,
          %parallel_loop3A_583 = arith.index_cast %rem3A_386 : i32 to index
          %parallel_loop3A_584 = arith.index_cast %parallel_loop3A_491 : i32 to index
          %parallel_loop3A_585 = arith.constant 112 : index
          %parallel_loop3A_586 = tpu.vector_load %arg6[%parallel_loop3A_583, %parallel_loop3A_584, %parallel_loop3A_585] {strides = array<i32>} : memref<3x80x128xf32, #tpu.memory_space<vmem>>, vector<1x1x16xf32>,
          %parallel_loop3A_587 = vector.shape_cast %parallel_loop3A_586 : vector<1x1x16xf32> to vector<16xf32>
          %parallel_loop3A_588 = arith.mulf %get3A_12, %parallel_loop3A_587 : vector<16xf32>
          %parallel_loop3A_589 = math.exp %parallel_loop3A_588 : vector<16xf32>
          %parallel_loop3A_590 = arith.index_cast %rem3A_386 : i32 to index
          %parallel_loop3A_591 = arith.index_cast %parallel_loop3A_491 : i32 to index
          %parallel_loop3A_592 = arith.constant 112 : index
          %parallel_loop3A_593 = tpu.vector_load %arg6[%parallel_loop3A_590, %parallel_loop3A_591, %parallel_loop3A_592] {strides = array<i32>} : memref<3x80x128xf32, #tpu.memory_space<vmem>>, vector<1x1x16xf32>,
          %parallel_loop3A_594 = vector.shape_cast %parallel_loop3A_593 : vector<1x1x16xf32> to vector<16xf32>
          %parallel_loop3A_595 = vector.shape_cast %parallel_loop3A_589 : vector<16xf32> to vector<1x1x16xf32>
          tpu.vector_store %arg6[%parallel_loop3A_590, %parallel_loop3A_591, %parallel_loop3A_592], %parallel_loop3A_595 {strides = array<i32>} : memref<3x80x128xf32, #tpu.memory_space<vmem>>, vector<1x1x16xf32>,
        } {sc.loop_unroll_factor = 4 : i64, sc.parallel_access}
        %gt3A = arith.constant 0 : i32
        %gt3A_412 = arith.cmpi sgt, %mul3A_384, %gt3A : i32
        %convert_element_type3A = arith.extui %gt3A_412 : i1 to i32
        %cond3A = arith.constant 0 : i32
        %cond3A_413 = arith.cmpi ne, %convert_element_type3A, %cond3A : i32
        scf.if %cond3A_413 {
          %sub3A_491 = arith.constant 1 : i32
          %sub3A_492 = arith.subi %mul3A_384, %sub3A_491 : i32
          %rem3A_493 = arith.constant 3 : i32
          %rem3A_494 = arith.remsi %sub3A_492, %rem3A_493 : i32
          %dma_wait3A_495 = arith.constant 0 : i32
          %dma_wait3A_496 = arith.constant 0 : i32
          %dma_wait3A_497 = tpu.memref_slice %arg6[%rem3A_494, %dma_wait3A_495, %dma_wait3A_496] : memref<3x80x128xf32, #tpu.memory_space<vmem>> -> memref<1x80x128xf32, #tpu.memory_space<vmem>>
          %dma_wait3A_498 = tpu.memref_squeeze %dma_wait3A_497 : memref<1x80x128xf32, #tpu.memory_space<vmem>> -> memref<80x128xf32, #tpu.memory_space<vmem>>
          %dma_wait3A_499 = arith.constant 0 : i32
          %dma_wait3A_500 = tpu.memref_slice %arg7[%sub3A_492, %dma_wait3A_499] : memref<125x80xi32, #tpu.memory_space<vmem>> -> memref<1x80xi32, #tpu.memory_space<vmem>>
          %dma_wait3A_501 = tpu.memref_squeeze %dma_wait3A_500 : memref<1x80xi32, #tpu.memory_space<vmem>> -> memref<80xi32, #tpu.memory_space<vmem>>
          %dma_wait3A_502 = arith.constant 0 : i32
          %dma_wait3A_503 = arith.constant 0 : i32
          %dma_wait3A_504 = tpu.memref_slice %arg9[%dma_wait3A_502, %dma_wait3A_503] : memref<10240x128xf32, #tpu.memory_space<vmem_shared>> -> memref<10240x128xf32, #tpu.memory_space<vmem_shared>>
          tpu.wait_indirect_dma semaphore(%arg12 : memref<!tpu.dma_semaphore, #tpu.memory_space<semaphore_mem>>) src(%dma_wait3A_498 : memref<80x128xf32, #tpu.memory_space<vmem>>) dst(%dma_wait3A_504 : memref<10240x128xf32, #tpu.memory_space<vmem_shared>>)
        } else {
        }
        %add3A_414 = arith.constant 2 : i32
        %add3A_415 = arith.addi %mul3A_384, %add3A_414 : i32
        %lt3A = arith.constant 125 : i32
        %lt3A_416 = arith.cmpi slt, %add3A_415, %lt3A : i32
        %convert_element_type3A_417 = arith.extui %lt3A_416 : i1 to i32
        %cond3A_418 = arith.constant 0 : i32
        %cond3A_419 = arith.cmpi ne, %convert_element_type3A_417, %cond3A_418 : i32
        scf.if %cond3A_419 {
          %add3A_491 = arith.constant 2 : i32
          %add3A_492 = arith.addi %mul3A_384, %add3A_491 : i32
          %mul3A_493 = arith.constant 10000 : i32
          %mul3A_494 = arith.muli %arg1, %mul3A_493 : i32
          %mul3A_495 = arith.constant 80 : i32
          %mul3A_496 = arith.muli %add3A_492, %mul3A_495 : i32
          %add3A_497 = arith.addi %mul3A_494, %mul3A_496 : i32
          %rem3A_498 = arith.constant 3 : i32
          %rem3A_499 = arith.remsi %add3A_492, %rem3A_498 : i32
          %mul3A_500 = arith.constant 160000 : i32
          %mul3A_501 = arith.muli %rem3A_8, %mul3A_500 : i32
          %add3A_502 = arith.addi %mul3A_501, %add3A_497 : i32
          %dma_start3A_503 = arith.constant 0 : i32
          %dma_start3A_504 = arith.constant 0 : i32
          %dma_start3A_505 = tpu.memref_slice %arg6[%rem3A_499, %dma_start3A_503, %dma_start3A_504] : memref<3x80x128xf32, #tpu.memory_space<vmem>> -> memref<1x80x128xf32, #tpu.memory_space<vmem>>
          %dma_start3A_506 = tpu.memref_squeeze %dma_start3A_505 : memref<1x80x128xf32, #tpu.memory_space<vmem>> -> memref<80x128xf32, #tpu.memory_space<vmem>>
          %dma_start3A_507 = arith.constant 0 : i32
          %dma_start3A_508 = tpu.memref_slice %arg2[%add3A_502, %dma_start3A_507] : memref<320000x128xf32, #tpu.memory_space<hbm>> -> memref<80x128xf32, #tpu.memory_space<hbm>>
          %dma_start3A_509 = arith.constant 0 : i32
          %dma_start3A_510 = arith.constant 0 : i32
          %dma_start3A_511 = tpu.memref_slice %arg6[%rem3A_499, %dma_start3A_509, %dma_start3A_510] : memref<3x80x128xf32, #tpu.memory_space<vmem>> -> memref<1x80x128xf32, #tpu.memory_space<vmem>>
          %dma_start3A_512 = tpu.memref_squeeze %dma_start3A_511 : memref<1x80x128xf32, #tpu.memory_space<vmem>> -> memref<80x128xf32, #tpu.memory_space<vmem>>
          %dma_start3A_513 = arith.constant 0 : i32
          %dma_start3A_514 = tpu.memref_slice %arg2[%add3A_502, %dma_start3A_513] : memref<320000x128xf32, #tpu.memory_space<hbm>> -> memref<80x128xf32, #tpu.memory_space<hbm>>
          tpu.enqueue_dma source(%dma_start3A_514 : memref<80x128xf32, #tpu.memory_space<hbm>>) target(%dma_start3A_512 : memref<80x128xf32, #tpu.memory_space<vmem>>) target_semaphore(%arg10 : memref<!tpu.dma_semaphore, #tpu.memory_space<semaphore_mem>>)
        } else {
        }
        %dma_start3A_420 = arith.constant 0 : i32
        %dma_start3A_421 = arith.constant 0 : i32
        %dma_start3A_422 = tpu.memref_slice %arg6[%rem3A_386, %dma_start3A_420, %dma_start3A_421] : memref<3x80x128xf32, #tpu.memory_space<vmem>> -> memref<1x80x128xf32, #tpu.memory_space<vmem>>
        %dma_start3A_423 = tpu.memref_squeeze %dma_start3A_422 : memref<1x80x128xf32, #tpu.memory_space<vmem>> -> memref<80x128xf32, #tpu.memory_space<vmem>>
        %dma_start3A_424 = arith.constant 0 : i32
        %dma_start3A_425 = tpu.memref_slice %arg7[%mul3A_384, %dma_start3A_424] : memref<125x80xi32, #tpu.memory_space<vmem>> -> memref<1x80xi32, #tpu.memory_space<vmem>>
        %dma_start3A_426 = tpu.memref_squeeze %dma_start3A_425 : memref<1x80xi32, #tpu.memory_space<vmem>> -> memref<80xi32, #tpu.memory_space<vmem>>
        %dma_start3A_427 = arith.constant 0 : i32
        %dma_start3A_428 = arith.constant 0 : i32
        %dma_start3A_429 = tpu.memref_slice %arg9[%dma_start3A_427, %dma_start3A_428] : memref<10240x128xf32, #tpu.memory_space<vmem_shared>> -> memref<10240x128xf32, #tpu.memory_space<vmem_shared>>
        tpu.enqueue_indirect_dma source(%dma_start3A_423 : memref<80x128xf32, #tpu.memory_space<vmem>>) target(%dma_start3A_429 : memref<10240x128xf32, #tpu.memory_space<vmem_shared>>) offsets(%dma_start3A_426 : memref<80xi32, #tpu.memory_space<vmem>>) semaphore(%arg12 : memref<!tpu.dma_semaphore, #tpu.memory_space<semaphore_mem>>) {add = true}
        %mul3A_430 = arith.constant 2 : i32
        %mul3A_431 = arith.muli %mul3A_430, %scan3A_382 : i32
        %add3A_432 = arith.constant 1 : i32
        %add3A_433 = arith.addi %mul3A_431, %add3A_432 : i32
        %rem3A_434 = arith.constant 3 : i32
        %rem3A_435 = arith.remsi %add3A_433, %rem3A_434 : i32
        %mul3A_436 = arith.constant 10000 : i32
        %mul3A_437 = arith.muli %arg1, %mul3A_436 : i32
        %mul3A_438 = arith.constant 80 : i32
        %mul3A_439 = arith.muli %add3A_433, %mul3A_438 : i32
        %add3A_440 = arith.addi %mul3A_437, %mul3A_439 : i32
        %rem3A_441 = arith.constant 3 : i32
        %rem3A_442 = arith.remsi %add3A_433, %rem3A_441 : i32
        %mul3A_443 = arith.constant 160000 : i32
        %mul3A_444 = arith.muli %rem3A_8, %mul3A_443 : i32
        %add3A_445 = arith.addi %mul3A_444, %add3A_440 : i32
        %dma_wait3A_446 = arith.constant 0 : i32
        %dma_wait3A_447 = arith.constant 0 : i32
        %dma_wait3A_448 = tpu.memref_slice %arg6[%rem3A_442, %dma_wait3A_446, %dma_wait3A_447] : memref<3x80x128xf32, #tpu.memory_space<vmem>> -> memref<1x80x128xf32, #tpu.memory_space<vmem>>
        %dma_wait3A_449 = tpu.memref_squeeze %dma_wait3A_448 : memref<1x80x128xf32, #tpu.memory_space<vmem>> -> memref<80x128xf32, #tpu.memory_space<vmem>>
        %dma_wait3A_450 = arith.constant 0 : i32
        %dma_wait3A_451 = tpu.memref_slice %arg2[%add3A_445, %dma_wait3A_450] : memref<320000x128xf32, #tpu.memory_space<hbm>> -> memref<80x128xf32, #tpu.memory_space<hbm>>
        %dma_wait3A_452 = arith.constant 0 : i32
        %dma_wait3A_453 = arith.constant 0 : i32
        %dma_wait3A_454 = tpu.memref_slice %arg6[%rem3A_442, %dma_wait3A_452, %dma_wait3A_453] : memref<3x80x128xf32, #tpu.memory_space<vmem>> -> memref<1x80x128xf32, #tpu.memory_space<vmem>>
        %dma_wait3A_455 = tpu.memref_squeeze %dma_wait3A_454 : memref<1x80x128xf32, #tpu.memory_space<vmem>> -> memref<80x128xf32, #tpu.memory_space<vmem>>
        %dma_wait3A_456 = arith.constant 0 : i32
        %dma_wait3A_457 = tpu.memref_slice %arg2[%add3A_445, %dma_wait3A_456] : memref<320000x128xf32, #tpu.memory_space<hbm>> -> memref<80x128xf32, #tpu.memory_space<hbm>>
        tpu.wait_dma2 semaphore(%arg11 : memref<!tpu.dma_semaphore, #tpu.memory_space<semaphore_mem>>) src(%dma_wait3A_457 : memref<80x128xf32, #tpu.memory_space<hbm>>) dst(%dma_wait3A_455 : memref<80x128xf32, #tpu.memory_space<vmem>>)
        %parallel_loop3A_458 = arith.constant 0 : i32
        %parallel_loop3A_459 = arith.constant 80 : i32
        %parallel_loop3A_460 = arith.constant 1 : i32
        scf.for %parallel_loop3A_491 = %parallel_loop3A_458 to %parallel_loop3A_459 step %parallel_loop3A_460  : i32 {
          %parallel_loop3A_492 = arith.index_cast %rem3A_435 : i32 to index
          %parallel_loop3A_493 = arith.index_cast %parallel_loop3A_491 : i32 to index
          %parallel_loop3A_494 = arith.constant 0 : index
          %parallel_loop3A_495 = tpu.vector_load %arg6[%parallel_loop3A_492, %parallel_loop3A_493, %parallel_loop3A_494] {strides = array<i32>} : memref<3x80x128xf32, #tpu.memory_space<vmem>>, vector<1x1x16xf32>,
          %parallel_loop3A_496 = vector.shape_cast %parallel_loop3A_495 : vector<1x1x16xf32> to vector<16xf32>
          %parallel_loop3A_497 = arith.mulf %get3A_12, %parallel_loop3A_496 : vector<16xf32>
          %parallel_loop3A_498 = math.exp %parallel_loop3A_497 : vector<16xf32>
          %parallel_loop3A_499 = arith.index_cast %rem3A_435 : i32 to index
          %parallel_loop3A_500 = arith.index_cast %parallel_loop3A_491 : i32 to index
          %parallel_loop3A_501 = arith.constant 0 : index
          %parallel_loop3A_502 = tpu.vector_load %arg6[%parallel_loop3A_499, %parallel_loop3A_500, %parallel_loop3A_501] {strides = array<i32>} : memref<3x80x128xf32, #tpu.memory_space<vmem>>, vector<1x1x16xf32>,
          %parallel_loop3A_503 = vector.shape_cast %parallel_loop3A_502 : vector<1x1x16xf32> to vector<16xf32>
          %parallel_loop3A_504 = vector.shape_cast %parallel_loop3A_498 : vector<16xf32> to vector<1x1x16xf32>
          tpu.vector_store %arg6[%parallel_loop3A_499, %parallel_loop3A_500, %parallel_loop3A_501], %parallel_loop3A_504 {strides = array<i32>} : memref<3x80x128xf32, #tpu.memory_space<vmem>>, vector<1x1x16xf32>,
          %parallel_loop3A_505 = arith.index_cast %rem3A_435 : i32 to index
          %parallel_loop3A_506 = arith.index_cast %parallel_loop3A_491 : i32 to index
          %parallel_loop3A_507 = arith.constant 16 : index
          %parallel_loop3A_508 = tpu.vector_load %arg6[%parallel_loop3A_505, %parallel_loop3A_506, %parallel_loop3A_507] {strides = array<i32>} : memref<3x80x128xf32, #tpu.memory_space<vmem>>, vector<1x1x16xf32>,
          %parallel_loop3A_509 = vector.shape_cast %parallel_loop3A_508 : vector<1x1x16xf32> to vector<16xf32>
          %parallel_loop3A_510 = arith.mulf %get3A_12, %parallel_loop3A_509 : vector<16xf32>
          %parallel_loop3A_511 = math.exp %parallel_loop3A_510 : vector<16xf32>
          %parallel_loop3A_512 = arith.index_cast %rem3A_435 : i32 to index
          %parallel_loop3A_513 = arith.index_cast %parallel_loop3A_491 : i32 to index
          %parallel_loop3A_514 = arith.constant 16 : index
          %parallel_loop3A_515 = tpu.vector_load %arg6[%parallel_loop3A_512, %parallel_loop3A_513, %parallel_loop3A_514] {strides = array<i32>} : memref<3x80x128xf32, #tpu.memory_space<vmem>>, vector<1x1x16xf32>,
          %parallel_loop3A_516 = vector.shape_cast %parallel_loop3A_515 : vector<1x1x16xf32> to vector<16xf32>
          %parallel_loop3A_517 = vector.shape_cast %parallel_loop3A_511 : vector<16xf32> to vector<1x1x16xf32>
          tpu.vector_store %arg6[%parallel_loop3A_512, %parallel_loop3A_513, %parallel_loop3A_514], %parallel_loop3A_517 {strides = array<i32>} : memref<3x80x128xf32, #tpu.memory_space<vmem>>, vector<1x1x16xf32>,
          %parallel_loop3A_518 = arith.index_cast %rem3A_435 : i32 to index
          %parallel_loop3A_519 = arith.index_cast %parallel_loop3A_491 : i32 to index
          %parallel_loop3A_520 = arith.constant 32 : index
          %parallel_loop3A_521 = tpu.vector_load %arg6[%parallel_loop3A_518, %parallel_loop3A_519, %parallel_loop3A_520] {strides = array<i32>} : memref<3x80x128xf32, #tpu.memory_space<vmem>>, vector<1x1x16xf32>,
          %parallel_loop3A_522 = vector.shape_cast %parallel_loop3A_521 : vector<1x1x16xf32> to vector<16xf32>
          %parallel_loop3A_523 = arith.mulf %get3A_12, %parallel_loop3A_522 : vector<16xf32>
          %parallel_loop3A_524 = math.exp %parallel_loop3A_523 : vector<16xf32>
          %parallel_loop3A_525 = arith.index_cast %rem3A_435 : i32 to index
          %parallel_loop3A_526 = arith.index_cast %parallel_loop3A_491 : i32 to index
          %parallel_loop3A_527 = arith.constant 32 : index
          %parallel_loop3A_528 = tpu.vector_load %arg6[%parallel_loop3A_525, %parallel_loop3A_526, %parallel_loop3A_527] {strides = array<i32>} : memref<3x80x128xf32, #tpu.memory_space<vmem>>, vector<1x1x16xf32>,
          %parallel_loop3A_529 = vector.shape_cast %parallel_loop3A_528 : vector<1x1x16xf32> to vector<16xf32>
          %parallel_loop3A_530 = vector.shape_cast %parallel_loop3A_524 : vector<16xf32> to vector<1x1x16xf32>
          tpu.vector_store %arg6[%parallel_loop3A_525, %parallel_loop3A_526, %parallel_loop3A_527], %parallel_loop3A_530 {strides = array<i32>} : memref<3x80x128xf32, #tpu.memory_space<vmem>>, vector<1x1x16xf32>,
          %parallel_loop3A_531 = arith.index_cast %rem3A_435 : i32 to index
          %parallel_loop3A_532 = arith.index_cast %parallel_loop3A_491 : i32 to index
          %parallel_loop3A_533 = arith.constant 48 : index
          %parallel_loop3A_534 = tpu.vector_load %arg6[%parallel_loop3A_531, %parallel_loop3A_532, %parallel_loop3A_533] {strides = array<i32>} : memref<3x80x128xf32, #tpu.memory_space<vmem>>, vector<1x1x16xf32>,
          %parallel_loop3A_535 = vector.shape_cast %parallel_loop3A_534 : vector<1x1x16xf32> to vector<16xf32>
          %parallel_loop3A_536 = arith.mulf %get3A_12, %parallel_loop3A_535 : vector<16xf32>
          %parallel_loop3A_537 = math.exp %parallel_loop3A_536 : vector<16xf32>
          %parallel_loop3A_538 = arith.index_cast %rem3A_435 : i32 to index
          %parallel_loop3A_539 = arith.index_cast %parallel_loop3A_491 : i32 to index
          %parallel_loop3A_540 = arith.constant 48 : index
          %parallel_loop3A_541 = tpu.vector_load %arg6[%parallel_loop3A_538, %parallel_loop3A_539, %parallel_loop3A_540] {strides = array<i32>} : memref<3x80x128xf32, #tpu.memory_space<vmem>>, vector<1x1x16xf32>,
          %parallel_loop3A_542 = vector.shape_cast %parallel_loop3A_541 : vector<1x1x16xf32> to vector<16xf32>
          %parallel_loop3A_543 = vector.shape_cast %parallel_loop3A_537 : vector<16xf32> to vector<1x1x16xf32>
          tpu.vector_store %arg6[%parallel_loop3A_538, %parallel_loop3A_539, %parallel_loop3A_540], %parallel_loop3A_543 {strides = array<i32>} : memref<3x80x128xf32, #tpu.memory_space<vmem>>, vector<1x1x16xf32>,
          %parallel_loop3A_544 = arith.index_cast %rem3A_435 : i32 to index
          %parallel_loop3A_545 = arith.index_cast %parallel_loop3A_491 : i32 to index
          %parallel_loop3A_546 = arith.constant 64 : index
          %parallel_loop3A_547 = tpu.vector_load %arg6[%parallel_loop3A_544, %parallel_loop3A_545, %parallel_loop3A_546] {strides = array<i32>} : memref<3x80x128xf32, #tpu.memory_space<vmem>>, vector<1x1x16xf32>,
          %parallel_loop3A_548 = vector.shape_cast %parallel_loop3A_547 : vector<1x1x16xf32> to vector<16xf32>
          %parallel_loop3A_549 = arith.mulf %get3A_12, %parallel_loop3A_548 : vector<16xf32>
          %parallel_loop3A_550 = math.exp %parallel_loop3A_549 : vector<16xf32>
          %parallel_loop3A_551 = arith.index_cast %rem3A_435 : i32 to index
          %parallel_loop3A_552 = arith.index_cast %parallel_loop3A_491 : i32 to index
          %parallel_loop3A_553 = arith.constant 64 : index
          %parallel_loop3A_554 = tpu.vector_load %arg6[%parallel_loop3A_551, %parallel_loop3A_552, %parallel_loop3A_553] {strides = array<i32>} : memref<3x80x128xf32, #tpu.memory_space<vmem>>, vector<1x1x16xf32>,
          %parallel_loop3A_555 = vector.shape_cast %parallel_loop3A_554 : vector<1x1x16xf32> to vector<16xf32>
          %parallel_loop3A_556 = vector.shape_cast %parallel_loop3A_550 : vector<16xf32> to vector<1x1x16xf32>
          tpu.vector_store %arg6[%parallel_loop3A_551, %parallel_loop3A_552, %parallel_loop3A_553], %parallel_loop3A_556 {strides = array<i32>} : memref<3x80x128xf32, #tpu.memory_space<vmem>>, vector<1x1x16xf32>,
          %parallel_loop3A_557 = arith.index_cast %rem3A_435 : i32 to index
          %parallel_loop3A_558 = arith.index_cast %parallel_loop3A_491 : i32 to index
          %parallel_loop3A_559 = arith.constant 80 : index
          %parallel_loop3A_560 = tpu.vector_load %arg6[%parallel_loop3A_557, %parallel_loop3A_558, %parallel_loop3A_559] {strides = array<i32>} : memref<3x80x128xf32, #tpu.memory_space<vmem>>, vector<1x1x16xf32>,
          %parallel_loop3A_561 = vector.shape_cast %parallel_loop3A_560 : vector<1x1x16xf32> to vector<16xf32>
          %parallel_loop3A_562 = arith.mulf %get3A_12, %parallel_loop3A_561 : vector<16xf32>
          %parallel_loop3A_563 = math.exp %parallel_loop3A_562 : vector<16xf32>
          %parallel_loop3A_564 = arith.index_cast %rem3A_435 : i32 to index
          %parallel_loop3A_565 = arith.index_cast %parallel_loop3A_491 : i32 to index
          %parallel_loop3A_566 = arith.constant 80 : index
          %parallel_loop3A_567 = tpu.vector_load %arg6[%parallel_loop3A_564, %parallel_loop3A_565, %parallel_loop3A_566] {strides = array<i32>} : memref<3x80x128xf32, #tpu.memory_space<vmem>>, vector<1x1x16xf32>,
          %parallel_loop3A_568 = vector.shape_cast %parallel_loop3A_567 : vector<1x1x16xf32> to vector<16xf32>
          %parallel_loop3A_569 = vector.shape_cast %parallel_loop3A_563 : vector<16xf32> to vector<1x1x16xf32>
          tpu.vector_store %arg6[%parallel_loop3A_564, %parallel_loop3A_565, %parallel_loop3A_566], %parallel_loop3A_569 {strides = array<i32>} : memref<3x80x128xf32, #tpu.memory_space<vmem>>, vector<1x1x16xf32>,
          %parallel_loop3A_570 = arith.index_cast %rem3A_435 : i32 to index
          %parallel_loop3A_571 = arith.index_cast %parallel_loop3A_491 : i32 to index
          %parallel_loop3A_572 = arith.constant 96 : index
          %parallel_loop3A_573 = tpu.vector_load %arg6[%parallel_loop3A_570, %parallel_loop3A_571, %parallel_loop3A_572] {strides = array<i32>} : memref<3x80x128xf32, #tpu.memory_space<vmem>>, vector<1x1x16xf32>,
          %parallel_loop3A_574 = vector.shape_cast %parallel_loop3A_573 : vector<1x1x16xf32> to vector<16xf32>
          %parallel_loop3A_575 = arith.mulf %get3A_12, %parallel_loop3A_574 : vector<16xf32>
          %parallel_loop3A_576 = math.exp %parallel_loop3A_575 : vector<16xf32>
          %parallel_loop3A_577 = arith.index_cast %rem3A_435 : i32 to index
          %parallel_loop3A_578 = arith.index_cast %parallel_loop3A_491 : i32 to index
          %parallel_loop3A_579 = arith.constant 96 : index
          %parallel_loop3A_580 = tpu.vector_load %arg6[%parallel_loop3A_577, %parallel_loop3A_578, %parallel_loop3A_579] {strides = array<i32>} : memref<3x80x128xf32, #tpu.memory_space<vmem>>, vector<1x1x16xf32>,
          %parallel_loop3A_581 = vector.shape_cast %parallel_loop3A_580 : vector<1x1x16xf32> to vector<16xf32>
          %parallel_loop3A_582 = vector.shape_cast %parallel_loop3A_576 : vector<16xf32> to vector<1x1x16xf32>
          tpu.vector_store %arg6[%parallel_loop3A_577, %parallel_loop3A_578, %parallel_loop3A_579], %parallel_loop3A_582 {strides = array<i32>} : memref<3x80x128xf32, #tpu.memory_space<vmem>>, vector<1x1x16xf32>,
          %parallel_loop3A_583 = arith.index_cast %rem3A_435 : i32 to index
          %parallel_loop3A_584 = arith.index_cast %parallel_loop3A_491 : i32 to index
          %parallel_loop3A_585 = arith.constant 112 : index
          %parallel_loop3A_586 = tpu.vector_load %arg6[%parallel_loop3A_583, %parallel_loop3A_584, %parallel_loop3A_585] {strides = array<i32>} : memref<3x80x128xf32, #tpu.memory_space<vmem>>, vector<1x1x16xf32>,
          %parallel_loop3A_587 = vector.shape_cast %parallel_loop3A_586 : vector<1x1x16xf32> to vector<16xf32>
          %parallel_loop3A_588 = arith.mulf %get3A_12, %parallel_loop3A_587 : vector<16xf32>
          %parallel_loop3A_589 = math.exp %parallel_loop3A_588 : vector<16xf32>
          %parallel_loop3A_590 = arith.index_cast %rem3A_435 : i32 to index
          %parallel_loop3A_591 = arith.index_cast %parallel_loop3A_491 : i32 to index
          %parallel_loop3A_592 = arith.constant 112 : index
          %parallel_loop3A_593 = tpu.vector_load %arg6[%parallel_loop3A_590, %parallel_loop3A_591, %parallel_loop3A_592] {strides = array<i32>} : memref<3x80x128xf32, #tpu.memory_space<vmem>>, vector<1x1x16xf32>,
          %parallel_loop3A_594 = vector.shape_cast %parallel_loop3A_593 : vector<1x1x16xf32> to vector<16xf32>
          %parallel_loop3A_595 = vector.shape_cast %parallel_loop3A_589 : vector<16xf32> to vector<1x1x16xf32>
          tpu.vector_store %arg6[%parallel_loop3A_590, %parallel_loop3A_591, %parallel_loop3A_592], %parallel_loop3A_595 {strides = array<i32>} : memref<3x80x128xf32, #tpu.memory_space<vmem>>, vector<1x1x16xf32>,
        } {sc.loop_unroll_factor = 4 : i64, sc.parallel_access}
        %sub3A = arith.constant 1 : i32
        %sub3A_461 = arith.subi %add3A_433, %sub3A : i32
        %rem3A_462 = arith.constant 3 : i32
        %rem3A_463 = arith.remsi %sub3A_461, %rem3A_462 : i32
        %dma_wait3A_464 = arith.constant 0 : i32
        %dma_wait3A_465 = arith.constant 0 : i32
        %dma_wait3A_466 = tpu.memref_slice %arg6[%rem3A_463, %dma_wait3A_464, %dma_wait3A_465] : memref<3x80x128xf32, #tpu.memory_space<vmem>> -> memref<1x80x128xf32, #tpu.memory_space<vmem>>
        %dma_wait3A_467 = tpu.memref_squeeze %dma_wait3A_466 : memref<1x80x128xf32, #tpu.memory_space<vmem>> -> memref<80x128xf32, #tpu.memory_space<vmem>>
        %dma_wait3A_468 = arith.constant 0 : i32
        %dma_wait3A_469 = tpu.memref_slice %arg7[%sub3A_461, %dma_wait3A_468] : memref<125x80xi32, #tpu.memory_space<vmem>> -> memref<1x80xi32, #tpu.memory_space<vmem>>
        %dma_wait3A_470 = tpu.memref_squeeze %dma_wait3A_469 : memref<1x80xi32, #tpu.memory_space<vmem>> -> memref<80xi32, #tpu.memory_space<vmem>>
        %dma_wait3A_471 = arith.constant 0 : i32
        %dma_wait3A_472 = arith.constant 0 : i32
        %dma_wait3A_473 = tpu.memref_slice %arg9[%dma_wait3A_471, %dma_wait3A_472] : memref<10240x128xf32, #tpu.memory_space<vmem_shared>> -> memref<10240x128xf32, #tpu.memory_space<vmem_shared>>
        tpu.wait_indirect_dma semaphore(%arg12 : memref<!tpu.dma_semaphore, #tpu.memory_space<semaphore_mem>>) src(%dma_wait3A_467 : memref<80x128xf32, #tpu.memory_space<vmem>>) dst(%dma_wait3A_473 : memref<10240x128xf32, #tpu.memory_space<vmem_shared>>)
        %add3A_474 = arith.constant 2 : i32
        %add3A_475 = arith.addi %add3A_433, %add3A_474 : i32
        %lt3A_476 = arith.constant 125 : i32
        %lt3A_477 = arith.cmpi slt, %add3A_475, %lt3A_476 : i32
        %convert_element_type3A_478 = arith.extui %lt3A_477 : i1 to i32
        %cond3A_479 = arith.constant 0 : i32
        %cond3A_480 = arith.cmpi ne, %convert_element_type3A_478, %cond3A_479 : i32
        scf.if %cond3A_480 {
          %add3A_491 = arith.constant 2 : i32
          %add3A_492 = arith.addi %add3A_433, %add3A_491 : i32
          %mul3A_493 = arith.constant 10000 : i32
          %mul3A_494 = arith.muli %arg1, %mul3A_493 : i32
          %mul3A_495 = arith.constant 80 : i32
          %mul3A_496 = arith.muli %add3A_492, %mul3A_495 : i32
          %add3A_497 = arith.addi %mul3A_494, %mul3A_496 : i32
          %rem3A_498 = arith.constant 3 : i32
          %rem3A_499 = arith.remsi %add3A_492, %rem3A_498 : i32
          %mul3A_500 = arith.constant 160000 : i32
          %mul3A_501 = arith.muli %rem3A_8, %mul3A_500 : i32
          %add3A_502 = arith.addi %mul3A_501, %add3A_497 : i32
          %dma_start3A_503 = arith.constant 0 : i32
          %dma_start3A_504 = arith.constant 0 : i32
          %dma_start3A_505 = tpu.memref_slice %arg6[%rem3A_499, %dma_start3A_503, %dma_start3A_504] : memref<3x80x128xf32, #tpu.memory_space<vmem>> -> memref<1x80x128xf32, #tpu.memory_space<vmem>>
          %dma_start3A_506 = tpu.memref_squeeze %dma_start3A_505 : memref<1x80x128xf32, #tpu.memory_space<vmem>> -> memref<80x128xf32, #tpu.memory_space<vmem>>
          %dma_start3A_507 = arith.constant 0 : i32
          %dma_start3A_508 = tpu.memref_slice %arg2[%add3A_502, %dma_start3A_507] : memref<320000x128xf32, #tpu.memory_space<hbm>> -> memref<80x128xf32, #tpu.memory_space<hbm>>
          %dma_start3A_509 = arith.constant 0 : i32
          %dma_start3A_510 = arith.constant 0 : i32
          %dma_start3A_511 = tpu.memref_slice %arg6[%rem3A_499, %dma_start3A_509, %dma_start3A_510] : memref<3x80x128xf32, #tpu.memory_space<vmem>> -> memref<1x80x128xf32, #tpu.memory_space<vmem>>
          %dma_start3A_512 = tpu.memref_squeeze %dma_start3A_511 : memref<1x80x128xf32, #tpu.memory_space<vmem>> -> memref<80x128xf32, #tpu.memory_space<vmem>>
          %dma_start3A_513 = arith.constant 0 : i32
          %dma_start3A_514 = tpu.memref_slice %arg2[%add3A_502, %dma_start3A_513] : memref<320000x128xf32, #tpu.memory_space<hbm>> -> memref<80x128xf32, #tpu.memory_space<hbm>>
          tpu.enqueue_dma source(%dma_start3A_514 : memref<80x128xf32, #tpu.memory_space<hbm>>) target(%dma_start3A_512 : memref<80x128xf32, #tpu.memory_space<vmem>>) target_semaphore(%arg11 : memref<!tpu.dma_semaphore, #tpu.memory_space<semaphore_mem>>)
        } else {
        }
        %dma_start3A_481 = arith.constant 0 : i32
        %dma_start3A_482 = arith.constant 0 : i32
        %dma_start3A_483 = tpu.memref_slice %arg6[%rem3A_435, %dma_start3A_481, %dma_start3A_482] : memref<3x80x128xf32, #tpu.memory_space<vmem>> -> memref<1x80x128xf32, #tpu.memory_space<vmem>>
        %dma_start3A_484 = tpu.memref_squeeze %dma_start3A_483 : memref<1x80x128xf32, #tpu.memory_space<vmem>> -> memref<80x128xf32, #tpu.memory_space<vmem>>
        %dma_start3A_485 = arith.constant 0 : i32
        %dma_start3A_486 = tpu.memref_slice %arg7[%add3A_433, %dma_start3A_485] : memref<125x80xi32, #tpu.memory_space<vmem>> -> memref<1x80xi32, #tpu.memory_space<vmem>>
        %dma_start3A_487 = tpu.memref_squeeze %dma_start3A_486 : memref<1x80xi32, #tpu.memory_space<vmem>> -> memref<80xi32, #tpu.memory_space<vmem>>
        %dma_start3A_488 = arith.constant 0 : i32
        %dma_start3A_489 = arith.constant 0 : i32
        %dma_start3A_490 = tpu.memref_slice %arg9[%dma_start3A_488, %dma_start3A_489] : memref<10240x128xf32, #tpu.memory_space<vmem_shared>> -> memref<10240x128xf32, #tpu.memory_space<vmem_shared>>
        tpu.enqueue_indirect_dma source(%dma_start3A_484 : memref<80x128xf32, #tpu.memory_space<vmem>>) target(%dma_start3A_490 : memref<10240x128xf32, #tpu.memory_space<vmem_shared>>) offsets(%dma_start3A_487 : memref<80xi32, #tpu.memory_space<vmem>>) semaphore(%arg12 : memref<!tpu.dma_semaphore, #tpu.memory_space<semaphore_mem>>) {add = true}
      }
      %scan3A_306 = arith.constant 62 : i32
      %rem3A_307 = arith.constant 124 : i32
      %rem3A_308 = arith.constant 3 : i32
      %rem3A_309 = arith.remsi %rem3A_307, %rem3A_308 : i32
      %mul3A_310 = arith.constant 10000 : i32
      %mul3A_311 = arith.muli %arg1, %mul3A_310 : i32
      %add3A_312 = arith.constant 9920 : i32
      %add3A_313 = arith.addi %mul3A_311, %add3A_312 : i32
      %rem3A_314 = arith.constant 124 : i32
      %rem3A_315 = arith.constant 3 : i32
      %rem3A_316 = arith.remsi %rem3A_314, %rem3A_315 : i32
      %mul3A_317 = arith.constant 160000 : i32
      %mul3A_318 = arith.muli %rem3A_8, %mul3A_317 : i32
      %add3A_319 = arith.addi %mul3A_318, %add3A_313 : i32
      %dma_wait3A_320 = arith.constant 0 : i32
      %dma_wait3A_321 = arith.constant 0 : i32
      %dma_wait3A_322 = tpu.memref_slice %arg6[%rem3A_316, %dma_wait3A_320, %dma_wait3A_321] : memref<3x80x128xf32, #tpu.memory_space<vmem>> -> memref<1x80x128xf32, #tpu.memory_space<vmem>>
      %dma_wait3A_323 = tpu.memref_squeeze %dma_wait3A_322 : memref<1x80x128xf32, #tpu.memory_space<vmem>> -> memref<80x128xf32, #tpu.memory_space<vmem>>
      %dma_wait3A_324 = arith.constant 0 : i32
      %dma_wait3A_325 = tpu.memref_slice %arg2[%add3A_319, %dma_wait3A_324] : memref<320000x128xf32, #tpu.memory_space<hbm>> -> memref<80x128xf32, #tpu.memory_space<hbm>>
      %dma_wait3A_326 = arith.constant 0 : i32
      %dma_wait3A_327 = arith.constant 0 : i32
      %dma_wait3A_328 = tpu.memref_slice %arg6[%rem3A_316, %dma_wait3A_326, %dma_wait3A_327] : memref<3x80x128xf32, #tpu.memory_space<vmem>> -> memref<1x80x128xf32, #tpu.memory_space<vmem>>
      %dma_wait3A_329 = tpu.memref_squeeze %dma_wait3A_328 : memref<1x80x128xf32, #tpu.memory_space<vmem>> -> memref<80x128xf32, #tpu.memory_space<vmem>>
      %dma_wait3A_330 = arith.constant 0 : i32
      %dma_wait3A_331 = tpu.memref_slice %arg2[%add3A_319, %dma_wait3A_330] : memref<320000x128xf32, #tpu.memory_space<hbm>> -> memref<80x128xf32, #tpu.memory_space<hbm>>
      tpu.wait_dma2 semaphore(%arg10 : memref<!tpu.dma_semaphore, #tpu.memory_space<semaphore_mem>>) src(%dma_wait3A_331 : memref<80x128xf32, #tpu.memory_space<hbm>>) dst(%dma_wait3A_329 : memref<80x128xf32, #tpu.memory_space<vmem>>)
      %parallel_loop3A = arith.constant 0 : i32
      %parallel_loop3A_332 = arith.constant 80 : i32
      %parallel_loop3A_333 = arith.constant 1 : i32
      scf.for %parallel_loop3A_382 = %parallel_loop3A to %parallel_loop3A_332 step %parallel_loop3A_333  : i32 {
        %parallel_loop3A_383 = arith.index_cast %rem3A_309 : i32 to index
        %parallel_loop3A_384 = arith.index_cast %parallel_loop3A_382 : i32 to index
        %parallel_loop3A_385 = arith.constant 0 : index
        %parallel_loop3A_386 = tpu.vector_load %arg6[%parallel_loop3A_383, %parallel_loop3A_384, %parallel_loop3A_385] {strides = array<i32>} : memref<3x80x128xf32, #tpu.memory_space<vmem>>, vector<1x1x16xf32>,
        %parallel_loop3A_387 = vector.shape_cast %parallel_loop3A_386 : vector<1x1x16xf32> to vector<16xf32>
        %parallel_loop3A_388 = arith.mulf %get3A_12, %parallel_loop3A_387 : vector<16xf32>
        %parallel_loop3A_389 = math.exp %parallel_loop3A_388 : vector<16xf32>
        %parallel_loop3A_390 = arith.index_cast %rem3A_309 : i32 to index
        %parallel_loop3A_391 = arith.index_cast %parallel_loop3A_382 : i32 to index
        %parallel_loop3A_392 = arith.constant 0 : index
        %parallel_loop3A_393 = tpu.vector_load %arg6[%parallel_loop3A_390, %parallel_loop3A_391, %parallel_loop3A_392] {strides = array<i32>} : memref<3x80x128xf32, #tpu.memory_space<vmem>>, vector<1x1x16xf32>,
        %parallel_loop3A_394 = vector.shape_cast %parallel_loop3A_393 : vector<1x1x16xf32> to vector<16xf32>
        %parallel_loop3A_395 = vector.shape_cast %parallel_loop3A_389 : vector<16xf32> to vector<1x1x16xf32>
        tpu.vector_store %arg6[%parallel_loop3A_390, %parallel_loop3A_391, %parallel_loop3A_392], %parallel_loop3A_395 {strides = array<i32>} : memref<3x80x128xf32, #tpu.memory_space<vmem>>, vector<1x1x16xf32>,
        %parallel_loop3A_396 = arith.index_cast %rem3A_309 : i32 to index
        %parallel_loop3A_397 = arith.index_cast %parallel_loop3A_382 : i32 to index
        %parallel_loop3A_398 = arith.constant 16 : index
        %parallel_loop3A_399 = tpu.vector_load %arg6[%parallel_loop3A_396, %parallel_loop3A_397, %parallel_loop3A_398] {strides = array<i32>} : memref<3x80x128xf32, #tpu.memory_space<vmem>>, vector<1x1x16xf32>,
        %parallel_loop3A_400 = vector.shape_cast %parallel_loop3A_399 : vector<1x1x16xf32> to vector<16xf32>
        %parallel_loop3A_401 = arith.mulf %get3A_12, %parallel_loop3A_400 : vector<16xf32>
        %parallel_loop3A_402 = math.exp %parallel_loop3A_401 : vector<16xf32>
        %parallel_loop3A_403 = arith.index_cast %rem3A_309 : i32 to index
        %parallel_loop3A_404 = arith.index_cast %parallel_loop3A_382 : i32 to index
        %parallel_loop3A_405 = arith.constant 16 : index
        %parallel_loop3A_406 = tpu.vector_load %arg6[%parallel_loop3A_403, %parallel_loop3A_404, %parallel_loop3A_405] {strides = array<i32>} : memref<3x80x128xf32, #tpu.memory_space<vmem>>, vector<1x1x16xf32>,
        %parallel_loop3A_407 = vector.shape_cast %parallel_loop3A_406 : vector<1x1x16xf32> to vector<16xf32>
        %parallel_loop3A_408 = vector.shape_cast %parallel_loop3A_402 : vector<16xf32> to vector<1x1x16xf32>
        tpu.vector_store %arg6[%parallel_loop3A_403, %parallel_loop3A_404, %parallel_loop3A_405], %parallel_loop3A_408 {strides = array<i32>} : memref<3x80x128xf32, #tpu.memory_space<vmem>>, vector<1x1x16xf32>,
        %parallel_loop3A_409 = arith.index_cast %rem3A_309 : i32 to index
        %parallel_loop3A_410 = arith.index_cast %parallel_loop3A_382 : i32 to index
        %parallel_loop3A_411 = arith.constant 32 : index
        %parallel_loop3A_412 = tpu.vector_load %arg6[%parallel_loop3A_409, %parallel_loop3A_410, %parallel_loop3A_411] {strides = array<i32>} : memref<3x80x128xf32, #tpu.memory_space<vmem>>, vector<1x1x16xf32>,
        %parallel_loop3A_413 = vector.shape_cast %parallel_loop3A_412 : vector<1x1x16xf32> to vector<16xf32>
        %parallel_loop3A_414 = arith.mulf %get3A_12, %parallel_loop3A_413 : vector<16xf32>
        %parallel_loop3A_415 = math.exp %parallel_loop3A_414 : vector<16xf32>
        %parallel_loop3A_416 = arith.index_cast %rem3A_309 : i32 to index
        %parallel_loop3A_417 = arith.index_cast %parallel_loop3A_382 : i32 to index
        %parallel_loop3A_418 = arith.constant 32 : index
        %parallel_loop3A_419 = tpu.vector_load %arg6[%parallel_loop3A_416, %parallel_loop3A_417, %parallel_loop3A_418] {strides = array<i32>} : memref<3x80x128xf32, #tpu.memory_space<vmem>>, vector<1x1x16xf32>,
        %parallel_loop3A_420 = vector.shape_cast %parallel_loop3A_419 : vector<1x1x16xf32> to vector<16xf32>
        %parallel_loop3A_421 = vector.shape_cast %parallel_loop3A_415 : vector<16xf32> to vector<1x1x16xf32>
        tpu.vector_store %arg6[%parallel_loop3A_416, %parallel_loop3A_417, %parallel_loop3A_418], %parallel_loop3A_421 {strides = array<i32>} : memref<3x80x128xf32, #tpu.memory_space<vmem>>, vector<1x1x16xf32>,
        %parallel_loop3A_422 = arith.index_cast %rem3A_309 : i32 to index
        %parallel_loop3A_423 = arith.index_cast %parallel_loop3A_382 : i32 to index
        %parallel_loop3A_424 = arith.constant 48 : index
        %parallel_loop3A_425 = tpu.vector_load %arg6[%parallel_loop3A_422, %parallel_loop3A_423, %parallel_loop3A_424] {strides = array<i32>} : memref<3x80x128xf32, #tpu.memory_space<vmem>>, vector<1x1x16xf32>,
        %parallel_loop3A_426 = vector.shape_cast %parallel_loop3A_425 : vector<1x1x16xf32> to vector<16xf32>
        %parallel_loop3A_427 = arith.mulf %get3A_12, %parallel_loop3A_426 : vector<16xf32>
        %parallel_loop3A_428 = math.exp %parallel_loop3A_427 : vector<16xf32>
        %parallel_loop3A_429 = arith.index_cast %rem3A_309 : i32 to index
        %parallel_loop3A_430 = arith.index_cast %parallel_loop3A_382 : i32 to index
        %parallel_loop3A_431 = arith.constant 48 : index
        %parallel_loop3A_432 = tpu.vector_load %arg6[%parallel_loop3A_429, %parallel_loop3A_430, %parallel_loop3A_431] {strides = array<i32>} : memref<3x80x128xf32, #tpu.memory_space<vmem>>, vector<1x1x16xf32>,
        %parallel_loop3A_433 = vector.shape_cast %parallel_loop3A_432 : vector<1x1x16xf32> to vector<16xf32>
        %parallel_loop3A_434 = vector.shape_cast %parallel_loop3A_428 : vector<16xf32> to vector<1x1x16xf32>
        tpu.vector_store %arg6[%parallel_loop3A_429, %parallel_loop3A_430, %parallel_loop3A_431], %parallel_loop3A_434 {strides = array<i32>} : memref<3x80x128xf32, #tpu.memory_space<vmem>>, vector<1x1x16xf32>,
        %parallel_loop3A_435 = arith.index_cast %rem3A_309 : i32 to index
        %parallel_loop3A_436 = arith.index_cast %parallel_loop3A_382 : i32 to index
        %parallel_loop3A_437 = arith.constant 64 : index
        %parallel_loop3A_438 = tpu.vector_load %arg6[%parallel_loop3A_435, %parallel_loop3A_436, %parallel_loop3A_437] {strides = array<i32>} : memref<3x80x128xf32, #tpu.memory_space<vmem>>, vector<1x1x16xf32>,
        %parallel_loop3A_439 = vector.shape_cast %parallel_loop3A_438 : vector<1x1x16xf32> to vector<16xf32>
        %parallel_loop3A_440 = arith.mulf %get3A_12, %parallel_loop3A_439 : vector<16xf32>
        %parallel_loop3A_441 = math.exp %parallel_loop3A_440 : vector<16xf32>
        %parallel_loop3A_442 = arith.index_cast %rem3A_309 : i32 to index
        %parallel_loop3A_443 = arith.index_cast %parallel_loop3A_382 : i32 to index
        %parallel_loop3A_444 = arith.constant 64 : index
        %parallel_loop3A_445 = tpu.vector_load %arg6[%parallel_loop3A_442, %parallel_loop3A_443, %parallel_loop3A_444] {strides = array<i32>} : memref<3x80x128xf32, #tpu.memory_space<vmem>>, vector<1x1x16xf32>,
        %parallel_loop3A_446 = vector.shape_cast %parallel_loop3A_445 : vector<1x1x16xf32> to vector<16xf32>
        %parallel_loop3A_447 = vector.shape_cast %parallel_loop3A_441 : vector<16xf32> to vector<1x1x16xf32>
        tpu.vector_store %arg6[%parallel_loop3A_442, %parallel_loop3A_443, %parallel_loop3A_444], %parallel_loop3A_447 {strides = array<i32>} : memref<3x80x128xf32, #tpu.memory_space<vmem>>, vector<1x1x16xf32>,
        %parallel_loop3A_448 = arith.index_cast %rem3A_309 : i32 to index
        %parallel_loop3A_449 = arith.index_cast %parallel_loop3A_382 : i32 to index
        %parallel_loop3A_450 = arith.constant 80 : index
        %parallel_loop3A_451 = tpu.vector_load %arg6[%parallel_loop3A_448, %parallel_loop3A_449, %parallel_loop3A_450] {strides = array<i32>} : memref<3x80x128xf32, #tpu.memory_space<vmem>>, vector<1x1x16xf32>,
        %parallel_loop3A_452 = vector.shape_cast %parallel_loop3A_451 : vector<1x1x16xf32> to vector<16xf32>
        %parallel_loop3A_453 = arith.mulf %get3A_12, %parallel_loop3A_452 : vector<16xf32>
        %parallel_loop3A_454 = math.exp %parallel_loop3A_453 : vector<16xf32>
        %parallel_loop3A_455 = arith.index_cast %rem3A_309 : i32 to index
        %parallel_loop3A_456 = arith.index_cast %parallel_loop3A_382 : i32 to index
        %parallel_loop3A_457 = arith.constant 80 : index
        %parallel_loop3A_458 = tpu.vector_load %arg6[%parallel_loop3A_455, %parallel_loop3A_456, %parallel_loop3A_457] {strides = array<i32>} : memref<3x80x128xf32, #tpu.memory_space<vmem>>, vector<1x1x16xf32>,
        %parallel_loop3A_459 = vector.shape_cast %parallel_loop3A_458 : vector<1x1x16xf32> to vector<16xf32>
        %parallel_loop3A_460 = vector.shape_cast %parallel_loop3A_454 : vector<16xf32> to vector<1x1x16xf32>
        tpu.vector_store %arg6[%parallel_loop3A_455, %parallel_loop3A_456, %parallel_loop3A_457], %parallel_loop3A_460 {strides = array<i32>} : memref<3x80x128xf32, #tpu.memory_space<vmem>>, vector<1x1x16xf32>,
        %parallel_loop3A_461 = arith.index_cast %rem3A_309 : i32 to index
        %parallel_loop3A_462 = arith.index_cast %parallel_loop3A_382 : i32 to index
        %parallel_loop3A_463 = arith.constant 96 : index
        %parallel_loop3A_464 = tpu.vector_load %arg6[%parallel_loop3A_461, %parallel_loop3A_462, %parallel_loop3A_463] {strides = array<i32>} : memref<3x80x128xf32, #tpu.memory_space<vmem>>, vector<1x1x16xf32>,
        %parallel_loop3A_465 = vector.shape_cast %parallel_loop3A_464 : vector<1x1x16xf32> to vector<16xf32>
        %parallel_loop3A_466 = arith.mulf %get3A_12, %parallel_loop3A_465 : vector<16xf32>
        %parallel_loop3A_467 = math.exp %parallel_loop3A_466 : vector<16xf32>
        %parallel_loop3A_468 = arith.index_cast %rem3A_309 : i32 to index
        %parallel_loop3A_469 = arith.index_cast %parallel_loop3A_382 : i32 to index
        %parallel_loop3A_470 = arith.constant 96 : index
        %parallel_loop3A_471 = tpu.vector_load %arg6[%parallel_loop3A_468, %parallel_loop3A_469, %parallel_loop3A_470] {strides = array<i32>} : memref<3x80x128xf32, #tpu.memory_space<vmem>>, vector<1x1x16xf32>,
        %parallel_loop3A_472 = vector.shape_cast %parallel_loop3A_471 : vector<1x1x16xf32> to vector<16xf32>
        %parallel_loop3A_473 = vector.shape_cast %parallel_loop3A_467 : vector<16xf32> to vector<1x1x16xf32>
        tpu.vector_store %arg6[%parallel_loop3A_468, %parallel_loop3A_469, %parallel_loop3A_470], %parallel_loop3A_473 {strides = array<i32>} : memref<3x80x128xf32, #tpu.memory_space<vmem>>, vector<1x1x16xf32>,
        %parallel_loop3A_474 = arith.index_cast %rem3A_309 : i32 to index
        %parallel_loop3A_475 = arith.index_cast %parallel_loop3A_382 : i32 to index
        %parallel_loop3A_476 = arith.constant 112 : index
        %parallel_loop3A_477 = tpu.vector_load %arg6[%parallel_loop3A_474, %parallel_loop3A_475, %parallel_loop3A_476] {strides = array<i32>} : memref<3x80x128xf32, #tpu.memory_space<vmem>>, vector<1x1x16xf32>,
        %parallel_loop3A_478 = vector.shape_cast %parallel_loop3A_477 : vector<1x1x16xf32> to vector<16xf32>
        %parallel_loop3A_479 = arith.mulf %get3A_12, %parallel_loop3A_478 : vector<16xf32>
        %parallel_loop3A_480 = math.exp %parallel_loop3A_479 : vector<16xf32>
        %parallel_loop3A_481 = arith.index_cast %rem3A_309 : i32 to index
        %parallel_loop3A_482 = arith.index_cast %parallel_loop3A_382 : i32 to index
        %parallel_loop3A_483 = arith.constant 112 : index
        %parallel_loop3A_484 = tpu.vector_load %arg6[%parallel_loop3A_481, %parallel_loop3A_482, %parallel_loop3A_483] {strides = array<i32>} : memref<3x80x128xf32, #tpu.memory_space<vmem>>, vector<1x1x16xf32>,
        %parallel_loop3A_485 = vector.shape_cast %parallel_loop3A_484 : vector<1x1x16xf32> to vector<16xf32>
        %parallel_loop3A_486 = vector.shape_cast %parallel_loop3A_480 : vector<16xf32> to vector<1x1x16xf32>
        tpu.vector_store %arg6[%parallel_loop3A_481, %parallel_loop3A_482, %parallel_loop3A_483], %parallel_loop3A_486 {strides = array<i32>} : memref<3x80x128xf32, #tpu.memory_space<vmem>>, vector<1x1x16xf32>,
      } {sc.loop_unroll_factor = 4 : i64, sc.parallel_access}
      %rem3A_334 = arith.constant 123 : i32
      %rem3A_335 = arith.constant 3 : i32
      %rem3A_336 = arith.remsi %rem3A_334, %rem3A_335 : i32
      %dma_wait3A_337 = arith.constant 123 : i32
      %dma_wait3A_338 = arith.constant 0 : i32
      %dma_wait3A_339 = arith.constant 0 : i32
      %dma_wait3A_340 = tpu.memref_slice %arg6[%rem3A_336, %dma_wait3A_338, %dma_wait3A_339] : memref<3x80x128xf32, #tpu.memory_space<vmem>> -> memref<1x80x128xf32, #tpu.memory_space<vmem>>
      %dma_wait3A_341 = tpu.memref_squeeze %dma_wait3A_340 : memref<1x80x128xf32, #tpu.memory_space<vmem>> -> memref<80x128xf32, #tpu.memory_space<vmem>>
      %dma_wait3A_342 = arith.constant 0 : i32
      %dma_wait3A_343 = tpu.memref_slice %arg7[%dma_wait3A_337, %dma_wait3A_342] : memref<125x80xi32, #tpu.memory_space<vmem>> -> memref<1x80xi32, #tpu.memory_space<vmem>>
      %dma_wait3A_344 = tpu.memref_squeeze %dma_wait3A_343 : memref<1x80xi32, #tpu.memory_space<vmem>> -> memref<80xi32, #tpu.memory_space<vmem>>
      %dma_wait3A_345 = arith.constant 0 : i32
      %dma_wait3A_346 = arith.constant 0 : i32
      %dma_wait3A_347 = tpu.memref_slice %arg9[%dma_wait3A_345, %dma_wait3A_346] : memref<10240x128xf32, #tpu.memory_space<vmem_shared>> -> memref<10240x128xf32, #tpu.memory_space<vmem_shared>>
      tpu.wait_indirect_dma semaphore(%arg12 : memref<!tpu.dma_semaphore, #tpu.memory_space<semaphore_mem>>) src(%dma_wait3A_341 : memref<80x128xf32, #tpu.memory_space<vmem>>) dst(%dma_wait3A_347 : memref<10240x128xf32, #tpu.memory_space<vmem_shared>>)
      %dma_start3A_348 = arith.constant 124 : i32
      %dma_start3A_349 = arith.constant 0 : i32
      %dma_start3A_350 = arith.constant 0 : i32
      %dma_start3A_351 = tpu.memref_slice %arg6[%rem3A_309, %dma_start3A_349, %dma_start3A_350] : memref<3x80x128xf32, #tpu.memory_space<vmem>> -> memref<1x80x128xf32, #tpu.memory_space<vmem>>
      %dma_start3A_352 = tpu.memref_squeeze %dma_start3A_351 : memref<1x80x128xf32, #tpu.memory_space<vmem>> -> memref<80x128xf32, #tpu.memory_space<vmem>>
      %dma_start3A_353 = arith.constant 0 : i32
      %dma_start3A_354 = tpu.memref_slice %arg7[%dma_start3A_348, %dma_start3A_353] : memref<125x80xi32, #tpu.memory_space<vmem>> -> memref<1x80xi32, #tpu.memory_space<vmem>>
      %dma_start3A_355 = tpu.memref_squeeze %dma_start3A_354 : memref<1x80xi32, #tpu.memory_space<vmem>> -> memref<80xi32, #tpu.memory_space<vmem>>
      %dma_start3A_356 = arith.constant 0 : i32
      %dma_start3A_357 = arith.constant 0 : i32
      %dma_start3A_358 = tpu.memref_slice %arg9[%dma_start3A_356, %dma_start3A_357] : memref<10240x128xf32, #tpu.memory_space<vmem_shared>> -> memref<10240x128xf32, #tpu.memory_space<vmem_shared>>
      tpu.enqueue_indirect_dma source(%dma_start3A_352 : memref<80x128xf32, #tpu.memory_space<vmem>>) target(%dma_start3A_358 : memref<10240x128xf32, #tpu.memory_space<vmem_shared>>) offsets(%dma_start3A_355 : memref<80xi32, #tpu.memory_space<vmem>>) semaphore(%arg12 : memref<!tpu.dma_semaphore, #tpu.memory_space<semaphore_mem>>) {add = true}
      %rem3A_359 = arith.constant 124 : i32
      %rem3A_360 = arith.constant 3 : i32
      %rem3A_361 = arith.remsi %rem3A_359, %rem3A_360 : i32
      %dma_wait3A_362 = arith.constant 124 : i32
      %dma_wait3A_363 = arith.constant 0 : i32
      %dma_wait3A_364 = arith.constant 0 : i32
      %dma_wait3A_365 = tpu.memref_slice %arg6[%rem3A_361, %dma_wait3A_363, %dma_wait3A_364] : memref<3x80x128xf32, #tpu.memory_space<vmem>> -> memref<1x80x128xf32, #tpu.memory_space<vmem>>
      %dma_wait3A_366 = tpu.memref_squeeze %dma_wait3A_365 : memref<1x80x128xf32, #tpu.memory_space<vmem>> -> memref<80x128xf32, #tpu.memory_space<vmem>>
      %dma_wait3A_367 = arith.constant 0 : i32
      %dma_wait3A_368 = tpu.memref_slice %arg7[%dma_wait3A_362, %dma_wait3A_367] : memref<125x80xi32, #tpu.memory_space<vmem>> -> memref<1x80xi32, #tpu.memory_space<vmem>>
      %dma_wait3A_369 = tpu.memref_squeeze %dma_wait3A_368 : memref<1x80xi32, #tpu.memory_space<vmem>> -> memref<80xi32, #tpu.memory_space<vmem>>
      %dma_wait3A_370 = arith.constant 0 : i32
      %dma_wait3A_371 = arith.constant 0 : i32
      %dma_wait3A_372 = tpu.memref_slice %arg9[%dma_wait3A_370, %dma_wait3A_371] : memref<10240x128xf32, #tpu.memory_space<vmem_shared>> -> memref<10240x128xf32, #tpu.memory_space<vmem_shared>>
      tpu.wait_indirect_dma semaphore(%arg12 : memref<!tpu.dma_semaphore, #tpu.memory_space<semaphore_mem>>) src(%dma_wait3A_366 : memref<80x128xf32, #tpu.memory_space<vmem>>) dst(%dma_wait3A_372 : memref<10240x128xf32, #tpu.memory_space<vmem_shared>>)
      %barrier3A_373 = arith.constant 0 : index
      tpu.barrier barrier_id(%barrier3A_373)
      %mul3A_374 = arith.constant 640 : i32
      %mul3A_375 = arith.muli %arg1, %mul3A_374 : i32
      %mul3A_376 = arith.constant 10240 : i32
      %mul3A_377 = arith.muli %add3A, %mul3A_376 : i32
      %mul3A_378 = arith.constant 640 : i32
      %mul3A_379 = arith.muli %arg1, %mul3A_378 : i32
      %add3A_380 = arith.addi %mul3A_377, %mul3A_379 : i32
      "tpu.region"() ({
        %run_scoped3A = tpu.sem_alloc : memref<!tpu.dma_semaphore, #tpu.memory_space<semaphore_mem>>
        %dma_start3A_382 = arith.constant 0 : i32
        %dma_start3A_383 = tpu.memref_slice %arg5[%add3A_380, %dma_start3A_382] : memref<81920x128xf32, #tpu.memory_space<hbm>> -> memref<640x128xf32, #tpu.memory_space<hbm>>
        %dma_start3A_384 = arith.constant 0 : i32
        %dma_start3A_385 = tpu.memref_slice %arg9[%mul3A_375, %dma_start3A_384] : memref<10240x128xf32, #tpu.memory_space<vmem_shared>> -> memref<640x128xf32, #tpu.memory_space<vmem_shared>>
        tpu.enqueue_dma source(%dma_start3A_385 : memref<640x128xf32, #tpu.memory_space<vmem_shared>>) target(%dma_start3A_383 : memref<640x128xf32, #tpu.memory_space<hbm>>) target_semaphore(%run_scoped3A : memref<!tpu.dma_semaphore, #tpu.memory_space<semaphore_mem>>)
        %dma_wait3A_386 = arith.constant 0 : i32
        %dma_wait3A_387 = tpu.memref_slice %arg5[%add3A_380, %dma_wait3A_386] : memref<81920x128xf32, #tpu.memory_space<hbm>> -> memref<640x128xf32, #tpu.memory_space<hbm>>
        %dma_wait3A_388 = arith.constant 0 : i32
        %dma_wait3A_389 = tpu.memref_slice %arg9[%mul3A_375, %dma_wait3A_388] : memref<10240x128xf32, #tpu.memory_space<vmem_shared>> -> memref<640x128xf32, #tpu.memory_space<vmem_shared>>
        tpu.wait_dma2 semaphore(%run_scoped3A : memref<!tpu.dma_semaphore, #tpu.memory_space<semaphore_mem>>) src(%dma_wait3A_389 : memref<640x128xf32, #tpu.memory_space<vmem_shared>>) dst(%dma_wait3A_387 : memref<640x128xf32, #tpu.memory_space<hbm>>)
        tpu.yield
      }) : () -> ()
      %barrier3A_381 = arith.constant 0 : index
      tpu.barrier barrier_id(%barrier3A_381)
    }
    %scan3A_5 = arith.constant 4 : i32
    return
  }
}

module attributes {stable_mosaic.version = 14 : i64} {
  func.func @_stage1_body(%arg0: i32, %arg1: memref<2000x128xf32, #tpu.memory_space<vmem>>, %arg2: memref<2x2000x128xf32, #tpu.memory_space<vmem>>) attributes {dimension_semantics = [#tpu.dimension_semantics<arbitrary>], iteration_bounds = array<i64: 80>, scalar_prefetch = 0 : i64, scratch_operands = 0 : i64, tpu.core_type = #tpu.core_type<tc>, window_params = [{transform_indices = @transform_0, window_bounds = array<i64: 2000, 128>}, {transform_indices = @transform_1, window_bounds = array<i64: 2, 2000, 128>}]} {
    %get3A = arith.constant 0 : index
    %get3A_0 = arith.constant 0 : index
    %get3A_1 = vector.load %arg1[%get3A, %get3A_0] : memref<2000x128xf32, #tpu.memory_space<vmem>>, vector<2000x128xf32>
    %jit3A = arith.constant 1.000000e-07 : f32
    %jit3A_2 = arith.constant 0.99999988 : f32
    %max3A = vector.broadcast %jit3A : f32 to vector<2000x128xf32>
    %max3A_3 = arith.maximumf %max3A, %get3A_1 : vector<2000x128xf32>
    %min3A = vector.broadcast %jit3A_2 : f32 to vector<2000x128xf32>
    %min3A_4 = arith.minimumf %min3A, %max3A_3 : vector<2000x128xf32>
    %log3A = math.log %min3A_4 : vector<2000x128xf32>
    %swap3A = arith.constant 0 : index
    %swap3A_5 = arith.constant 0 : index
    %swap3A_6 = arith.constant 0 : index
    %swap3A_7 = vector.load %arg2[%swap3A, %swap3A_5, %swap3A_6] : memref<2x2000x128xf32, #tpu.memory_space<vmem>>, vector<1x2000x128xf32>
    %swap3A_8 = vector.shape_cast %swap3A_7 : vector<1x2000x128xf32> to vector<2000x128xf32>
    %swap3A_9 = vector.shape_cast %log3A : vector<2000x128xf32> to vector<1x2000x128xf32>
    tpu.vector_store %arg2[%swap3A, %swap3A_5, %swap3A_6], %swap3A_9 {strides = array<i32>} : memref<2x2000x128xf32, #tpu.memory_space<vmem>>, vector<1x2000x128xf32>,
    %sub3A = arith.constant 1.000000e+00 : f32
    %sub3A_10 = vector.broadcast %sub3A : f32 to vector<2000x128xf32>
    %sub3A_11 = arith.subf %sub3A_10, %min3A_4 : vector<2000x128xf32>
    %log3A_12 = math.log %sub3A_11 : vector<2000x128xf32>
    %swap3A_13 = arith.constant 1 : index
    %swap3A_14 = arith.constant 0 : index
    %swap3A_15 = arith.constant 0 : index
    %swap3A_16 = vector.load %arg2[%swap3A_13, %swap3A_14, %swap3A_15] : memref<2x2000x128xf32, #tpu.memory_space<vmem>>, vector<1x2000x128xf32>
    %swap3A_17 = vector.shape_cast %swap3A_16 : vector<1x2000x128xf32> to vector<2000x128xf32>
    %swap3A_18 = vector.shape_cast %log3A_12 : vector<2000x128xf32> to vector<1x2000x128xf32>
    tpu.vector_store %arg2[%swap3A_13, %swap3A_14, %swap3A_15], %swap3A_18 {strides = array<i32>} : memref<2x2000x128xf32, #tpu.memory_space<vmem>>, vector<1x2000x128xf32>,
    return
  }
  func.func @transform_0(%arg0: i32) -> (i32, i32) {
    %c0_i32 = arith.constant 0 : i32
    %c0_i32_0 = arith.constant 0 : i32
    return %arg0, %c0_i32 : i32, i32
  }
  func.func @transform_1(%arg0: i32) -> (i32, i32, i32) {
    %c0_i32 = arith.constant 0 : i32
    %c0_i32_0 = arith.constant 0 : i32
    %c0_i32_1 = arith.constant 0 : i32
    return %c0_i32, %arg0, %c0_i32_0 : i32, i32, i32
  }
}

module attributes {stable_mosaic.version = 14 : i64} {
  func.func @_stage3_body(%arg0: i32, %arg1: memref<8x1280x128xf32, #tpu.memory_space<vmem>>, %arg2: memref<2x8x128xf32, #tpu.memory_space<vmem>>, %arg3: memref<2x1280x128xf32, #tpu.memory_space<vmem>>) attributes {dimension_semantics = [#tpu.dimension_semantics<arbitrary>], iteration_bounds = array<i64: 8>, scalar_prefetch = 0 : i64, scratch_operands = 0 : i64, tpu.core_type = #tpu.core_type<tc>, window_params = [{transform_indices = @transform_0, window_bounds = array<i64: 8, 1280, 128>}, {pipeline_mode = #tpu.pipeline_mode<synchronous>, transform_indices = @transform_1, window_bounds = array<i64: 2, 8, 128>}, {transform_indices = @transform_2, window_bounds = array<i64: 2, 1280, 128>}]} {
    %get3A = arith.constant 0 : index
    %get3A_0 = arith.constant 0 : index
    %get3A_1 = arith.constant 0 : index
    %get3A_2 = vector.load %arg1[%get3A, %get3A_0, %get3A_1] : memref<8x1280x128xf32, #tpu.memory_space<vmem>>, vector<1x1280x128xf32>
    %get3A_3 = vector.shape_cast %get3A_2 : vector<1x1280x128xf32> to vector<1280x128xf32>
    %jit3A = arith.constant 1.000000e-07 : f32
    %max3A = vector.broadcast %jit3A : f32 to vector<1280x128xf32>
    %max3A_4 = arith.maximumf %max3A, %get3A_3 : vector<1280x128xf32>
    %get3A_5 = arith.constant 0 : index
    %get3A_6 = arith.constant 0 : index
    %get3A_7 = arith.constant 0 : index
    %get3A_8 = vector.load %arg2[%get3A_5, %get3A_6, %get3A_7] : memref<2x8x128xf32, #tpu.memory_space<vmem>>, vector<1x1x128xf32>
    %get3A_9 = vector.shape_cast %get3A_8 : vector<1x1x128xf32> to vector<1x128xf32>
    %get3A_10 = arith.constant 1 : index
    %get3A_11 = arith.constant 0 : index
    %get3A_12 = arith.constant 0 : index
    %get3A_13 = vector.load %arg2[%get3A_10, %get3A_11, %get3A_12] : memref<2x8x128xf32, #tpu.memory_space<vmem>>, vector<1x1x128xf32>
    %get3A_14 = vector.shape_cast %get3A_13 : vector<1x1x128xf32> to vector<1x128xf32>
    %log3A = math.log %max3A_4 : vector<1280x128xf32>
    %mul3A = vector.broadcast %get3A_9 : vector<1x128xf32> to vector<1280x128xf32>
    %mul3A_15 = arith.mulf %mul3A, %log3A : vector<1280x128xf32>
    %exp3A = math.exp %mul3A_15 : vector<1280x128xf32>
    %mul3A_16 = vector.broadcast %get3A_14 : vector<1x128xf32> to vector<1280x128xf32>
    %mul3A_17 = arith.mulf %exp3A, %mul3A_16 : vector<1280x128xf32>
    %get3A_18 = arith.constant 1 : index
    %get3A_19 = arith.constant 0 : index
    %get3A_20 = arith.constant 0 : index
    %get3A_21 = vector.load %arg1[%get3A_18, %get3A_19, %get3A_20] : memref<8x1280x128xf32, #tpu.memory_space<vmem>>, vector<1x1280x128xf32>
    %get3A_22 = vector.shape_cast %get3A_21 : vector<1x1280x128xf32> to vector<1280x128xf32>
    %jit3A_23 = arith.constant 1.000000e-07 : f32
    %max3A_24 = vector.broadcast %jit3A_23 : f32 to vector<1280x128xf32>
    %max3A_25 = arith.maximumf %max3A_24, %get3A_22 : vector<1280x128xf32>
    %get3A_26 = arith.constant 0 : index
    %get3A_27 = arith.constant 1 : index
    %get3A_28 = arith.constant 0 : index
    %get3A_29 = vector.load %arg2[%get3A_26, %get3A_27, %get3A_28] : memref<2x8x128xf32, #tpu.memory_space<vmem>>, vector<1x1x128xf32>
    %get3A_30 = vector.shape_cast %get3A_29 : vector<1x1x128xf32> to vector<1x128xf32>
    %get3A_31 = arith.constant 1 : index
    %get3A_32 = arith.constant 1 : index
    %get3A_33 = arith.constant 0 : index
    %get3A_34 = vector.load %arg2[%get3A_31, %get3A_32, %get3A_33] : memref<2x8x128xf32, #tpu.memory_space<vmem>>, vector<1x1x128xf32>
    %get3A_35 = vector.shape_cast %get3A_34 : vector<1x1x128xf32> to vector<1x128xf32>
    %log3A_36 = math.log %max3A_25 : vector<1280x128xf32>
    %mul3A_37 = vector.broadcast %get3A_30 : vector<1x128xf32> to vector<1280x128xf32>
    %mul3A_38 = arith.mulf %mul3A_37, %log3A_36 : vector<1280x128xf32>
    %exp3A_39 = math.exp %mul3A_38 : vector<1280x128xf32>
    %mul3A_40 = vector.broadcast %get3A_35 : vector<1x128xf32> to vector<1280x128xf32>
    %mul3A_41 = arith.mulf %exp3A_39, %mul3A_40 : vector<1280x128xf32>
    %get3A_42 = arith.constant 2 : index
    %get3A_43 = arith.constant 0 : index
    %get3A_44 = arith.constant 0 : index
    %get3A_45 = vector.load %arg1[%get3A_42, %get3A_43, %get3A_44] : memref<8x1280x128xf32, #tpu.memory_space<vmem>>, vector<1x1280x128xf32>
    %get3A_46 = vector.shape_cast %get3A_45 : vector<1x1280x128xf32> to vector<1280x128xf32>
    %jit3A_47 = arith.constant 1.000000e-07 : f32
    %max3A_48 = vector.broadcast %jit3A_47 : f32 to vector<1280x128xf32>
    %max3A_49 = arith.maximumf %max3A_48, %get3A_46 : vector<1280x128xf32>
    %get3A_50 = arith.constant 0 : index
    %get3A_51 = arith.constant 2 : index
    %get3A_52 = arith.constant 0 : index
    %get3A_53 = vector.load %arg2[%get3A_50, %get3A_51, %get3A_52] : memref<2x8x128xf32, #tpu.memory_space<vmem>>, vector<1x1x128xf32>
    %get3A_54 = vector.shape_cast %get3A_53 : vector<1x1x128xf32> to vector<1x128xf32>
    %get3A_55 = arith.constant 1 : index
    %get3A_56 = arith.constant 2 : index
    %get3A_57 = arith.constant 0 : index
    %get3A_58 = vector.load %arg2[%get3A_55, %get3A_56, %get3A_57] : memref<2x8x128xf32, #tpu.memory_space<vmem>>, vector<1x1x128xf32>
    %get3A_59 = vector.shape_cast %get3A_58 : vector<1x1x128xf32> to vector<1x128xf32>
    %log3A_60 = math.log %max3A_49 : vector<1280x128xf32>
    %mul3A_61 = vector.broadcast %get3A_54 : vector<1x128xf32> to vector<1280x128xf32>
    %mul3A_62 = arith.mulf %mul3A_61, %log3A_60 : vector<1280x128xf32>
    %exp3A_63 = math.exp %mul3A_62 : vector<1280x128xf32>
    %mul3A_64 = vector.broadcast %get3A_59 : vector<1x128xf32> to vector<1280x128xf32>
    %mul3A_65 = arith.mulf %exp3A_63, %mul3A_64 : vector<1280x128xf32>
    %get3A_66 = arith.constant 3 : index
    %get3A_67 = arith.constant 0 : index
    %get3A_68 = arith.constant 0 : index
    %get3A_69 = vector.load %arg1[%get3A_66, %get3A_67, %get3A_68] : memref<8x1280x128xf32, #tpu.memory_space<vmem>>, vector<1x1280x128xf32>
    %get3A_70 = vector.shape_cast %get3A_69 : vector<1x1280x128xf32> to vector<1280x128xf32>
    %jit3A_71 = arith.constant 1.000000e-07 : f32
    %max3A_72 = vector.broadcast %jit3A_71 : f32 to vector<1280x128xf32>
    %max3A_73 = arith.maximumf %max3A_72, %get3A_70 : vector<1280x128xf32>
    %get3A_74 = arith.constant 0 : index
    %get3A_75 = arith.constant 3 : index
    %get3A_76 = arith.constant 0 : index
    %get3A_77 = vector.load %arg2[%get3A_74, %get3A_75, %get3A_76] : memref<2x8x128xf32, #tpu.memory_space<vmem>>, vector<1x1x128xf32>
    %get3A_78 = vector.shape_cast %get3A_77 : vector<1x1x128xf32> to vector<1x128xf32>
    %get3A_79 = arith.constant 1 : index
    %get3A_80 = arith.constant 3 : index
    %get3A_81 = arith.constant 0 : index
    %get3A_82 = vector.load %arg2[%get3A_79, %get3A_80, %get3A_81] : memref<2x8x128xf32, #tpu.memory_space<vmem>>, vector<1x1x128xf32>
    %get3A_83 = vector.shape_cast %get3A_82 : vector<1x1x128xf32> to vector<1x128xf32>
    %log3A_84 = math.log %max3A_73 : vector<1280x128xf32>
    %mul3A_85 = vector.broadcast %get3A_78 : vector<1x128xf32> to vector<1280x128xf32>
    %mul3A_86 = arith.mulf %mul3A_85, %log3A_84 : vector<1280x128xf32>
    %exp3A_87 = math.exp %mul3A_86 : vector<1280x128xf32>
    %mul3A_88 = vector.broadcast %get3A_83 : vector<1x128xf32> to vector<1280x128xf32>
    %mul3A_89 = arith.mulf %exp3A_87, %mul3A_88 : vector<1280x128xf32>
    %get3A_90 = arith.constant 4 : index
    %get3A_91 = arith.constant 0 : index
    %get3A_92 = arith.constant 0 : index
    %get3A_93 = vector.load %arg1[%get3A_90, %get3A_91, %get3A_92] : memref<8x1280x128xf32, #tpu.memory_space<vmem>>, vector<1x1280x128xf32>
    %get3A_94 = vector.shape_cast %get3A_93 : vector<1x1280x128xf32> to vector<1280x128xf32>
    %jit3A_95 = arith.constant 1.000000e-07 : f32
    %max3A_96 = vector.broadcast %jit3A_95 : f32 to vector<1280x128xf32>
    %max3A_97 = arith.maximumf %max3A_96, %get3A_94 : vector<1280x128xf32>
    %get3A_98 = arith.constant 0 : index
    %get3A_99 = arith.constant 4 : index
    %get3A_100 = arith.constant 0 : index
    %get3A_101 = vector.load %arg2[%get3A_98, %get3A_99, %get3A_100] : memref<2x8x128xf32, #tpu.memory_space<vmem>>, vector<1x1x128xf32>
    %get3A_102 = vector.shape_cast %get3A_101 : vector<1x1x128xf32> to vector<1x128xf32>
    %get3A_103 = arith.constant 1 : index
    %get3A_104 = arith.constant 4 : index
    %get3A_105 = arith.constant 0 : index
    %get3A_106 = vector.load %arg2[%get3A_103, %get3A_104, %get3A_105] : memref<2x8x128xf32, #tpu.memory_space<vmem>>, vector<1x1x128xf32>
    %get3A_107 = vector.shape_cast %get3A_106 : vector<1x1x128xf32> to vector<1x128xf32>
    %log3A_108 = math.log %max3A_97 : vector<1280x128xf32>
    %mul3A_109 = vector.broadcast %get3A_102 : vector<1x128xf32> to vector<1280x128xf32>
    %mul3A_110 = arith.mulf %mul3A_109, %log3A_108 : vector<1280x128xf32>
    %exp3A_111 = math.exp %mul3A_110 : vector<1280x128xf32>
    %mul3A_112 = vector.broadcast %get3A_107 : vector<1x128xf32> to vector<1280x128xf32>
    %mul3A_113 = arith.mulf %exp3A_111, %mul3A_112 : vector<1280x128xf32>
    %get3A_114 = arith.constant 5 : index
    %get3A_115 = arith.constant 0 : index
    %get3A_116 = arith.constant 0 : index
    %get3A_117 = vector.load %arg1[%get3A_114, %get3A_115, %get3A_116] : memref<8x1280x128xf32, #tpu.memory_space<vmem>>, vector<1x1280x128xf32>
    %get3A_118 = vector.shape_cast %get3A_117 : vector<1x1280x128xf32> to vector<1280x128xf32>
    %jit3A_119 = arith.constant 1.000000e-07 : f32
    %max3A_120 = vector.broadcast %jit3A_119 : f32 to vector<1280x128xf32>
    %max3A_121 = arith.maximumf %max3A_120, %get3A_118 : vector<1280x128xf32>
    %get3A_122 = arith.constant 0 : index
    %get3A_123 = arith.constant 5 : index
    %get3A_124 = arith.constant 0 : index
    %get3A_125 = vector.load %arg2[%get3A_122, %get3A_123, %get3A_124] : memref<2x8x128xf32, #tpu.memory_space<vmem>>, vector<1x1x128xf32>
    %get3A_126 = vector.shape_cast %get3A_125 : vector<1x1x128xf32> to vector<1x128xf32>
    %get3A_127 = arith.constant 1 : index
    %get3A_128 = arith.constant 5 : index
    %get3A_129 = arith.constant 0 : index
    %get3A_130 = vector.load %arg2[%get3A_127, %get3A_128, %get3A_129] : memref<2x8x128xf32, #tpu.memory_space<vmem>>, vector<1x1x128xf32>
    %get3A_131 = vector.shape_cast %get3A_130 : vector<1x1x128xf32> to vector<1x128xf32>
    %log3A_132 = math.log %max3A_121 : vector<1280x128xf32>
    %mul3A_133 = vector.broadcast %get3A_126 : vector<1x128xf32> to vector<1280x128xf32>
    %mul3A_134 = arith.mulf %mul3A_133, %log3A_132 : vector<1280x128xf32>
    %exp3A_135 = math.exp %mul3A_134 : vector<1280x128xf32>
    %mul3A_136 = vector.broadcast %get3A_131 : vector<1x128xf32> to vector<1280x128xf32>
    %mul3A_137 = arith.mulf %exp3A_135, %mul3A_136 : vector<1280x128xf32>
    %get3A_138 = arith.constant 6 : index
    %get3A_139 = arith.constant 0 : index
    %get3A_140 = arith.constant 0 : index
    %get3A_141 = vector.load %arg1[%get3A_138, %get3A_139, %get3A_140] : memref<8x1280x128xf32, #tpu.memory_space<vmem>>, vector<1x1280x128xf32>
    %get3A_142 = vector.shape_cast %get3A_141 : vector<1x1280x128xf32> to vector<1280x128xf32>
    %jit3A_143 = arith.constant 1.000000e-07 : f32
    %max3A_144 = vector.broadcast %jit3A_143 : f32 to vector<1280x128xf32>
    %max3A_145 = arith.maximumf %max3A_144, %get3A_142 : vector<1280x128xf32>
    %get3A_146 = arith.constant 0 : index
    %get3A_147 = arith.constant 6 : index
    %get3A_148 = arith.constant 0 : index
    %get3A_149 = vector.load %arg2[%get3A_146, %get3A_147, %get3A_148] : memref<2x8x128xf32, #tpu.memory_space<vmem>>, vector<1x1x128xf32>
    %get3A_150 = vector.shape_cast %get3A_149 : vector<1x1x128xf32> to vector<1x128xf32>
    %get3A_151 = arith.constant 1 : index
    %get3A_152 = arith.constant 6 : index
    %get3A_153 = arith.constant 0 : index
    %get3A_154 = vector.load %arg2[%get3A_151, %get3A_152, %get3A_153] : memref<2x8x128xf32, #tpu.memory_space<vmem>>, vector<1x1x128xf32>
    %get3A_155 = vector.shape_cast %get3A_154 : vector<1x1x128xf32> to vector<1x128xf32>
    %log3A_156 = math.log %max3A_145 : vector<1280x128xf32>
    %mul3A_157 = vector.broadcast %get3A_150 : vector<1x128xf32> to vector<1280x128xf32>
    %mul3A_158 = arith.mulf %mul3A_157, %log3A_156 : vector<1280x128xf32>
    %exp3A_159 = math.exp %mul3A_158 : vector<1280x128xf32>
    %mul3A_160 = vector.broadcast %get3A_155 : vector<1x128xf32> to vector<1280x128xf32>
    %mul3A_161 = arith.mulf %exp3A_159, %mul3A_160 : vector<1280x128xf32>
    %get3A_162 = arith.constant 7 : index
    %get3A_163 = arith.constant 0 : index
    %get3A_164 = arith.constant 0 : index
    %get3A_165 = vector.load %arg1[%get3A_162, %get3A_163, %get3A_164] : memref<8x1280x128xf32, #tpu.memory_space<vmem>>, vector<1x1280x128xf32>
    %get3A_166 = vector.shape_cast %get3A_165 : vector<1x1280x128xf32> to vector<1280x128xf32>
    %jit3A_167 = arith.constant 1.000000e-07 : f32
    %max3A_168 = vector.broadcast %jit3A_167 : f32 to vector<1280x128xf32>
    %max3A_169 = arith.maximumf %max3A_168, %get3A_166 : vector<1280x128xf32>
    %get3A_170 = arith.constant 0 : index
    %get3A_171 = arith.constant 7 : index
    %get3A_172 = arith.constant 0 : index
    %get3A_173 = vector.load %arg2[%get3A_170, %get3A_171, %get3A_172] : memref<2x8x128xf32, #tpu.memory_space<vmem>>, vector<1x1x128xf32>
    %get3A_174 = vector.shape_cast %get3A_173 : vector<1x1x128xf32> to vector<1x128xf32>
    %get3A_175 = arith.constant 1 : index
    %get3A_176 = arith.constant 7 : index
    %get3A_177 = arith.constant 0 : index
    %get3A_178 = vector.load %arg2[%get3A_175, %get3A_176, %get3A_177] : memref<2x8x128xf32, #tpu.memory_space<vmem>>, vector<1x1x128xf32>
    %get3A_179 = vector.shape_cast %get3A_178 : vector<1x1x128xf32> to vector<1x128xf32>
    %log3A_180 = math.log %max3A_169 : vector<1280x128xf32>
    %mul3A_181 = vector.broadcast %get3A_174 : vector<1x128xf32> to vector<1280x128xf32>
    %mul3A_182 = arith.mulf %mul3A_181, %log3A_180 : vector<1280x128xf32>
    %exp3A_183 = math.exp %mul3A_182 : vector<1280x128xf32>
    %mul3A_184 = vector.broadcast %get3A_179 : vector<1x128xf32> to vector<1280x128xf32>
    %mul3A_185 = arith.mulf %exp3A_183, %mul3A_184 : vector<1280x128xf32>
    %add3A = arith.addf %mul3A_17, %mul3A_65 : vector<1280x128xf32>
    %add3A_186 = arith.addf %mul3A_113, %mul3A_161 : vector<1280x128xf32>
    %sign3A = tpu.bitcast %add3A_186 : vector<1280x128xf32> -> vector<1280x128xi32>
    %sign3A_187 = arith.constant -2147483648 : i32
    %sign3A_188 = vector.broadcast %sign3A_187 : i32 to vector<1280x128xi32>
    %sign3A_189 = arith.andi %sign3A, %sign3A_188 : vector<1280x128xi32>
    %sign3A_190 = arith.constant 1065353216 : i32
    %sign3A_191 = vector.broadcast %sign3A_190 : i32 to vector<1280x128xi32>
    %sign3A_192 = arith.ori %sign3A_191, %sign3A_189 : vector<1280x128xi32>
    %sign3A_193 = tpu.bitcast %sign3A_192 : vector<1280x128xi32> -> vector<1280x128xf32>
    %sign3A_194 = math.absf %add3A_186 : vector<1280x128xf32>
    %sign3A_195 = arith.constant 0.000000e+00 : f32
    %sign3A_196 = vector.broadcast %sign3A_195 : f32 to vector<1280x128xf32>
    %sign3A_197 = arith.cmpf ogt, %sign3A_194, %sign3A_196 : vector<1280x128xf32>
    %sign3A_198 = arith.select %sign3A_197, %sign3A_193, %add3A_186 : vector<1280x128xi1>, vector<1280x128xf32>
    %jit3A_199 = arith.constant 0.000000e+00 : f32
    %max3A_200 = vector.broadcast %jit3A_199 : f32 to vector<1280x128xf32>
    %max3A_201 = arith.maximumf %max3A_200, %sign3A_198 : vector<1280x128xf32>
    %mul3A_202 = arith.constant 2.000000e+00 : f32
    %mul3A_203 = vector.broadcast %mul3A_202 : f32 to vector<1280x128xf32>
    %mul3A_204 = arith.mulf %mul3A_203, %max3A_201 : vector<1280x128xf32>
    %sub3A = arith.constant 1.000000e+00 : f32
    %sub3A_205 = vector.broadcast %sub3A : f32 to vector<1280x128xf32>
    %sub3A_206 = arith.subf %mul3A_204, %sub3A_205 : vector<1280x128xf32>
    %lt3A = arith.constant 1.000000e-07 : f32
    %lt3A_207 = vector.broadcast %lt3A : f32 to vector<1280x128xf32>
    %lt3A_208 = arith.cmpf olt, %add3A_186, %lt3A_207 : vector<1280x128xf32>
    %gt3A = arith.constant -1.000000e-07 : f32
    %gt3A_209 = vector.broadcast %gt3A : f32 to vector<1280x128xf32>
    %gt3A_210 = arith.cmpf ogt, %add3A_186, %gt3A_209 : vector<1280x128xf32>
    %and3A = arith.andi %lt3A_208, %gt3A_210 : vector<1280x128xi1>
    %mul3A_211 = arith.constant 1.000000e-07 : f32
    %mul3A_212 = vector.broadcast %mul3A_211 : f32 to vector<1280x128xf32>
    %mul3A_213 = arith.mulf %sub3A_206, %mul3A_212 : vector<1280x128xf32>
    %select_n3A = arith.select %and3A, %mul3A_213, %add3A_186 : vector<1280x128xi1>, vector<1280x128xf32>
    %div3A = arith.divf %add3A, %select_n3A : vector<1280x128xf32>
    %swap3A = arith.constant 0 : index
    %swap3A_214 = arith.constant 0 : index
    %swap3A_215 = arith.constant 0 : index
    %swap3A_216 = vector.load %arg3[%swap3A, %swap3A_214, %swap3A_215] : memref<2x1280x128xf32, #tpu.memory_space<vmem>>, vector<1x1280x128xf32>
    %swap3A_217 = vector.shape_cast %swap3A_216 : vector<1x1280x128xf32> to vector<1280x128xf32>
    %swap3A_218 = vector.shape_cast %div3A : vector<1280x128xf32> to vector<1x1280x128xf32>
    tpu.vector_store %arg3[%swap3A, %swap3A_214, %swap3A_215], %swap3A_218 {strides = array<i32>} : memref<2x1280x128xf32, #tpu.memory_space<vmem>>, vector<1x1280x128xf32>,
    %add3A_219 = arith.addf %mul3A_41, %mul3A_89 : vector<1280x128xf32>
    %add3A_220 = arith.addf %mul3A_137, %mul3A_185 : vector<1280x128xf32>
    %sign3A_221 = tpu.bitcast %add3A_220 : vector<1280x128xf32> -> vector<1280x128xi32>
    %sign3A_222 = arith.constant -2147483648 : i32
    %sign3A_223 = vector.broadcast %sign3A_222 : i32 to vector<1280x128xi32>
    %sign3A_224 = arith.andi %sign3A_221, %sign3A_223 : vector<1280x128xi32>
    %sign3A_225 = arith.constant 1065353216 : i32
    %sign3A_226 = vector.broadcast %sign3A_225 : i32 to vector<1280x128xi32>
    %sign3A_227 = arith.ori %sign3A_226, %sign3A_224 : vector<1280x128xi32>
    %sign3A_228 = tpu.bitcast %sign3A_227 : vector<1280x128xi32> -> vector<1280x128xf32>
    %sign3A_229 = math.absf %add3A_220 : vector<1280x128xf32>
    %sign3A_230 = arith.constant 0.000000e+00 : f32
    %sign3A_231 = vector.broadcast %sign3A_230 : f32 to vector<1280x128xf32>
    %sign3A_232 = arith.cmpf ogt, %sign3A_229, %sign3A_231 : vector<1280x128xf32>
    %sign3A_233 = arith.select %sign3A_232, %sign3A_228, %add3A_220 : vector<1280x128xi1>, vector<1280x128xf32>
    %jit3A_234 = arith.constant 0.000000e+00 : f32
    %max3A_235 = vector.broadcast %jit3A_234 : f32 to vector<1280x128xf32>
    %max3A_236 = arith.maximumf %max3A_235, %sign3A_233 : vector<1280x128xf32>
    %mul3A_237 = arith.constant 2.000000e+00 : f32
    %mul3A_238 = vector.broadcast %mul3A_237 : f32 to vector<1280x128xf32>
    %mul3A_239 = arith.mulf %mul3A_238, %max3A_236 : vector<1280x128xf32>
    %sub3A_240 = arith.constant 1.000000e+00 : f32
    %sub3A_241 = vector.broadcast %sub3A_240 : f32 to vector<1280x128xf32>
    %sub3A_242 = arith.subf %mul3A_239, %sub3A_241 : vector<1280x128xf32>
    %lt3A_243 = arith.constant 1.000000e-07 : f32
    %lt3A_244 = vector.broadcast %lt3A_243 : f32 to vector<1280x128xf32>
    %lt3A_245 = arith.cmpf olt, %add3A_220, %lt3A_244 : vector<1280x128xf32>
    %gt3A_246 = arith.constant -1.000000e-07 : f32
    %gt3A_247 = vector.broadcast %gt3A_246 : f32 to vector<1280x128xf32>
    %gt3A_248 = arith.cmpf ogt, %add3A_220, %gt3A_247 : vector<1280x128xf32>
    %and3A_249 = arith.andi %lt3A_245, %gt3A_248 : vector<1280x128xi1>
    %mul3A_250 = arith.constant 1.000000e-07 : f32
    %mul3A_251 = vector.broadcast %mul3A_250 : f32 to vector<1280x128xf32>
    %mul3A_252 = arith.mulf %sub3A_242, %mul3A_251 : vector<1280x128xf32>
    %select_n3A_253 = arith.select %and3A_249, %mul3A_252, %add3A_220 : vector<1280x128xi1>, vector<1280x128xf32>
    %div3A_254 = arith.divf %add3A_219, %select_n3A_253 : vector<1280x128xf32>
    %swap3A_255 = arith.constant 1 : index
    %swap3A_256 = arith.constant 0 : index
    %swap3A_257 = arith.constant 0 : index
    %swap3A_258 = vector.load %arg3[%swap3A_255, %swap3A_256, %swap3A_257] : memref<2x1280x128xf32, #tpu.memory_space<vmem>>, vector<1x1280x128xf32>
    %swap3A_259 = vector.shape_cast %swap3A_258 : vector<1x1280x128xf32> to vector<1280x128xf32>
    %swap3A_260 = vector.shape_cast %div3A_254 : vector<1280x128xf32> to vector<1x1280x128xf32>
    tpu.vector_store %arg3[%swap3A_255, %swap3A_256, %swap3A_257], %swap3A_260 {strides = array<i32>} : memref<2x1280x128xf32, #tpu.memory_space<vmem>>, vector<1x1280x128xf32>,
    return
  }
  func.func @transform_0(%arg0: i32) -> (i32, i32, i32) {
    %c0_i32 = arith.constant 0 : i32
    %c0_i32_0 = arith.constant 0 : i32
    %c0_i32_1 = arith.constant 0 : i32
    return %c0_i32, %arg0, %c0_i32_0 : i32, i32, i32
  }
  func.func @transform_1(%arg0: i32) -> (i32, i32, i32) {
    %c0_i32 = arith.constant 0 : i32
    %c0_i32_0 = arith.constant 0 : i32
    %c0_i32_1 = arith.constant 0 : i32
    %c0_i32_2 = arith.constant 0 : i32
    return %c0_i32, %c0_i32_0, %c0_i32_1 : i32, i32, i32
  }
  func.func @transform_2(%arg0: i32) -> (i32, i32, i32) {
    %c0_i32 = arith.constant 0 : i32
    %c0_i32_0 = arith.constant 0 : i32
    %c0_i32_1 = arith.constant 0 : i32
    return %c0_i32, %arg0, %c0_i32_0 : i32, i32, i32
  }
}

</mosaic_0001>

<sc_bundles>
// kernel: kernel.5.cloned.1.call-start
scs
__scs_entry_jumppad:
0x0: {  	(pc) =	sbr.rel $0x88, $3  }
0x1: {  	(tag) =	ssettag $0x0;
	lr =	simm.s32 $0x1  }
0x2: {  	[smem:$0x3F9E] =	sst lr;
	_ =	strace $0xD0000000  }
0x3: {  	_ = 	snop  }
0x4: {  	_ = 	snop  }
0x5: {  	_ = 	snop  }
0x6: {  	_ = 	snop  }
0x7: {  	_ = 	snop  }
__scs_overlays_trampoline_lowered:
0x8: {  	[smem:$0x3FAD] =	sst s0  }
0x9: {  	[smem:$0x3FAE] =	sst s1  }
0xa: {  	[smem:$0x3FAF] =	sst s2  }
0xb: {  	[smem:$0x3FB0] =	sst s3  }
0xc: {  	[smem:$0x3FB1] =	sst s4  }
0xd: {  	[smem:$0x3FB2] =	sst s5  }
0xe: {  	[smem:$0x3FB3] =	sst s6  }
0xf: {  	[smem:$0x3FB4] =	sst s7  }
0x10: {  	[smem:$0x3FB5] =	sst s8  }
0x11: {  	[smem:$0x3FB6] =	sst s9;
	s0 =	simm.s32 @!p0 $0x0  }
0x12: {  	s1 =	sld [smem:$0x3F9C];
	s0 =	simm.s32 @p0 $0x1  }
0x13: {  	[smem:$0x3FB7] =	sst s0;
	s0 =	simm.s32 @!p1 $0x0  }
0x14: {  	s2 =	sld [smem:$0x3F9B];
	s0 =	simm.s32 @p1 $0x1  }
0x15: {  	[smem:$0x3FB8] =	sst s0;
	s0 =	simm.s32 @!p2 $0x0  }
0x16: {  	s3 =	sld [smem:$0x3FDB];
	s0 =	simm.s32 @p2 $0x1  }
0x17: {  	s4 =	simm.s32 $0x1BF5;
	[smem:$0x3FBA] =	sst s0  }
0x18: {  	s0 =	sld [smem:$0x3F9D];
	_ =	swait.ge [sflag:s4], $0x0  }
0x19: {  	s7 =	sld [smem:$0x3F9E]  }
0x1a: {  	s8 =	sadd.s32 $0xFFFFE003, lr  }
0x1b: {  	s9 =	sadd.s32 $0xFFFFFEF7, lr;
	s5 =	simm.s32 $0xFFFFFFFF;
	p2 =	slt.u32 s8, $0xFFFFF086  }
0x1c: {  	p1 =	slt.u32 s9, $0xF7A;
	s5 =	simm.s32 @!p2 $0x0  }
0x1d: {  	s5 =	simm.s32 @p1 $0x1;
	p0 =	seq.s32 s7, s2  }
0x1e: {  	s7 =	smul.u32 @!p0 $0xF7A, s2;
	p2 =	seq.s32 @!p0 s5, $0x0  }
0x1f: {  	s9 =	smul.u32 $0xF7A, s1;
	s8 =	simm.s32 @!p0 $0x1BF5;
	p2 =	por !p2, p0  }
0x20: {  	[sflag:s8] =	ssyncset.s32 @!p0 $0xFFFFF086;
	s6 =	sadd.s32 @!p0 s3, s7;
	s7 =	simm.s32 @!p0 $0x108  }
0x21: {  	s3 =	sadd.s32 s3, s9;
	s6 =	sadd.s32 @!p0 $0x88, s6;
	s7 =	simm.s32 @p2 $0x1082  }
0x22: {  	[simem:s7], [sflag:s8] =	dma.local @!p0 [hbm:s6], $0xF7A  }
0x23: {  	s9 =	sor.u32 $0xD0000000, s2;
	s6 =	simm.s32 $0x108;
	_ =	swait.ge @!p0 [sflag:s8], $0x0  }
0x24: {  	s3 =	sadd.s32 $0x88, s3;
	s6 =	simm.s32 @!p1 $0x1082;
	[sflag:s4] =	ssyncset.s32 $0xFFFFF086  }
0x25: {  	[simem:s6], [sflag:s4] =	dma.local [hbm:s3], $0xF7A  }
0x26: {  	[smem:$0x3F9E] =	sst s1;
	(tag) =	ssettag s2;
	_ =	strace s9  }
0x27: {  	s1 =	sld [smem:$0x3FAE]  }
0x28: {  	s2 =	sld [smem:$0x3FAF]  }
0x29: {  	s4 =	sld [smem:$0x3FB1]  }
0x2a: {  	p0 =	seq.s32 s5, $0x0;
	s5 =	sld [smem:$0x3FB2]  }
0x2b: {  	s6 =	sld [smem:$0x3FB3]  }
0x2c: {  	s7 =	sld [smem:$0x3FB4]  }
0x2d: {  	s3 =	simm.s32 $0x108;
	s8 =	sld [smem:$0x3FB5]  }
0x2e: {  	s3 =	simm.s32 @!p0 $0x1082;
	s9 =	sld [smem:$0x3FB6]  }
0x2f: {  	lr =	sadd.s32 s0, s3;
	s0 =	sld [smem:$0x3FAD]  }
0x30: {  	s3 =	sld [smem:$0x3FB0]  }
0x31: {  	[smem:$0x3FB9] =	sst s10  }
0x32: {  	s10 =	sld [smem:$0x3FB7];
	_ =	sdelay $0x3  }
0x33: {  	p0 =	seq.s32 s10, $0x1;
	s10 =	sld [smem:$0x3FB9];
	_ =	sdelay $0x3  }
0x34: {  	[smem:$0x3FB9] =	sst s10  }
0x35: {  	s10 =	sld [smem:$0x3FB8];
	_ =	sdelay $0x3  }
0x36: {  	p1 =	seq.s32 s10, $0x1;
	s10 =	sld [smem:$0x3FB9];
	_ =	sdelay $0x3  }
0x37: {  	[smem:$0x3FB9] =	sst s10  }
0x38: {  	s10 =	sld [smem:$0x3FBA]  }
0x39: {  	_ = 	snop;
	(pc) =	sbr.ind lr, $3  }
0x3a: {  	_ = 	snop  }
0x3b: {  	_ = 	snop  }
0x3c: {  	p2 =	seq.s32 s10, $0x1;
	s10 =	sld [smem:$0x3FB9]  }
0x3d: {  	_ =	shalt  }
0x3e: {  	_ =	shalt  }
0x3f: {  	_ =	shalt  }
0x40: {  	_ =	shalt  }
0x41: {  	_ =	shalt  }
0x42: {  	_ =	shalt  }
0x43: {  	_ =	shalt  }
0x44: {  	_ =	shalt  }
0x45: {  	_ =	shalt  }
0x46: {  	_ =	shalt  }
0x47: {  	_ =	shalt  }
0x48: {  	_ =	shalt  }
0x49: {  	_ =	shalt  }
0x4a: {  	_ =	shalt  }
0x4b: {  	_ =	shalt  }
0x4c: {  	_ =	shalt  }
0x4d: {  	_ =	shalt  }
0x4e: {  	_ =	shalt  }
0x4f: {  	_ =	shalt  }
0x50: {  	_ =	shalt  }
0x51: {  	_ =	shalt  }
0x52: {  	_ =	shalt  }
0x53: {  	_ =	shalt  }
0x54: {  	_ =	shalt  }
0x55: {  	_ =	shalt  }
0x56: {  	_ =	shalt  }
0x57: {  	_ =	shalt  }
0x58: {  	_ =	shalt  }
0x59: {  	_ =	shalt  }
0x5a: {  	_ =	shalt  }
0x5b: {  	_ =	shalt  }
0x5c: {  	_ =	shalt  }
0x5d: {  	_ =	shalt  }
0x5e: {  	_ =	shalt  }
0x5f: {  	_ =	shalt  }
0x60: {  	_ =	shalt  }
0x61: {  	_ =	shalt  }
0x62: {  	_ =	shalt  }
0x63: {  	_ =	shalt  }
0x64: {  	_ =	shalt  }
0x65: {  	_ =	shalt  }
0x66: {  	_ =	shalt  }
0x67: {  	_ =	shalt  }
0x68: {  	_ =	shalt  }
0x69: {  	_ =	shalt  }
0x6a: {  	_ =	shalt  }
0x6b: {  	_ =	shalt  }
0x6c: {  	_ =	shalt  }
0x6d: {  	_ =	shalt  }
0x6e: {  	_ =	shalt  }
0x6f: {  	_ =	shalt  }
0x70: {  	_ =	shalt  }
0x71: {  	_ =	shalt  }
0x72: {  	_ =	shalt  }
0x73: {  	_ =	shalt  }
0x74: {  	_ =	shalt  }
0x75: {  	_ =	shalt  }
0x76: {  	_ =	shalt  }
0x77: {  	_ =	shalt  }
0x78: {  	_ =	shalt  }
0x79: {  	_ =	shalt  }
0x7a: {  	_ =	shalt  }
0x7b: {  	_ =	shalt  }
0x7c: {  	_ =	shalt  }
0x7d: {  	_ =	shalt  }
0x7e: {  	_ =	shalt  }
0x7f: {  	_ =	shalt  }
0x80: {  	_ =	shalt  }
0x81: {  	_ =	shalt  }
0x82: {  	_ =	shalt  }
0x83: {  	_ =	shalt  }
0x84: {  	_ =	shalt  }
0x85: {  	_ =	shalt  }
0x86: {  	_ =	shalt  }
0x87: {  	_ =	shalt  }
.Lfunc_end0:
.L_simem_size_0:
called_computation_lowered:
.L_overlay_start_0:
0x88: {  	s2 =	sld [smem:$0x3FD9]  }
0x89: {  	s3 =	sld [smem:$0x3FFE];
	_ =	sdelay $0x1  }
0x8a: {  	s1 =	srdreg.scid  }
0x8b: {  	s0 =	sand.u32 $0x1, s1  }
0x8c: {  	s17 =	sshll.u32 s0, $0xA;
	s2 =	sadd.s32 s3, s2  }
0x8d: {  	s2 =	sadd.s32 s2, s17  }
0x8e: {  	[smem:$0x3FC5] =	sst s2  }
0x8f: {  	_ = 	snop  }
0x90: {  	s2 =	sld [smem:$0x3FD0];
	(tm) =	ssettm $0x1  }
0x91: {  	s18 =	sld [smem:$0x3FFB];
	_ =	sdelay $0x3  }
0x92: {  	_ =	strace s18  }
0x93: {  	s3 =	sld [smem:$0x3FFC];
	_ =	sdelay $0x3  }
0x94: {  	_ =	strace s3  }
0x95: {  	s3 =	sld [smem:$0x3FFD];
	_ =	sdelay $0x3  }
0x96: {  	_ =	strace s3  }
0x97: {  	_ =	strace $0x8FFFFFFF  }
0x98: {  	s19 =	sld [smem:$0x3FDB];
	_ =	sdelay $0x1  }
0x99: {  	s4 =	simm.s32 $_scs_section_size  }
0x9a: {  	s5 =	simm.s32 $_size__tile_overlayer_lowered;
	s6 =	simm.s32 $_tile_overlayer_lowered  }
0x9b: {  	s22 =	simm.s32 $0x1BFF;
	s21 =	sshll.u32 s6, $0x1;
	s3 =	sadd.s32 s4, s19  }
0x9c: {  	s7 =	simm.s32 $0x0;
	s20 =	sshll.u32 s5, $0x1;
	s5 =	sadd.s32 s21, s3  }
0x9d: {  	[timem:s7], [sflag:s22] =	dma.local [hbm:s5], s20  }
0x9e: {  	_ =	swait.ge [sflag:s22], s20  }
0x9f: {  	s4 =	ssub.s32 $0x0, s20;
	[sflag:s22] =	ssyncset.done $0x0  }
0xa0: {  	[sflag:s22] =	ssyncadd.s32 s4;
	_ =	sdelay $0x1  }
0xa1: {  	s23 =	simm.s32 $0x1B8B  }
0xa2: {  	_ =	swait.ge [sflag:s23], $0x1  }
0xa3: {  	[sflag:s23] =	ssyncset.done $0x0  }
0xa4: {  	s25 =	simm.s32 $0x1B8E;
	s24 =	sld [smem:$0x3FFE];
	[sflag:s23] =	ssyncadd.s32 $0xFFFFFFFF  }
0xa5: {  	s26 =	simm.s32 $execute0_lowered;
	[smem:$0x3FD2] =	sst s25  }
0xa6: {  	s5 =	sshll.u32 s26, $0x1;
	_ =	strace $0x80000046;
	[dreg:$0x1] =	wrdreg $0xFFFFFFFF  }
0xa7: {  	s28 =	simm.s32 $_size_execute0_lowered;
	s3 =	sadd.s32 s3, s5;
	[dreg:$0x0] =	wrdreg $0x0  }
0xa8: {  	s5 =	sshll.u32 s28, $0x1;
	[dreg:$0x2] =	wrdreg s3  }
0xa9: {  	[dreg:$0x3] =	wrdreg s5  }
0xaa: {  	[dreg:$0x4] =	wrdreg $0xC0  }
0xab: {  	_ =	task [dreg:s7], $0x5FFFF  }
0xac: {  	[dreg:$0x1] =	wrdreg $0xFFFFFFFF  }
0xad: {  	[dreg:$0x0] =	wrdreg $0x60  }
0xae: {  	[dreg:$0x2] =	wrdreg s24  }
0xaf: {  	[dreg:$0x3] =	wrdreg s2  }
0xb0: {  	[dreg:$0x4] =	wrdreg $0xB8800  }
0xb1: {  	[dreg:$0x5] =	wrdreg $0x9  }
0xb2: {  	_ =	task.clear_ibuf [dreg:s7], $0x6FFFF;
	_ =	strace $0x90000046  }
0xb3: {  	s29 =	simm.s32 $0x9;
	_ =	strace $0x80000048  }
0xb4: {  	_ =	swait.ge [sflag:s29], $0x1  }
0xb5: {  	[sflag:s29] =	ssyncadd.s32 $0xFFFFFFFF  }
0xb6: {  	_ =	strace $0x90000048  }
0xb7: {  	_ =	sfence  }
0xb8: {  	s30 =	sld [smem:$0x0];
	_ =	sdelay $0x2  }
0xb9: {  	s31 =	sshll.u32 s1, $0xD;
	s1 =	sshrl.u32 s1, $0x2  }
0xba: {  	s3 =	sand.u32 $0x4000, s31;
	s1 =	sadd.s32 s1, s30  }
0xbb: {  	s0 =	sor.u32 s3, s0;
	s1 =	sshll.u32 s1, $0x11  }
0xbc: {  	s0 =	sor.u32 s1, s0  }
0xbd: {  	s0 =	sadd.s32 $0x8F2B, s0  }
0xbe: {  	[sflag:s0] =	ssyncadd.remote.s32 $0x1  }
0xbf: {  	_ =	sfence.sel $0xFFFF  }
0xc0: {  	[dreg:$0x0] =	wrdreg $0xFFFFFFFF;
	(pc) =	sbr.abs _section_cstart, $3  }
0xc1: {  	[dreg:$0x1] =	wrdreg $0xFFFFFFFF  }
0xc2: {  	_ =	task.clear_ibuf [dreg:s7], $0x2FFFF;
	_ =	strace $0x9FFFFFFF  }
0xc3: {  	(tm) =	ssettm $0x7FFFFFFF  }
tec
execute0_lowered:
.L_overlay_start_1:
0x0: {  	(tag) =	ssettag $0x1  }
0x1: {  	s0 =	rddreg [dreg:$0x0]  }
0x2: {  	s3 =	rddreg [dreg:$0x1]  }
0x3: {  	s1 =	rddreg [dreg:$0x2]  }
0x4: {  	s2 =	simm.s32 $0x0;
	s4 =	srdreg.scid;
	s7 =	stileid.u32  }
0x5: {  	s28 =	simm.s32 $0x2;
	s29 =	simm.s32 $0x3;
	[smem:$0x7FF] =	sst s2  }
0x6: {  	s4 =	sand.u32 $0x1, s4;
	s5 =	sadd.s32 $0xE00, s0;
	s8 =	sadd.s32 $0x4E3200, s0  }
0x7: {  	s6 =	smul.u32 $0x50000, s7;
	s0 =	sadd.s32 $0x4E3400, s0;
	s20 =	sshll.u32 s7, $0xB  }
0x8: {  	s21 =	smul.u32 $0x280, s7;
	_ =	strace $0x80000047;
	[dreg:$0x4] =	wrdreg s8  }
0x9: {  	[dreg:$0x5] =	wrdreg s0;
	s3 =	sadd.s32 s3, s20;
	s6 =	sshrl.u32 s6, $0x2  }
0xa: {  	s24 =	smul.u32 $0x2710, s7;
	[dreg:$0x6] =	wrdreg s3;
	s10 =	sadd.s32 s6, s1  }
0xb: {  	s16 =	smov.u32 s4;
	[dreg:$0x7] =	wrdreg s21;
	s22 =	sadd.s32 $0x2800, s10  }
0xc: {  	s4 =	ssub.s32 $0x2, s4;
	s23 =	sadd.s32 $0x5000, s10;
	[dreg:$0x8] =	wrdreg s22  }
0xd: {  	s19 =	sshrl.u32 s4, $0x1;
	s25 =	sadd.s32 $0x7800, s10;
	[dreg:$0x9] =	wrdreg s23  }
0xe: {  	s17 =	smov.u32 s24;
	s26 =	sadd.s32 $0xA000, s10;
	[dreg:$0xa] =	wrdreg s25  }
0xf: {  	s3 =	simm.s32 $0x0;
	s30 =	sadd.s32 $0xC800, s10;
	[dreg:$0xb] =	wrdreg s26  }
0x10: {  	s0 =	ssub.s32 s4, s19;
	s31 =	sadd.s32 $0xF000, s10;
	[dreg:$0xc] =	wrdreg s30  }
0x11: {  	s19 =	sadd.s32 $0x50, s24;
	s0 =	smax.u32 s0, $0x1;
	[dreg:$0xd] =	wrdreg s31  }
0x12: {  	s24 =	simm.s32 $0x2800;
	s18 =	sadd.s32 $0x11800, s10;
	[dreg:$0xe] =	wrdreg s0  }
0x13: {  	v0 =	vimm.f32 $0.0e+00;
	s22 =	simm.s32 $0x4;
	s25 =	simm.s32 $0x1;
	s26 =	simm.s32 $0x50  }
.LBB2_1:
0x14: {  	[dreg:$0xf] =	wrdreg s3  }
0x15: {  	s0 =	rddreg [dreg:$0x4];
	s23 =	simm.s32 $0xB800  }
0x16: {  	[tilespmem:s23], [sflag:$0x4] =	stream.linear.gather [hbm4b:s0+s2], $0x80, $0x38;
	[tilespmem:$0x1F880] =	vst v63  }
0x17: {  	_ =	swait.ge [sflag:s22], $0x80  }
0x18: {  	[sflag:s22] =	ssyncset.done $0x0  }
0x19: {  	s31 =	simm.s32 $0x7800;
	s30 =	rddreg [dreg:$0x6];
	[sflag:s22] =	ssyncadd.s32 $0xFFFFFF80  }
0x1a: {  	[tilespmem:s31], [sflag:$0x4] =	stream.linear.gather [hbm4b:s30+s2], $0x3E80, $0x38;
	[tilespmem:$0x1F880] =	vst v63  }
0x1b: {  	_ =	swait.ge [sflag:s22], $0x3E80  }
0x1c: {  	[sflag:s22] =	ssyncset.done $0x0  }
0x1d: {  	s21 =	simm.s32 $0x0;
	[sflag:s22] =	ssyncadd.s32 $0xFFFFC180  }
.LBB2_2:
0x1e: {  	s0 =	sshll.u32 s21, $0x1  }
0x1f: {  	s23 =	sor.u32 s16, s0  }
0x20: {  	s0 =	sshll.u32 s23, $0x4  }
0x21: {  	s0 =	sand.u32 $0x3FFFFFF0, s0  }
0x22: {  	v1 =	vld [tilespmem:s0+$0xB800];
	_ =	sdelay $0x3  }
0x23: {  	s3 =	simm.s32 $0x200;
	s0 =	simm.s32 $0x0  }
.LBB2_3:
0x24: {  	p0 =	sne.s32 s3, $0x9E00;
	[tilespmem:s0+$0x70] =	vst v0  }
0x25: {  	[tilespmem:s0+$0x0] =	vst v0  }
0x26: {  	[tilespmem:s0+$0x10] =	vst v0  }
.Ltmp0:
0x27: {  	[tilespmem:s0+$0x20] =	vst v0;
	(pc) =	sbr.rel @p0 .LBB2_3-.Ltmp0, $4  }
0x28: {  	[tilespmem:s0+$0x30] =	vst v0  }
0x29: {  	[tilespmem:s0+$0x40] =	vst v0  }
0x2a: {  	[tilespmem:s0+$0x50] =	vst v0  }
0x2b: {  	[tilespmem:s0+$0x60] =	vst v0;
	s0 =	sshra.s32 s3, $0x2;
	s3 =	sadd.s32 $0x200, s3  }
0x2c: {  	[tilespmem:s0+$0x70] =	vst v0  }
0x2d: {  	[tilespmem:s0+$0x0] =	vst v0  }
0x2e: {  	[tilespmem:s0+$0x10] =	vst v0  }
0x2f: {  	[tilespmem:s0+$0x20] =	vst v0  }
0x30: {  	[tilespmem:s0+$0x30] =	vst v0  }
0x31: {  	[tilespmem:s0+$0x40] =	vst v0  }
0x32: {  	[tilespmem:s0+$0x50] =	vst v0  }
0x33: {  	[tilespmem:s0+$0x60] =	vst v0;
	s14 =	simm.s32 $0x0  }
0x34: {  	[spmem:s10] =	stream.linear.scatter [tilespmem:s14], [sflag:$0x1], $0x2800, $0x38;
	[tilespmem:$0x1F880] =	vst v63  }
0x35: {  	s11 =	rddreg [dreg:$0x8]  }
0x36: {  	[spmem:s11] =	stream.linear.scatter [tilespmem:s14], [sflag:$0x1], $0x2800, $0x38;
	[tilespmem:$0x1F880] =	vst v63  }
0x37: {  	s12 =	rddreg [dreg:$0x9]  }
0x38: {  	[spmem:s12] =	stream.linear.scatter [tilespmem:s14], [sflag:$0x1], $0x2800, $0x38;
	[tilespmem:$0x1F880] =	vst v63  }
0x39: {  	s13 =	rddreg [dreg:$0xa]  }
0x3a: {  	[spmem:s13] =	stream.linear.scatter [tilespmem:s14], [sflag:$0x1], $0x2800, $0x38;
	[tilespmem:$0x1F880] =	vst v63  }
0x3b: {  	s15 =	rddreg [dreg:$0xb]  }
0x3c: {  	[spmem:s15] =	stream.linear.scatter [tilespmem:s14], [sflag:$0x1], $0x2800, $0x38;
	[tilespmem:$0x1F880] =	vst v63  }
0x3d: {  	s20 =	rddreg [dreg:$0xc]  }
0x3e: {  	[spmem:s20] =	stream.linear.scatter [tilespmem:s14], [sflag:$0x1], $0x2800, $0x38;
	[tilespmem:$0x1F880] =	vst v63  }
0x3f: {  	s30 =	rddreg [dreg:$0xd]  }
0x40: {  	[spmem:s30] =	stream.linear.scatter [tilespmem:s14], [sflag:$0x1], $0x2800, $0x38;
	[tilespmem:$0x1F880] =	vst v63  }
0x41: {  	s8 =	simm.s32 $0x1  }
0x42: {  	[spmem:s18] =	stream.linear.scatter [tilespmem:s14], [sflag:$0x1], $0x2800, $0x38;
	[tilespmem:$0x1F880] =	vst v63  }
0x43: {  	_ =	swait.ge [sflag:s8], $0x2800  }
0x44: {  	[sflag:s8] =	ssyncset.done $0x0  }
0x45: {  	[sflag:s8] =	ssyncadd.s32 $0xFFFFD800  }
0x46: {  	_ =	swait.ge [sflag:s8], $0x2800  }
0x47: {  	[sflag:s8] =	ssyncset.done $0x0  }
0x48: {  	[sflag:s8] =	ssyncadd.s32 $0xFFFFD800  }
0x49: {  	_ =	swait.ge [sflag:s8], $0x2800  }
0x4a: {  	[sflag:s8] =	ssyncset.done $0x0  }
0x4b: {  	[sflag:s8] =	ssyncadd.s32 $0xFFFFD800  }
0x4c: {  	_ =	swait.ge [sflag:s8], $0x2800  }
0x4d: {  	[sflag:s8] =	ssyncset.done $0x0  }
0x4e: {  	[sflag:s8] =	ssyncadd.s32 $0xFFFFD800  }
0x4f: {  	_ =	swait.ge [sflag:s8], $0x2800  }
0x50: {  	[sflag:s8] =	ssyncset.done $0x0  }
0x51: {  	[sflag:s8] =	ssyncadd.s32 $0xFFFFD800  }
0x52: {  	_ =	swait.ge [sflag:s8], $0x2800  }
0x53: {  	[sflag:s8] =	ssyncset.done $0x0  }
0x54: {  	[sflag:s8] =	ssyncadd.s32 $0xFFFFD800  }
0x55: {  	_ =	swait.ge [sflag:s8], $0x2800  }
0x56: {  	s31 =	sand.u32 $0x1, s21;
	[sflag:s8] =	ssyncset.done $0x0  }
0x57: {  	s0 =	simm.s32 $0x27100;
	p0 =	seq.s32 s31, $0x1;
	[sflag:s8] =	ssyncadd.s32 $0xFFFFD800  }
0x58: {  	s0 =	simm.s32 @!p0 $0x0;
	_ =	swait.ge [sflag:s8], $0x2800  }
0x59: {  	s20 =	sadd.s32 s17, s0;
	[sflag:s8] =	ssyncset.done $0x0  }
0x5a: {  	s0 =	sadd.s32 s19, s0;
	s3 =	sshll.u32 s20, $0x4;
	[sflag:s8] =	ssyncadd.s32 $0xFFFFD800  }
0x5b: {  	s0 =	sshll.u32 s0, $0x4;
	s3 =	sadd.s32 s5, s3;
	[bflag:$0x0] =	sbarrier.arrive $0xFFFF  }
0x5c: {  	[tilespmem:s14], [sflag:$0x1] =	stream.linear.gather [hbm4b:s3+s14], $0x2800, $0x38;
	[tilespmem:$0x1F880] =	vst v63  }
0x5d: {  	s0 =	sadd.s32 s5, s0  }
0x5e: {  	[tilespmem:s24], [sflag:$0x2] =	stream.linear.gather [hbm4b:s0+s14], $0x2800, $0x38;
	[tilespmem:$0x1F880] =	vst v63  }
0x5f: {  	s3 =	simm.s32 $0x0;
	s0 =	simm.s32 $0x0  }
.LBB2_5:
0x60: {  	s4 =	smulhi.u32 $0xAAAAAAAB, s0;
	_ =	sdelay $0x1  }
0x61: {  	s4 =	sshrl.u32 s4, $0x1  }
0x62: {  	s4 =	smul.u32 $0xFFFE2000, s4  }
0x63: {  	_ =	swait.ge [sflag:s25], $0x2800  }
0x64: {  	[sflag:s25] =	ssyncset.done $0x0;
	s4 =	sshra.s32 s4, $0x2  }
0x65: {  	[sflag:s25] =	ssyncadd.s32 $0xFFFFD800;
	s4 =	sadd.s32 s4, s14  }
0x66: {  	v2 =	vld [tilespmem:s4+$0x0]  }
0x67: {  	v3 =	vld [tilespmem:s4+$0x1D0]  }
0x68: {  	v6 =	vld [tilespmem:s4+$0x160]  }
0x69: {  	v7 =	vld [tilespmem:s4+$0x1C0]  }
0x6a: {  	v10 =	vld [tilespmem:s4+$0x120]  }
0x6b: {  	v12 =	vld [tilespmem:s4+$0x100]  }
0x6c: {  	v15 =	vld [tilespmem:s4+$0x40]  }
0x6d: {  	v17 =	vld [tilespmem:s4+$0xD0]  }
0x6e: {  	v52 =	vld [tilespmem:s4+$0xB0]  }
0x6f: {  	v18 =	vld [tilespmem:s4+$0x130]  }
0x70: {  	v20 =	vld [tilespmem:s4+$0x170]  }
0x71: {  	v55 =	vld [tilespmem:s4+$0x110];
	v2 =	vmul.f32 v2, v1;
	v3 =	vmul.f32 v3, v1  }
0x72: {  	v4 =	vld [tilespmem:s4+$0x1F0];
	v7 =	vmul.f32 v7, v1;
	v10 =	vmul.f32 v10, v1  }
0x73: {  	v5 =	vld [tilespmem:s4+$0x1B0];
	v12 =	vmul.f32 v12, v1;
	v6 =	vmul.f32 v6, v1  }
0x74: {  	v51 =	vmul.f32 v15, v1;
	v17 =	vmul.f32 v17, v1  }
0x75: {  	v53 =	vmul.f32 v52, v1;
	v54 =	vmul.f32 v18, v1  }
0x76: {  	v8 =	vld [tilespmem:s4+$0x1E0];
	v56 =	vmul.f32 v20, v1;
	v15 =	vmul.f32 v55, v1  }
0x77: {  	v9 =	vld [tilespmem:s4+$0x1A0];
	v2 =	vmul.f32 $1.442695020e+00, v2;
	v11 =	vmul.f32 $1.442695020e+00, v3  }
0x78: {  	v3 =	vmul.f32 v4, v1;
	v4 =	vmul.f32 v5, v1  }
0x79: {  	v50 =	vld [tilespmem:s4+$0x60];
	v7 =	vmul.f32 $1.442695020e+00, v7;
	v12 =	vmul.f32 $1.442695020e+00, v12  }
0x7a: {  	v5 =	vld [tilespmem:s4+$0x180];
	v6 =	vmul.f32 $1.442695020e+00, v6;
	(erf) = vpow2.f32 v2  }
0x7b: {  	v14 =	vmul.f32 $1.442695020e+00, v4;
	v2 =	vmul.f32 v8, v1;
	v8 =	vld [tilespmem:s4+$0x50]  }
0x7c: {  	v13 =	vld [tilespmem:s4+$0xC0];
	v17 =	vmul.f32 $1.442695020e+00, v17;
	v4 =	vmul.f32 v9, v1  }
0x7d: {  	v3 =	vmul.f32 $1.442695020e+00, v3;
	(erf) = vpow2.f32 v14  }
0x7e: {  	v14 =	vmul.f32 v50, v1;
	v4 =	vmul.f32 $1.442695020e+00, v4  }
0x7f: {  	v16 =	vmul.f32 v5, v1;
	v5 =	vmul.f32 $1.442695020e+00, v10;
	v10 =	vld [tilespmem:s4+$0x140]  }
0x80: {  	(erf) = vpow2.f32 v3;
	v3 =	vmul.f32 v8, v1;
	v8 =	vld [tilespmem:s4+$0x150]  }
0x81: {  	(erf) = vpow2.f32 v7;
	v7 =	vmul.f32 v13, v1  }
0x82: {  	v13 =	vmul.f32 $1.442695020e+00, v51;
	(erf) = vpow2.f32 v11  }
0x83: {  	v9 =	vld [tilespmem:s4+$0x80];
	v7 =	vmul.f32 $1.442695020e+00, v7;
	(erf) = vpow2.f32 v12  }
0x84: {  	(erf) = vpow2.f32 v5;
	v10 =	vmul.f32 v10, v1  }
0x85: {  	v5 =	vmul.f32 $1.442695020e+00, v53;
	v8 =	vmul.f32 v8, v1  }
0x86: {  	(erf) = vpow2.f32 v7;
	v7 =	vld [tilespmem:s4+$0x20];
	v19 =	vpop (erf);
	v10 =	vmul.f32 $1.442695020e+00, v10  }
0x87: {  	v63 =	vmul.f32 $1.442695020e+00, v14;
	v11 =	vpop (erf);
	v8 =	vmul.f32 $1.442695020e+00, v8  }
0x88: {  	v9 =	vmul.f32 v9, v1;
	[tilespmem:s4+$0x1B0] =	vst v11;
	v11 =	vld [tilespmem:s4+$0x190];
	(erf) = vpow2.f32 v10  }
0x89: {  	v12 =	vmul.f32 $1.442695020e+00, v54;
	(erf) = vpow2.f32 v8  }
0x8a: {  	v57 =	vld [tilespmem:s4+$0x70];
	v10 =	vmul.f32 $1.442695020e+00, v56;
	(erf) = vpow2.f32 v5;
	v5 =	vpop (erf)  }
0x8b: {  	v59 =	vld [tilespmem:s4+$0x10];
	[tilespmem:s4+$0x0] =	vst v19;
	v7 =	vmul.f32 v7, v1;
	(erf) = vpow2.f32 v6;
	v6 =	vpop (erf)  }
0x8c: {  	v8 =	vld [tilespmem:s4+$0xA0];
	[tilespmem:s4+$0x1F0] =	vst v5;
	v58 =	vpop (erf);
	(erf) = vpow2.f32 v10;
	v10 =	vmul.f32 $1.442695020e+00, v15  }
0x8d: {  	v11 =	vmul.f32 v11, v1;
	[tilespmem:s4+$0x1C0] =	vst v6;
	v5 =	vpop (erf);
	(erf) = vpow2.f32 v17  }
0x8e: {  	s6 =	smul.u32 $0x156, s3;
	v7 =	vmul.f32 $1.442695020e+00, v7;
	[tilespmem:s4+$0x1D0] =	vst v58;
	v6 =	vpop (erf);
	(erf) = vpow2.f32 v10  }
0x8f: {  	v60 =	vld [tilespmem:s4+$0x90];
	v9 =	vmul.f32 $1.442695020e+00, v9;
	v11 =	vmul.f32 $1.442695020e+00, v11;
	[tilespmem:s4+$0x100] =	vst v5  }
0x90: {  	s6 =	sshrl.u32 s6, $0x9;
	v10 =	vmul.f32 v57, v1;
	v61 =	vpop (erf);
	(erf) = vpow2.f32 v7;
	[tilespmem:s4+$0x120] =	vst v6  }
0x91: {  	s6 =	sand.u32 $0x7F, s6;
	v8 =	vmul.f32 v8, v1;
	v5 =	vmul.f32 v59, v1;
	[tilespmem:s4+$0xC0] =	vst v61;
	v6 =	vpop (erf)  }
0x92: {  	s6 =	smul.u32 $0x3, s6;
	v7 =	vmul.f32 $1.442695020e+00, v10;
	(erf) = vpow2.f32 v12;
	[tilespmem:s4+$0x140] =	vst v6;
	v6 =	vpop (erf)  }
0x93: {  	s30 =	sshll.u32 s3, $0x1;
	v62 =	vmul.f32 $1.442695020e+00, v8;
	v8 =	vld [tilespmem:s4+$0xE0];
	(erf) = vpow2.f32 v9;
	[tilespmem:s4+$0x150] =	vst v6;
	v6 =	vpop (erf)  }
0x94: {  	s7 =	smulhi.u32 $0xAAAAAAAB, s8;
	s6 =	ssub.s32 s30, s6;
	v10 =	vmul.f32 v60, v1;
	v9 =	vld [tilespmem:s4+$0xF0];
	(erf) = vpow2.f32 v7;
	[tilespmem:s4+$0xB0] =	vst v6;
	v6 =	vpop (erf)  }
0x95: {  	s6 =	sand.u32 $0xFF, s6;
	v5 =	vmul.f32 $1.442695020e+00, v5;
	[tilespmem:s4+$0x160] =	vst v6;
	v6 =	vpop (erf);
	(erf) = vpow2.f32 v11  }
0x96: {  	s9 =	smul.u32 $0xA000, s6;
	v7 =	vmul.f32 $1.442695020e+00, v10;
	[tilespmem:s4+$0x170] =	vst v6;
	(erf) = vpow2.f32 v13;
	v6 =	vpop (erf)  }
0x97: {  	s7 =	sshrl.u32 s7, $0x1;
	s11 =	sadd.s32 $0x200, s4;
	v10 =	vld [tilespmem:s4+$0x30];
	[tilespmem:s4+$0xD0] =	vst v6;
	v6 =	vmul.f32 $1.442695020e+00, v16;
	(erf) = vpow2.f32 v63;
	v11 =	vpop (erf)  }
0x98: {  	s6 =	smul.u32 $0xFFFE2000, s7;
	s7 =	sshrl.u32 s9, $0x2;
	s9 =	simm.s32 $0x0;
	v8 =	vmul.f32 v8, v1;
	[tilespmem:s4+$0x110] =	vst v11;
	(erf) = vpow2.f32 v62  }
.LBB2_6:
0x99: {  	v11 =	vld [tilespmem:s11+$0x0];
	s9 =	sadd.s32 $0x4, s9;
	v9 =	vmul.f32 v9, v1;
	v12 =	vpop (erf);
	(erf) = vpow2.f32 v6  }
0x9a: {  	v8 =	vmul.f32 $1.442695020e+00, v8;
	v6 =	vld [tilespmem:s11+$0x1D0];
	p0 =	slt.u32 s9, $0x4C;
	(erf) = vpow2.f32 v4  }
0x9b: {  	v15 =	vmul.f32 $1.442695020e+00, v3;
	v4 =	vld [tilespmem:s11+$0x1F0];
	v9 =	vmul.f32 $1.442695020e+00, v9;
	v13 =	vpop (erf)  }
0x9c: {  	v14 =	vld [tilespmem:s11+$0x1B0];
	v10 =	vmul.f32 v10, v1;
	[tilespmem:s4+$0x130] =	vst v13;
	v13 =	vpop (erf);
	(erf) = vpow2.f32 v8  }
0x9d: {  	v2 =	vmul.f32 $1.442695020e+00, v2;
	v8 =	vld [tilespmem:s11+$0x160];
	[tilespmem:s4+$0x80] =	vst v13;
	(erf) = vpow2.f32 v15;
	v3 =	vpop (erf)  }
0x9e: {  	v11 =	vmul.f32 v11, v1;
	v13 =	vld [tilespmem:s11+$0x1C0];
	[tilespmem:s4+$0x20] =	vst v12;
	v10 =	vmul.f32 $1.442695020e+00, v10;
	v12 =	vpop (erf)  }
0x9f: {  	v17 =	vmul.f32 v6, v1;
	v15 =	vld [tilespmem:s11+$0x1E0];
	[tilespmem:s4+$0x190] =	vst v12;
	v12 =	vpop (erf);
	(erf) = vpow2.f32 v2  }
0xa0: {  	v18 =	vmul.f32 $1.442695020e+00, v11;
	v11 =	vld [tilespmem:s11+$0x1A0];
	[tilespmem:s4+$0x40] =	vst v12;
	v12 =	vpop (erf);
	(erf) = vpow2.f32 v9  }
0xa1: {  	v9 =	vld [tilespmem:s11+$0x120];
	v16 =	vmul.f32 $1.442695020e+00, v17;
	[tilespmem:s4+$0x60] =	vst v12;
	(erf) = vpow2.f32 v10;
	v6 =	vpop (erf)  }
0xa2: {  	v12 =	vmul.f32 v4, v1;
	v10 =	vld [tilespmem:s11+$0x180];
	[tilespmem:s4+$0xA0] =	vst v6;
	(erf) = vpow2.f32 v5;
	v4 =	vpop (erf)  }
0xa3: {  	v6 =	vmul.f32 v14, v1;
	v5 =	vld [tilespmem:s11+$0x100];
	(erf) = vpow2.f32 v18;
	[tilespmem:s4+$0x180] =	vst v4;
	v2 =	vpop (erf)  }
0xa4: {  	v18 =	vmul.f32 v13, v1;
	v14 =	vld [tilespmem:s11+$0xC0];
	[tilespmem:s4+$0x1A0] =	vst v2;
	(erf) = vpow2.f32 v7  }
0xa5: {  	v6 =	vmul.f32 $1.442695020e+00, v6;
	v2 =	vmul.f32 v15, v1;
	v7 =	vld [tilespmem:s11+$0x50];
	v15 =	vpop (erf)  }
0xa6: {  	v4 =	vmul.f32 v11, v1;
	v11 =	vmul.f32 $1.442695020e+00, v18;
	v17 =	vld [tilespmem:s11+$0x110];
	[tilespmem:s4+$0xE0] =	vst v15;
	v13 =	vpop (erf)  }
0xa7: {  	v12 =	vmul.f32 $1.442695020e+00, v12;
	v9 =	vmul.f32 v9, v1;
	v15 =	vld [tilespmem:s11+$0x80];
	[tilespmem:s4+$0x50] =	vst v13  }
0xa8: {  	v13 =	vld [tilespmem:s11+$0x40];
	v5 =	vmul.f32 v5, v1;
	(erf) = vpow2.f32 v6;
	[tilespmem:s4+$0x70] =	vst v3;
	v3 =	vpop (erf)  }
0xa9: {  	v8 =	vmul.f32 v8, v1;
	v6 =	vmul.f32 v10, v1;
	v18 =	vld [tilespmem:s11+$0x60];
	[tilespmem:s4+$0x1E0] =	vst v3;
	v3 =	vpop (erf)  }
0xaa: {  	v9 =	vmul.f32 $1.442695020e+00, v9;
	v10 =	vld [tilespmem:s11+$0x140];
	(erf) = vpow2.f32 v12;
	[tilespmem:s4+$0xF0] =	vst v3;
	v3 =	vpop (erf)  }
0xab: {  	v5 =	vmul.f32 $1.442695020e+00, v5;
	v12 =	vld [tilespmem:s11+$0xD0];
	(erf) = vpow2.f32 v11;
	[tilespmem:s4+$0x30] =	vst v3;
	v11 =	vpop (erf)  }
0xac: {  	v3 =	vmul.f32 v7, v1;
	v7 =	vmul.f32 v14, v1;
	v14 =	vld [tilespmem:s11+$0x150];
	v19 =	vpop (erf);
	[tilespmem:s4+$0x10] =	vst v11  }
0xad: {  	[tilespmem:s11+$0x0] =	vst v19;
	v11 =	vmul.f32 v13, v1;
	v13 =	vmul.f32 v15, v1;
	v15 =	vld [tilespmem:s11+$0xB0];
	v19 =	vpop (erf)  }
0xae: {  	v7 =	vmul.f32 $1.442695020e+00, v7;
	v18 =	vmul.f32 v18, v1;
	[tilespmem:s4+$0x90] =	vst v19;
	s4 =	smov.u32 s11  }
0xaf: {  	v11 =	vmul.f32 $1.442695020e+00, v11;
	v19 =	vld [tilespmem:s11+$0x130];
	v10 =	vmul.f32 v10, v1  }
0xb0: {  	v12 =	vmul.f32 v12, v1;
	v20 =	vld [tilespmem:s11+$0x170];
	(erf) = vpow2.f32 v16  }
0xb1: {  	v14 =	vmul.f32 v14, v1;
	(erf) = vpow2.f32 v5;
	v5 =	vpop (erf)  }
0xb2: {  	v10 =	vmul.f32 $1.442695020e+00, v10;
	v15 =	vmul.f32 v15, v1;
	[tilespmem:s11+$0x1B0] =	vst v5  }
0xb3: {  	v5 =	vmul.f32 $1.442695020e+00, v14;
	v14 =	vld [tilespmem:s11+$0x190];
	(erf) = vpow2.f32 v9;
	v9 =	vpop (erf)  }
0xb4: {  	v15 =	vmul.f32 $1.442695020e+00, v15;
	v16 =	vmul.f32 v19, v1;
	[tilespmem:s11+$0x1F0] =	vst v9;
	v9 =	vpop (erf)  }
0xb5: {  	v19 =	vmul.f32 v20, v1;
	[tilespmem:s11+$0x1C0] =	vst v9;
	(erf) = vpow2.f32 v7  }
0xb6: {  	v20 =	vmul.f32 $1.442695020e+00, v8;
	(erf) = vpow2.f32 v10  }
0xb7: {  	v8 =	vld [tilespmem:s11+$0x20];
	v9 =	vmul.f32 $1.442695020e+00, v19;
	(erf) = vpow2.f32 v5  }
0xb8: {  	v5 =	vld [tilespmem:s11+$0xA0];
	v10 =	vmul.f32 v14, v1;
	(erf) = vpow2.f32 v15  }
0xb9: {  	v12 =	vmul.f32 $1.442695020e+00, v12;
	(erf) = vpow2.f32 v20;
	v7 =	vpop (erf)  }
0xba: {  	v19 =	vmul.f32 v17, v1;
	v14 =	vld [tilespmem:s11+$0x70];
	v10 =	vmul.f32 $1.442695020e+00, v10;
	[tilespmem:s11+$0x1D0] =	vst v7;
	v7 =	vpop (erf)  }
0xbb: {  	v17 =	vld [tilespmem:s11+$0x10];
	[tilespmem:s11+$0x100] =	vst v7;
	v7 =	vmul.f32 $1.442695020e+00, v16;
	(erf) = vpow2.f32 v9  }
0xbc: {  	v9 =	vmul.f32 $1.442695020e+00, v19;
	v8 =	vmul.f32 v8, v1;
	v15 =	vpop (erf)  }
0xbd: {  	v16 =	vmul.f32 v5, v1;
	[tilespmem:s11+$0x120] =	vst v15;
	(erf) = vpow2.f32 v12  }
0xbe: {  	v8 =	vmul.f32 $1.442695020e+00, v8;
	v12 =	vld [tilespmem:s11+$0x90];
	v15 =	vpop (erf);
	(erf) = vpow2.f32 v9  }
0xbf: {  	v9 =	vmul.f32 v14, v1;
	v14 =	vmul.f32 $1.442695020e+00, v16;
	[tilespmem:s11+$0xC0] =	vst v15;
	v5 =	vpop (erf)  }
0xc0: {  	v15 =	vmul.f32 v17, v1;
	v16 =	vld [tilespmem:s11+$0xE0];
	[tilespmem:s11+$0x140] =	vst v5;
	(erf) = vpow2.f32 v8;
	v5 =	vpop (erf)  }
0xc1: {  	v8 =	vmul.f32 $1.442695020e+00, v9;
	v9 =	vmul.f32 $1.442695020e+00, v13;
	[tilespmem:s11+$0x150] =	vst v5;
	v13 =	vpop (erf)  }
0xc2: {  	v5 =	vmul.f32 $1.442695020e+00, v15;
	[tilespmem:s11+$0xB0] =	vst v13;
	(erf) = vpow2.f32 v7;
	v7 =	vpop (erf)  }
0xc3: {  	v12 =	vmul.f32 v12, v1;
	[tilespmem:s11+$0x160] =	vst v7;
	(erf) = vpow2.f32 v9  }
.Ltmp1:
0xc4: {  	v13 =	vmul.f32 $1.442695020e+00, v18;
	v9 =	vld [tilespmem:s11+$0xF0];
	(erf) = vpow2.f32 v8;
	v7 =	vpop (erf);
	(pc) =	sbr.rel @p0 .LBB2_6-.Ltmp1, $4  }
0xc5: {  	v8 =	vmul.f32 v16, v1;
	[tilespmem:s11+$0x170] =	vst v7;
	(erf) = vpow2.f32 v10  }
0xc6: {  	v7 =	vmul.f32 $1.442695020e+00, v12;
	(erf) = vpow2.f32 v11;
	v11 =	vpop (erf)  }
0xc7: {  	v6 =	vmul.f32 $1.442695020e+00, v6;
	v10 =	vld [tilespmem:s11+$0x30];
	[tilespmem:s11+$0xD0] =	vst v11;
	(erf) = vpow2.f32 v13;
	v11 =	vpop (erf)  }
0xc8: {  	v4 =	vmul.f32 $1.442695020e+00, v4;
	s11 =	sadd.s32 $0x200, s11;
	[tilespmem:s4+$0x110] =	vst v11;
	(erf) = vpow2.f32 v14  }
0xc9: {  	v9 =	vmul.f32 v9, v1;
	(erf) = vpow2.f32 v6  }
0xca: {  	v6 =	vmul.f32 $1.442695020e+00, v8;
	v8 =	vpop (erf);
	v3 =	vmul.f32 $1.442695020e+00, v3  }
0xcb: {  	v2 =	vmul.f32 $1.442695020e+00, v2;
	(erf) = vpow2.f32 v4;
	v4 =	vpop (erf)  }
0xcc: {  	(erf) = vpow2.f32 v6;
	v10 =	vmul.f32 v10, v1;
	[tilespmem:s4+$0x130] =	vst v4;
	v4 =	vpop (erf)  }
0xcd: {  	(erf) = vpow2.f32 v3;
	v3 =	vmul.f32 $1.442695020e+00, v9;
	[tilespmem:s4+$0x80] =	vst v4;
	v4 =	vpop (erf)  }
0xce: {  	[tilespmem:s4+$0x20] =	vst v8;
	v6 =	vmul.f32 $1.442695020e+00, v10;
	v8 =	vpop (erf);
	(erf) = vpow2.f32 v2  }
0xcf: {  	[tilespmem:s4+$0x70] =	vst v4;
	v2 =	vpop (erf);
	(erf) = vpow2.f32 v3  }
0xd0: {  	[tilespmem:s4+$0x40] =	vst v2;
	v2 =	vpop (erf);
	(erf) = vpow2.f32 v6  }
0xd1: {  	[tilespmem:s4+$0x60] =	vst v2;
	v2 =	vpop (erf);
	(erf) = vpow2.f32 v5  }
0xd2: {  	[tilespmem:s4+$0xA0] =	vst v2;
	v2 =	vpop (erf);
	(erf) = vpow2.f32 v7  }
0xd3: {  	[tilespmem:s4+$0x190] =	vst v8  }
0xd4: {  	[tilespmem:s4+$0x180] =	vst v2;
	v2 =	vpop (erf)  }
0xd5: {  	[tilespmem:s4+$0x1A0] =	vst v2;
	v2 =	vpop (erf)  }
0xd6: {  	[tilespmem:s4+$0xE0] =	vst v2;
	v2 =	vpop (erf)  }
0xd7: {  	s9 =	sadd.s32 $0x2, s30;
	[tilespmem:s4+$0x50] =	vst v2;
	v2 =	vpop (erf)  }
0xd8: {  	s11 =	smulhi.u32 $0x55555556, s9;
	[tilespmem:s4+$0x1E0] =	vst v2;
	v2 =	vpop (erf)  }
0xd9: {  	s12 =	smul.u32 $0x50, s9;
	[tilespmem:s4+$0xF0] =	vst v2;
	v2 =	vpop (erf)  }
0xda: {  	s11 =	smul.u32 $0x3, s11;
	[tilespmem:s4+$0x30] =	vst v2;
	v2 =	vpop (erf)  }
0xdb: {  	p0 =	seq.s32 s3, $0x0;
	s13 =	sshll.u32 s3, $0x8;
	[tilespmem:s4+$0x10] =	vst v2;
	v2 =	vpop (erf)  }
0xdc: {  	s15 =	sadd.s32 s12, s20;
	s9 =	ssub.s32 s9, s11;
	[tilespmem:s4+$0x90] =	vst v2;
	s4 =	simm.s32 @!p0 $0x3  }
0xdd: {  	s11 =	sshll.u32 s15, $0x4;
	s9 =	smul.u32 $0xA000, s9;
	_ =	swait.ge @!p0 [sflag:s4], $0x2800  }
0xde: {  	s6 =	sshra.s32 s6, $0x2;
	s12 =	sadd.s32 s5, s11;
	[sflag:s4] =	ssyncset.done @!p0 $0x0  }
0xdf: {  	s9 =	sshrl.u32 s9, $0x2;
	[sflag:s4] =	ssyncadd.s32 @!p0 $0xFFFFD800;
	s4 =	sand.u32 $0x3FFFFF00, s13  }
0xe0: {  	[tilespmem:s9], [sflag:$0x1] =	stream.linear.gather [hbm4b:s12+s2], $0x2800, $0x38;
	[tilespmem:$0x1F880] =	vst v63  }
0xe1: {  	v2 =	vmov s6;
	s4 =	sadd.s32 $0x7800, s4  }
0xe2: {  	[spmem:s1] =	stream.indirect.scatter.add.f32 [tilespmem:s7], [sflag:$0x3], $0x80, s4, s26, $0xb8;
	[tilespmem:$0x1F880] =	vst v63  }
0xe3: {  	_ =	swait.ge [sflag:s28], $0x2800  }
0xe4: {  	[sflag:s28] =	ssyncset.done $0x0  }
0xe5: {  	[sflag:s28] =	ssyncadd.s32 $0xFFFFD800  }
0xe6: {  	v3 =	vld.idx.msk [tilespmem:v2+s14+$0x2880 ss:$0x1], $0xffff  }
0xe7: {  	v4 =	vld.idx.msk [tilespmem:v2+s14+$0x2800 ss:$0x1], $0xffff  }
0xe8: {  	v5 =	vld.idx.msk [tilespmem:v2+s14+$0x2980 ss:$0x1], $0xffff;
	_ =	sdelay $0x2  }
0xe9: {  	v3 =	vmul.f32 v3, v1  }
0xea: {  	v4 =	vmul.f32 v4, v1  }
0xeb: {  	v5 =	vmul.f32 v5, v1;
	v3 =	vmul.f32 $1.442695020e+00, v3  }
0xec: {  	v4 =	vmul.f32 $1.442695020e+00, v4  }
0xed: {  	(erf) = vpow2.f32 v3;
	v3 =	vmul.f32 $1.442695020e+00, v5  }
0xee: {  	(erf) = vpow2.f32 v4  }
0xef: {  	(erf) = vpow2.f32 v3;
	_ =	sdelay $0x6  }
0xf0: {  	v3 =	vpop (erf)  }
0xf1: {  	v4 =	vpop (erf)  }
0xf2: {  	v5 =	vld.idx.msk [tilespmem:v2+s14+$0x2900 ss:$0x1], $0xffff;
	[tilespmem:v2+s14+$0x2800 ss:$0x1] =	vst.idx.msk $0xffff, v4;
	v4 =	vpop (erf)  }
0xf3: {  	v6 =	vld.idx.msk [tilespmem:v2+s14+$0x2810 ss:$0x1], $0xffff;
	[tilespmem:v2+s14+$0x2980 ss:$0x1] =	vst.idx.msk $0xffff, v4  }
0xf4: {  	[tilespmem:v2+s14+$0x2880 ss:$0x1] =	vst.idx.msk $0xffff, v3;
	v3 =	vld.idx.msk [tilespmem:v2+s14+$0x2990 ss:$0x1], $0xffff  }
0xf5: {  	v4 =	vld.idx.msk [tilespmem:v2+s14+$0x2890 ss:$0x1], $0xffff;
	_ =	sdelay $0x1  }
0xf6: {  	v5 =	vmul.f32 v5, v1  }
0xf7: {  	v6 =	vmul.f32 v6, v1  }
0xf8: {  	v5 =	vmul.f32 $1.442695020e+00, v5;
	v3 =	vmul.f32 v3, v1  }
0xf9: {  	v4 =	vmul.f32 v4, v1;
	v6 =	vmul.f32 $1.442695020e+00, v6  }
0xfa: {  	(erf) = vpow2.f32 v5;
	v3 =	vmul.f32 $1.442695020e+00, v3  }
0xfb: {  	v4 =	vmul.f32 $1.442695020e+00, v4;
	(erf) = vpow2.f32 v6  }
0xfc: {  	(erf) = vpow2.f32 v3  }
0xfd: {  	(erf) = vpow2.f32 v4  }
0xfe: {  	s31 =	sadd.s32 $0x200, s14  }
0xff: {  	v3 =	vld.idx.msk [tilespmem:v2+s31+$0x2880 ss:$0x1], $0xffff  }
0x100: {  	v4 =	vld.idx.msk [tilespmem:v2+s31+$0x2800 ss:$0x1], $0xffff  }
0x101: {  	v5 =	vld.idx.msk [tilespmem:v2+s31+$0x2980 ss:$0x1], $0xffff;
	_ =	sdelay $0x1  }
0x102: {  	v6 =	vpop (erf)  }
0x103: {  	v3 =	vmul.f32 v3, v1;
	v7 =	vpop (erf)  }
0x104: {  	v4 =	vmul.f32 v4, v1;
	v8 =	vpop (erf)  }
0x105: {  	v5 =	vmul.f32 v5, v1;
	v3 =	vmul.f32 $1.442695020e+00, v3;
	v9 =	vpop (erf)  }
0x106: {  	v4 =	vmul.f32 $1.442695020e+00, v4;
	[tilespmem:v2+s14+$0x2890 ss:$0x1] =	vst.idx.msk $0xffff, v9  }
0x107: {  	(erf) = vpow2.f32 v3;
	v3 =	vmul.f32 $1.442695020e+00, v5;
	v9 =	vld.idx.msk [tilespmem:v2+s14+$0x28A0 ss:$0x1], $0xffff  }
0x108: {  	(erf) = vpow2.f32 v4  }
0x109: {  	(erf) = vpow2.f32 v3;
	_ =	sdelay $0x2  }
0x10a: {  	v3 =	vmul.f32 v9, v1;
	_ =	sdelay $0x1  }
0x10b: {  	v3 =	vmul.f32 $1.442695020e+00, v3;
	_ =	sdelay $0x1  }
0x10c: {  	[tilespmem:v2+s14+$0x2810 ss:$0x1] =	vst.idx.msk $0xffff, v7;
	v4 =	vpop (erf);
	(erf) = vpow2.f32 v3;
	v3 =	vld.idx.msk [tilespmem:v2+s31+$0x2900 ss:$0x1], $0xffff  }
0x10d: {  	v5 =	vld.idx.msk [tilespmem:v2+s14+$0x2820 ss:$0x1], $0xffff;
	v7 =	vpop (erf)  }
0x10e: {  	[tilespmem:v2+s31+$0x2800 ss:$0x1] =	vst.idx.msk $0xffff, v7;
	v7 =	vpop (erf)  }
0x10f: {  	v9 =	vld.idx.msk [tilespmem:v2+s31+$0x2810 ss:$0x1], $0xffff;
	[tilespmem:v2+s31+$0x2980 ss:$0x1] =	vst.idx.msk $0xffff, v7  }
0x110: {  	[tilespmem:v2+s31+$0x2880 ss:$0x1] =	vst.idx.msk $0xffff, v4;
	v4 =	vld.idx.msk [tilespmem:v2+s31+$0x2990 ss:$0x1], $0xffff  }
0x111: {  	v7 =	vld.idx.msk [tilespmem:v2+s31+$0x2890 ss:$0x1], $0xffff;
	v3 =	vmul.f32 v3, v1  }
0x112: {  	v5 =	vmul.f32 v5, v1  }
0x113: {  	v3 =	vmul.f32 $1.442695020e+00, v3  }
0x114: {  	v5 =	vmul.f32 $1.442695020e+00, v5;
	v9 =	vmul.f32 v9, v1  }
0x115: {  	s4 =	sadd.s32 $0x200, s31;
	v10 =	vpop (erf);
	(erf) = vpow2.f32 v3;
	v3 =	vmul.f32 v4, v1  }
0x116: {  	v7 =	vmul.f32 v7, v1;
	v9 =	vmul.f32 $1.442695020e+00, v9;
	v4 =	vld.idx.msk [tilespmem:v2+s4+$0x2880 ss:$0x1], $0xffff;
	[tilespmem:v2+s14+$0x28A0 ss:$0x1] =	vst.idx.msk $0xffff, v10  }
0x117: {  	[tilespmem:v2+s14+$0x2900 ss:$0x1] =	vst.idx.msk $0xffff, v6;
	(erf) = vpow2.f32 v5;
	v10 =	vld.idx.msk [tilespmem:v2+s14+$0x28B0 ss:$0x1], $0xffff;
	v3 =	vmul.f32 $1.442695020e+00, v3  }
0x118: {  	v5 =	vld.idx.msk [tilespmem:v2+s14+$0x2910 ss:$0x1], $0xffff;
	(erf) = vpow2.f32 v9  }
0x119: {  	v6 =	vmul.f32 $1.442695020e+00, v7;
	(erf) = vpow2.f32 v3;
	v3 =	vld.idx.msk [tilespmem:v2+s4+$0x2800 ss:$0x1], $0xffff;
	_ =	sdelay $0x1  }
0x11a: {  	v4 =	vmul.f32 v4, v1;
	(erf) = vpow2.f32 v6  }
0x11b: {  	v6 =	vmul.f32 v10, v1  }
0x11c: {  	v5 =	vmul.f32 v5, v1;
	v4 =	vmul.f32 $1.442695020e+00, v4  }
0x11d: {  	v7 =	vld.idx.msk [tilespmem:v2+s4+$0x2980 ss:$0x1], $0xffff;
	v6 =	vmul.f32 $1.442695020e+00, v6;
	v3 =	vmul.f32 v3, v1;
	_ =	sdelay $0x1  }
0x11e: {  	(erf) = vpow2.f32 v4;
	v9 =	vpop (erf);
	v3 =	vmul.f32 $1.442695020e+00, v3  }
0x11f: {  	v4 =	vmul.f32 $1.442695020e+00, v5;
	v5 =	vpop (erf);
	(erf) = vpow2.f32 v6  }
0x120: {  	v6 =	vpop (erf)  }
0x121: {  	(erf) = vpow2.f32 v4;
	v4 =	vmul.f32 v7, v1;
	v7 =	vpop (erf)  }
0x122: {  	(erf) = vpow2.f32 v3;
	v3 =	vpop (erf)  }
0x123: {  	[tilespmem:v2+s31+$0x2890 ss:$0x1] =	vst.idx.msk $0xffff, v3  }
0x124: {  	[tilespmem:v2+s14+$0x2990 ss:$0x1] =	vst.idx.msk $0xffff, v8;
	v4 =	vmul.f32 $1.442695020e+00, v4;
	v3 =	vld.idx.msk [tilespmem:v2+s31+$0x28A0 ss:$0x1], $0xffff  }
0x125: {  	v8 =	vld.idx.msk [tilespmem:v2+s14+$0x29A0 ss:$0x1], $0xffff  }
0x126: {  	[tilespmem:v2+s14+$0x2820 ss:$0x1] =	vst.idx.msk $0xffff, v5;
	(erf) = vpow2.f32 v4;
	v4 =	vld.idx.msk [tilespmem:v2+s4+$0x2900 ss:$0x1], $0xffff  }
0x127: {  	[tilespmem:v2+s31+$0x2810 ss:$0x1] =	vst.idx.msk $0xffff, v6;
	v6 =	vpop (erf)  }
0x128: {  	v13 =	vld.idx.msk [tilespmem:v2+s14+$0x2830 ss:$0x1], $0xffff;
	v11 =	vpop (erf)  }
0x129: {  	v10 =	vld.idx.msk [tilespmem:v2+s31+$0x2820 ss:$0x1], $0xffff;
	[tilespmem:v2+s14+$0x28B0 ss:$0x1] =	vst.idx.msk $0xffff, v11;
	v3 =	vmul.f32 v3, v1  }
0x12a: {  	v8 =	vmul.f32 v8, v1;
	v12 =	vld.idx.msk [tilespmem:v2+s14+$0x28C0 ss:$0x1], $0xffff  }
0x12b: {  	v4 =	vmul.f32 v4, v1;
	v3 =	vmul.f32 $1.442695020e+00, v3  }
0x12c: {  	v8 =	vmul.f32 $1.442695020e+00, v8;
	[tilespmem:v2+s4+$0x2880 ss:$0x1] =	vst.idx.msk $0xffff, v6;
	v11 =	vpop (erf)  }
0x12d: {  	v6 =	vmul.f32 v13, v1;
	v5 =	vpop (erf);
	[tilespmem:v2+s14+$0x2910 ss:$0x1] =	vst.idx.msk $0xffff, v11;
	v4 =	vmul.f32 $1.442695020e+00, v4  }
0x12e: {  	[tilespmem:v2+s4+$0x2800 ss:$0x1] =	vst.idx.msk $0xffff, v5;
	v5 =	vmul.f32 v10, v1;
	v11 =	vld.idx.msk [tilespmem:v2+s14+$0x2920 ss:$0x1], $0xffff;
	(erf) = vpow2.f32 v3  }
0x12f: {  	v10 =	vld.idx.msk [tilespmem:v2+s4+$0x2810 ss:$0x1], $0xffff;
	(erf) = vpow2.f32 v4;
	v4 =	vmul.f32 v12, v1;
	v3 =	vpop (erf)  }
0x130: {  	(erf) = vpow2.f32 v8;
	[tilespmem:v2+s4+$0x2980 ss:$0x1] =	vst.idx.msk $0xffff, v3;
	v3 =	vmul.f32 $1.442695020e+00, v5  }
0x131: {  	v4 =	vmul.f32 $1.442695020e+00, v4;
	v5 =	vld.idx.msk [tilespmem:v2+s4+$0x2990 ss:$0x1], $0xffff  }
0x132: {  	v6 =	vmul.f32 $1.442695020e+00, v6;
	v8 =	vld.idx.msk [tilespmem:v2+s4+$0x2890 ss:$0x1], $0xffff;
	(erf) = vpow2.f32 v3  }
0x133: {  	(erf) = vpow2.f32 v4;
	v4 =	vmul.f32 v11, v1  }
0x134: {  	v3 =	vmul.f32 v10, v1  }
0x135: {  	(erf) = vpow2.f32 v6;
	v6 =	vmul.f32 $1.442695020e+00, v4  }
0x136: {  	v3 =	vmul.f32 $1.442695020e+00, v3;
	v5 =	vmul.f32 v5, v1  }
0x137: {  	v8 =	vmul.f32 v8, v1;
	v10 =	vpop (erf)  }
0x138: {  	(erf) = vpow2.f32 v3;
	v4 =	vpop (erf);
	v3 =	vmul.f32 $1.442695020e+00, v5  }
0x139: {  	(erf) = vpow2.f32 v6;
	v5 =	vmul.f32 $1.442695020e+00, v8;
	v6 =	vpop (erf)  }
0x13a: {  	(erf) = vpow2.f32 v3;
	[tilespmem:v2+s14+$0x29A0 ss:$0x1] =	vst.idx.msk $0xffff, v6  }
0x13b: {  	s7 =	sadd.s32 $0x200, s4;
	(erf) = vpow2.f32 v5;
	v3 =	vld.idx.msk [tilespmem:v2+s14+$0x29B0 ss:$0x1], $0xffff  }
0x13c: {  	[tilespmem:v2+s31+$0x28A0 ss:$0x1] =	vst.idx.msk $0xffff, v10;
	v5 =	vld.idx.msk [tilespmem:v2+s7+$0x2880 ss:$0x1], $0xffff  }
0x13d: {  	v8 =	vld.idx.msk [tilespmem:v2+s31+$0x28B0 ss:$0x1], $0xffff  }
0x13e: {  	v6 =	vpop (erf)  }
0x13f: {  	v10 =	vpop (erf)  }
0x140: {  	[tilespmem:v2+s31+$0x2900 ss:$0x1] =	vst.idx.msk $0xffff, v9;
	v9 =	vpop (erf);
	v3 =	vmul.f32 v3, v1  }
0x141: {  	v11 =	vld.idx.msk [tilespmem:v2+s31+$0x2910 ss:$0x1], $0xffff;
	v12 =	vpop (erf);
	v5 =	vmul.f32 v5, v1  }
0x142: {  	[tilespmem:v2+s14+$0x28C0 ss:$0x1] =	vst.idx.msk $0xffff, v10;
	v10 =	vld.idx.msk [tilespmem:v2+s7+$0x2800 ss:$0x1], $0xffff;
	v8 =	vmul.f32 v8, v1;
	v13 =	vpop (erf);
	v3 =	vmul.f32 $1.442695020e+00, v3  }
0x143: {  	v5 =	vmul.f32 $1.442695020e+00, v5;
	v15 =	vpop (erf)  }
0x144: {  	v16 =	vld.idx.msk [tilespmem:v2+s7+$0x2980 ss:$0x1], $0xffff;
	v8 =	vmul.f32 $1.442695020e+00, v8;
	v17 =	vpop (erf);
	(erf) = vpow2.f32 v3  }
0x145: {  	v14 =	vld.idx.msk [tilespmem:v2+s14+$0x28D0 ss:$0x1], $0xffff;
	[tilespmem:v2+s4+$0x2890 ss:$0x1] =	vst.idx.msk $0xffff, v17;
	(erf) = vpow2.f32 v5  }
0x146: {  	v11 =	vmul.f32 v11, v1;
	v5 =	vld.idx.msk [tilespmem:v2+s4+$0x28A0 ss:$0x1], $0xffff;
	(erf) = vpow2.f32 v8  }
0x147: {  	v10 =	vmul.f32 v10, v1;
	v3 =	vld.idx.msk [tilespmem:v2+s7+$0x2900 ss:$0x1], $0xffff  }
0x148: {  	v8 =	vmul.f32 $1.442695020e+00, v11  }
0x149: {  	[tilespmem:v2+s14+$0x2920 ss:$0x1] =	vst.idx.msk $0xffff, v13;
	v10 =	vmul.f32 $1.442695020e+00, v10  }
0x14a: {  	v13 =	vld.idx.msk [tilespmem:v2+s14+$0x2930 ss:$0x1], $0xffff;
	(erf) = vpow2.f32 v8;
	v8 =	vmul.f32 v16, v1  }
0x14b: {  	[tilespmem:v2+s31+$0x2990 ss:$0x1] =	vst.idx.msk $0xffff, v7;
	v11 =	vmul.f32 v14, v1;
	v5 =	vmul.f32 v5, v1  }
0x14c: {  	v3 =	vmul.f32 v3, v1;
	v7 =	vmul.f32 $1.442695020e+00, v8;
	v8 =	vld.idx.msk [tilespmem:v2+s31+$0x29A0 ss:$0x1], $0xffff  }
0x14d: {  	(erf) = vpow2.f32 v10;
	v5 =	vmul.f32 $1.442695020e+00, v5;
	v10 =	vpop (erf)  }
0x14e: {  	[tilespmem:v2+s4+$0x2810 ss:$0x1] =	vst.idx.msk $0xffff, v12;
	v3 =	vmul.f32 $1.442695020e+00, v3;
	(erf) = vpow2.f32 v7;
	v12 =	vpop (erf)  }
0x14f: {  	[tilespmem:v2+s31+$0x2820 ss:$0x1] =	vst.idx.msk $0xffff, v6;
	v7 =	vmul.f32 v13, v1;
	(erf) = vpow2.f32 v5;
	v6 =	vpop (erf)  }
0x150: {  	v11 =	vmul.f32 $1.442695020e+00, v11;
	v5 =	vld.idx.msk [tilespmem:v2+s4+$0x2820 ss:$0x1], $0xffff;
	(erf) = vpow2.f32 v3;
	[tilespmem:v2+s31+$0x28B0 ss:$0x1] =	vst.idx.msk $0xffff, v6  }
0x151: {  	v3 =	vmul.f32 $1.442695020e+00, v7;
	v6 =	vmul.f32 v8, v1;
	v8 =	vld.idx.msk [tilespmem:v2+s31+$0x28C0 ss:$0x1], $0xffff  }
0x152: {  	(erf) = vpow2.f32 v11  }
0x153: {  	[tilespmem:v2+s14+$0x29B0 ss:$0x1] =	vst.idx.msk $0xffff, v10;
	(erf) = vpow2.f32 v3  }
0x154: {  	v3 =	vld.idx.msk [tilespmem:v2+s14+$0x29C0 ss:$0x1], $0xffff;
	v6 =	vmul.f32 $1.442695020e+00, v6  }
0x155: {  	[tilespmem:v2+s14+$0x2830 ss:$0x1] =	vst.idx.msk $0xffff, v9;
	v7 =	vld.idx.msk [tilespmem:v2+s31+$0x2830 ss:$0x1], $0xffff;
	v9 =	vpop (erf);
	v5 =	vmul.f32 v5, v1  }
0x156: {  	v10 =	vld.idx.msk [tilespmem:v2+s14+$0x2840 ss:$0x1], $0xffff;
	v11 =	vpop (erf);
	(erf) = vpow2.f32 v6;
	v6 =	vmul.f32 v8, v1;
	_ =	sdelay $0x1  }
0x157: {  	[tilespmem:v2+s7+$0x2800 ss:$0x1] =	vst.idx.msk $0xffff, v11;
	v5 =	vmul.f32 $1.442695020e+00, v5;
	v8 =	vpop (erf);
	v6 =	vmul.f32 $1.442695020e+00, v6  }
0x158: {  	[tilespmem:v2+s31+$0x2910 ss:$0x1] =	vst.idx.msk $0xffff, v9;
	v11 =	vld.idx.msk [tilespmem:v2+s7+$0x2810 ss:$0x1], $0xffff;
	v9 =	vmul.f32 v3, v1;
	v13 =	vpop (erf)  }
0x159: {  	v7 =	vmul.f32 v7, v1;
	(erf) = vpow2.f32 v5;
	v5 =	vld.idx.msk [tilespmem:v2+s31+$0x2920 ss:$0x1], $0xffff;
	v3 =	vpop (erf)  }
0x15a: {  	v10 =	vmul.f32 v10, v1;
	v9 =	vmul.f32 $1.442695020e+00, v9;
	v14 =	vpop (erf)  }
0x15b: {  	v7 =	vmul.f32 $1.442695020e+00, v7;
	[tilespmem:v2+s7+$0x2980 ss:$0x1] =	vst.idx.msk $0xffff, v8;
	(erf) = vpow2.f32 v6;
	v6 =	vpop (erf)  }
0x15c: {  	v8 =	vld.idx.msk [tilespmem:v2+s7+$0x2990 ss:$0x1], $0xffff;
	(erf) = vpow2.f32 v9;
	v9 =	vmul.f32 $1.442695020e+00, v10;
	[tilespmem:v2+s14+$0x2930 ss:$0x1] =	vst.idx.msk $0xffff, v6  }
0x15d: {  	(erf) = vpow2.f32 v7;
	v6 =	vmul.f32 v11, v1;
	v7 =	vld.idx.msk [tilespmem:v2+s14+$0x2940 ss:$0x1], $0xffff  }
0x15e: {  	[tilespmem:v2+s7+$0x2880 ss:$0x1] =	vst.idx.msk $0xffff, v12;
	v5 =	vmul.f32 v5, v1  }
0x15f: {  	(erf) = vpow2.f32 v9;
	v9 =	vld.idx.msk [tilespmem:v2+s7+$0x2890 ss:$0x1], $0xffff;
	v6 =	vmul.f32 $1.442695020e+00, v6  }
0x160: {  	s9 =	sadd.s32 $0x200, s7;
	v10 =	vpop (erf);
	v5 =	vmul.f32 $1.442695020e+00, v5  }
0x161: {  	v12 =	vld.idx.msk [tilespmem:v2+s9+$0x2880 ss:$0x1], $0xffff;
	[tilespmem:v2+s31+$0x29A0 ss:$0x1] =	vst.idx.msk $0xffff, v10;
	(erf) = vpow2.f32 v6;
	v6 =	vmul.f32 v8, v1  }
0x162: {  	[tilespmem:v2+s14+$0x28D0 ss:$0x1] =	vst.idx.msk $0xffff, v14;
	v10 =	vld.idx.msk [tilespmem:v2+s31+$0x29B0 ss:$0x1], $0xffff;
	(erf) = vpow2.f32 v5;
	v5 =	vmul.f32 v7, v1  }
0x163: {  	[tilespmem:v2+s4+$0x28A0 ss:$0x1] =	vst.idx.msk $0xffff, v13;
	v11 =	vld.idx.msk [tilespmem:v2+s14+$0x28E0 ss:$0x1], $0xffff;
	v6 =	vmul.f32 $1.442695020e+00, v6  }
0x164: {  	v8 =	vld.idx.msk [tilespmem:v2+s4+$0x28B0 ss:$0x1], $0xffff;
	v9 =	vmul.f32 v9, v1;
	v7 =	vpop (erf);
	v5 =	vmul.f32 $1.442695020e+00, v5  }
0x165: {  	v13 =	vpop (erf);
	(erf) = vpow2.f32 v6  }
0x166: {  	[tilespmem:v2+s4+$0x2900 ss:$0x1] =	vst.idx.msk $0xffff, v4;
	v4 =	vpop (erf);
	v6 =	vmul.f32 $1.442695020e+00, v9;
	(erf) = vpow2.f32 v5;
	v5 =	vld.idx.msk [tilespmem:v2+s9+$0x2800 ss:$0x1], $0xffff  }
0x167: {  	v12 =	vmul.f32 v12, v1;
	v10 =	vmul.f32 v10, v1;
	v9 =	vld.idx.msk [tilespmem:v2+s4+$0x2910 ss:$0x1], $0xffff;
	v14 =	vpop (erf)  }
0x168: {  	[tilespmem:v2+s4+$0x2990 ss:$0x1] =	vst.idx.msk $0xffff, v15;
	v11 =	vmul.f32 v11, v1;
	v15 =	vpop (erf);
	(erf) = vpow2.f32 v6  }
0x169: {  	v8 =	vmul.f32 v8, v1;
	v10 =	vmul.f32 $1.442695020e+00, v10  }
0x16a: {  	v12 =	vmul.f32 $1.442695020e+00, v12;
	v11 =	vmul.f32 $1.442695020e+00, v11;
	[tilespmem:v2+s14+$0x2840 ss:$0x1] =	vst.idx.msk $0xffff, v15  }
0x16b: {  	[tilespmem:v2+s31+$0x28C0 ss:$0x1] =	vst.idx.msk $0xffff, v13;
	v8 =	vmul.f32 $1.442695020e+00, v8;
	v13 =	vld.idx.msk [tilespmem:v2+s14+$0x2850 ss:$0x1], $0xffff;
	v5 =	vmul.f32 v5, v1  }
0x16c: {  	[tilespmem:v2+s14+$0x29C0 ss:$0x1] =	vst.idx.msk $0xffff, v4;
	(erf) = vpow2.f32 v10;
	v9 =	vmul.f32 v9, v1  }
0x16d: {  	(erf) = vpow2.f32 v11;
	v10 =	vpop (erf);
	v11 =	vld.idx.msk [tilespmem:v2+s14+$0x29D0 ss:$0x1], $0xffff;
	v5 =	vmul.f32 $1.442695020e+00, v5  }
0x16e: {  	v6 =	vld.idx.msk [tilespmem:v2+s4+$0x29A0 ss:$0x1], $0xffff;
	(erf) = vpow2.f32 v12;
	v12 =	vpop (erf);
	v9 =	vmul.f32 $1.442695020e+00, v9  }
0x16f: {  	[tilespmem:v2+s4+$0x2820 ss:$0x1] =	vst.idx.msk $0xffff, v7;
	v7 =	vld.idx.msk [tilespmem:v2+s31+$0x28D0 ss:$0x1], $0xffff;
	(erf) = vpow2.f32 v8;
	v8 =	vpop (erf)  }
0x170: {  	v15 =	vld.idx.msk [tilespmem:v2+s9+$0x2980 ss:$0x1], $0xffff;
	[tilespmem:v2+s7+$0x2810 ss:$0x1] =	vst.idx.msk $0xffff, v10;
	v13 =	vmul.f32 v13, v1;
	(erf) = vpow2.f32 v9;
	v60 =	vpop (erf)  }
0x171: {  	v4 =	vld.idx.msk [tilespmem:v2+s4+$0x2830 ss:$0x1], $0xffff;
	(erf) = vpow2.f32 v5;
	[tilespmem:v2+s14+$0x2940 ss:$0x1] =	vst.idx.msk $0xffff, v60;
	v5 =	vpop (erf)  }
0x172: {  	v10 =	vld.idx.msk [tilespmem:v2+s9+$0x2900 ss:$0x1], $0xffff;
	v9 =	vmul.f32 $1.442695020e+00, v13;
	[tilespmem:v2+s7+$0x2890 ss:$0x1] =	vst.idx.msk $0xffff, v5;
	v5 =	vmul.f32 v11, v1  }
0x173: {  	v6 =	vmul.f32 v6, v1;
	v13 =	vld.idx.msk [tilespmem:v2+s14+$0x2950 ss:$0x1], $0xffff  }
0x174: {  	(erf) = vpow2.f32 v9;
	v11 =	vld.idx.msk [tilespmem:v2+s7+$0x28A0 ss:$0x1], $0xffff;
	v5 =	vmul.f32 $1.442695020e+00, v5  }
0x175: {  	v7 =	vmul.f32 v7, v1;
	v9 =	vmul.f32 v15, v1;
	v15 =	vpop (erf)  }
0x176: {  	v4 =	vmul.f32 v4, v1;
	v59 =	vld.idx.msk [tilespmem:v2+s7+$0x2820 ss:$0x1], $0xffff;
	[tilespmem:v2+s31+$0x2920 ss:$0x1] =	vst.idx.msk $0xffff, v12;
	v6 =	vmul.f32 $1.442695020e+00, v6;
	v12 =	vpop (erf)  }
0x177: {  	v10 =	vmul.f32 v10, v1;
	v9 =	vmul.f32 $1.442695020e+00, v9;
	v61 =	vpop (erf)  }
0x178: {  	v18 =	vld.idx.msk [tilespmem:v2+s31+$0x2930 ss:$0x1], $0xffff;
	(erf) = vpow2.f32 v5;
	v13 =	vmul.f32 v13, v1;
	v5 =	vpop (erf)  }
0x179: {  	[tilespmem:v2+s4+$0x28B0 ss:$0x1] =	vst.idx.msk $0xffff, v5;
	v5 =	vmul.f32 $1.442695020e+00, v7;
	v7 =	vmul.f32 v11, v1  }
0x17a: {  	[tilespmem:v2+s31+$0x2830 ss:$0x1] =	vst.idx.msk $0xffff, v14;
	v11 =	vpop (erf);
	(erf) = vpow2.f32 v9;
	v9 =	vmul.f32 $1.442695020e+00, v13;
	v19 =	vld.idx.msk [tilespmem:v2+s4+$0x28C0 ss:$0x1], $0xffff  }
0x17b: {  	v16 =	vmul.f32 v59, v1;
	[tilespmem:v2+s31+$0x29B0 ss:$0x1] =	vst.idx.msk $0xffff, v15;
	v7 =	vmul.f32 $1.442695020e+00, v7  }
0x17c: {  	v10 =	vmul.f32 $1.442695020e+00, v10;
	v13 =	vpop (erf);
	[tilespmem:v2+s4+$0x2910 ss:$0x1] =	vst.idx.msk $0xffff, v11;
	(erf) = vpow2.f32 v9  }
0x17d: {  	v15 =	vmul.f32 v18, v1;
	[tilespmem:v2+s9+$0x2800 ss:$0x1] =	vst.idx.msk $0xffff, v13;
	v13 =	vld.idx.msk [tilespmem:v2+s31+$0x29C0 ss:$0x1], $0xffff;
	v14 =	vpop (erf);
	(erf) = vpow2.f32 v7  }
0x17e: {  	v16 =	vmul.f32 $1.442695020e+00, v16;
	v11 =	vld.idx.msk [tilespmem:v2+s4+$0x2920 ss:$0x1], $0xffff;
	[tilespmem:v2+s14+$0x2850 ss:$0x1] =	vst.idx.msk $0xffff, v14;
	(erf) = vpow2.f32 v10  }
0x17f: {  	[tilespmem:v2+s14+$0x28E0 ss:$0x1] =	vst.idx.msk $0xffff, v12;
	v12 =	vld.idx.msk [tilespmem:v2+s14+$0x2860 ss:$0x1], $0xffff;
	v10 =	vmul.f32 $1.442695020e+00, v15;
	v14 =	vmul.f32 v19, v1  }
0x180: {  	v9 =	vld.idx.msk [tilespmem:v2+s9+$0x2810 ss:$0x1], $0xffff;
	v15 =	vmul.f32 $1.442695020e+00, v4;
	(erf) = vpow2.f32 v5  }
0x181: {  	v7 =	vld.idx.msk [tilespmem:v2+s31+$0x2840 ss:$0x1], $0xffff;
	v4 =	vpop (erf);
	(erf) = vpow2.f32 v10;
	v10 =	vmul.f32 $1.442695020e+00, v14  }
0x182: {  	v5 =	vld.idx.msk [tilespmem:v2+s14+$0x28F0 ss:$0x1], $0xffff;
	[tilespmem:v2+s14+$0x29D0 ss:$0x1] =	vst.idx.msk $0xffff, v4;
	v4 =	vmul.f32 v13, v1;
	(erf) = vpow2.f32 v6  }
0x183: {  	v11 =	vmul.f32 v11, v1  }
0x184: {  	(erf) = vpow2.f32 v16;
	v12 =	vmul.f32 v12, v1  }
0x185: {  	[tilespmem:v2+s7+$0x2990 ss:$0x1] =	vst.idx.msk $0xffff, v8;
	v6 =	vld.idx.msk [tilespmem:v2+s14+$0x29E0 ss:$0x1], $0xffff;
	v8 =	vmul.f32 $1.442695020e+00, v4;
	(erf) = vpow2.f32 v10;
	v10 =	vpop (erf)  }
0x186: {  	v9 =	vmul.f32 v9, v1;
	v7 =	vmul.f32 v7, v1;
	v4 =	vpop (erf)  }
0x187: {  	v5 =	vmul.f32 v5, v1;
	v12 =	vmul.f32 $1.442695020e+00, v12;
	[tilespmem:v2+s9+$0x2980 ss:$0x1] =	vst.idx.msk $0xffff, v10;
	v10 =	vpop (erf)  }
0x188: {  	s11 =	sor.u32 $0x1, s30;
	v13 =	vld.idx.msk [tilespmem:v2+s7+$0x29A0 ss:$0x1], $0xffff;
	v7 =	vmul.f32 $1.442695020e+00, v7;
	(erf) = vpow2.f32 v8;
	[tilespmem:v2+s14+$0x2950 ss:$0x1] =	vst.idx.msk $0xffff, v4;
	v4 =	vpop (erf)  }
0x189: {  	s15 =	smulhi.u32 $0x55555556, s11;
	v5 =	vmul.f32 $1.442695020e+00, v5;
	(erf) = vpow2.f32 v12;
	[tilespmem:v2+s7+$0x28A0 ss:$0x1] =	vst.idx.msk $0xffff, v10;
	v14 =	vld.idx.msk [tilespmem:v2+s14+$0x2960 ss:$0x1], $0xffff;
	v8 =	vpop (erf)  }
0x18a: {  	v12 =	vld.idx.msk [tilespmem:v2+s9+$0x2990 ss:$0x1], $0xffff;
	v10 =	vmul.f32 v6, v1;
	(erf) = vpow2.f32 v15;
	[tilespmem:v2+s31+$0x28D0 ss:$0x1] =	vst.idx.msk $0xffff, v8;
	v8 =	vpop (erf)  }
0x18b: {  	s6 =	smul.u32 $0x3, s15;
	v63 =	vmul.f32 $1.442695020e+00, v11;
	v9 =	vmul.f32 $1.442695020e+00, v9;
	v15 =	vpop (erf);
	v6 =	vld.idx.msk [tilespmem:v2+s31+$0x28E0 ss:$0x1], $0xffff;
	[tilespmem:v2+s31+$0x2930 ss:$0x1] =	vst.idx.msk $0xffff, v8  }
0x18c: {  	v62 =	vmul.f32 $1.442695020e+00, v10;
	(erf) = vpow2.f32 v5;
	[tilespmem:v2+s4+$0x29A0 ss:$0x1] =	vst.idx.msk $0xffff, v15;
	v10 =	vld.idx.msk [tilespmem:v2+s31+$0x2940 ss:$0x1], $0xffff  }
0x18d: {  	s6 =	ssub.s32 s11, s6;
	[tilespmem:v2+s9+$0x2880 ss:$0x1] =	vst.idx.msk $0xffff, v61;
	v5 =	vmul.f32 v13, v1;
	v11 =	vpop (erf);
	(erf) = vpow2.f32 v7;
	v8 =	vld.idx.msk [tilespmem:v2+s4+$0x29B0 ss:$0x1], $0xffff  }
0x18e: {  	s6 =	smul.u32 $0xA000, s6;
	[tilespmem:v2+s7+$0x2820 ss:$0x1] =	vst.idx.msk $0xffff, v11;
	v7 =	vpop (erf);
	v11 =	vld.idx.msk [tilespmem:v2+s9+$0x2890 ss:$0x1], $0xffff;
	(erf) = vpow2.f32 v9;
	v13 =	vmul.f32 v14, v1  }
0x18f: {  	s15 =	simm.s32 $0x10;
	v12 =	vmul.f32 v12, v1;
	v9 =	vld.idx.msk [tilespmem:v2+s7+$0x28B0 ss:$0x1], $0xffff;
	[tilespmem:v2+s4+$0x28C0 ss:$0x1] =	vst.idx.msk $0xffff, v7;
	(erf) = vpow2.f32 v62  }
0x190: {  	s12 =	sshrl.u32 s6, $0x2;
	s6 =	smov.u32 s14;
	s13 =	sadd.s32 $0x200, s9;
	[tilespmem:v2+s7+$0x2900 ss:$0x1] =	vst.idx.msk $0xffff, v3;
	v7 =	vld.idx.msk [tilespmem:v2+s4+$0x28D0 ss:$0x1], $0xffff;
	(erf) = vpow2.f32 v63;
	v3 =	vmul.f32 $1.442695020e+00, v13  }
.LBB2_8:
0x191: {  	s15 =	sadd.s32 $0x4, s15;
	v16 =	vmul.f32 $1.442695020e+00, v12;
	v13 =	vld.idx.msk [tilespmem:v2+s7+$0x2910 ss:$0x1], $0xffff;
	v6 =	vmul.f32 v6, v1;
	v14 =	vpop (erf)  }
0x192: {  	v10 =	vmul.f32 v10, v1;
	v15 =	vld.idx.msk [tilespmem:v2+s13+$0x2880 ss:$0x1], $0xffff;
	p0 =	slt.u32 s15, $0x4C;
	[tilespmem:v2+s31+$0x29C0 ss:$0x1] =	vst.idx.msk $0xffff, v14;
	v14 =	vpop (erf);
	(erf) = vpow2.f32 v3  }
0x193: {  	v8 =	vmul.f32 v8, v1;
	(erf) = vpow2.f32 v16;
	v3 =	vld.idx.msk [tilespmem:v2+s7+$0x2830 ss:$0x1], $0xffff;
	v12 =	vpop (erf);
	[tilespmem:v2+s6+$0x2860 ss:$0x1] =	vst.idx.msk $0xffff, v14  }
0x194: {  	v11 =	vmul.f32 v11, v1;
	v18 =	vmul.f32 $1.442695020e+00, v10;
	[tilespmem:v2+s4+$0x2830 ss:$0x1] =	vst.idx.msk $0xffff, v12;
	v12 =	vld.idx.msk [tilespmem:v2+s6+$0x2870 ss:$0x1], $0xffff  }
0x195: {  	v6 =	vmul.f32 $1.442695020e+00, v6;
	v9 =	vmul.f32 v9, v1;
	v14 =	vld.idx.msk [tilespmem:v2+s13+$0x2800 ss:$0x1], $0xffff;
	v16 =	vpop (erf)  }
0x196: {  	v19 =	vmul.f32 $1.442695020e+00, v11;
	v17 =	vpop (erf);
	(erf) = vpow2.f32 v18;
	[tilespmem:v2+s6+$0x28F0 ss:$0x1] =	vst.idx.msk $0xffff, v16  }
0x197: {  	v9 =	vmul.f32 $1.442695020e+00, v9;
	v13 =	vmul.f32 v13, v1;
	v10 =	vpop (erf);
	[tilespmem:v2+s31+$0x2840 ss:$0x1] =	vst.idx.msk $0xffff, v17  }
0x198: {  	v7 =	vmul.f32 v7, v1;
	v15 =	vmul.f32 v15, v1;
	[tilespmem:v2+s9+$0x2810 ss:$0x1] =	vst.idx.msk $0xffff, v10;
	v10 =	vld.idx.msk [tilespmem:v2+s31+$0x2850 ss:$0x1], $0xffff;
	v16 =	vpop (erf)  }
0x199: {  	(erf) = vpow2.f32 v19;
	v19 =	vmul.f32 $1.442695020e+00, v8;
	v11 =	vpop (erf);
	v17 =	vld.idx.msk [tilespmem:v2+s31+$0x29D0 ss:$0x1], $0xffff;
	[tilespmem:v2+s6+$0x29E0 ss:$0x1] =	vst.idx.msk $0xffff, v16  }
0x19a: {  	v15 =	vmul.f32 $1.442695020e+00, v15;
	v12 =	vmul.f32 v12, v1;
	v16 =	vld.idx.msk [tilespmem:v2+s6+$0x29F0 ss:$0x1], $0xffff  }
0x19b: {  	v3 =	vmul.f32 v3, v1;
	v18 =	vld.idx.msk [tilespmem:v2+s9+$0x2820 ss:$0x1], $0xffff;
	(erf) = vpow2.f32 v19;
	v8 =	vpop (erf)  }
0x19c: {  	v14 =	vmul.f32 v14, v1;
	v12 =	vmul.f32 $1.442695020e+00, v12;
	v19 =	vld.idx.msk [tilespmem:v2+s13+$0x2980 ss:$0x1], $0xffff;
	v20 =	vpop (erf);
	[tilespmem:v2+s6+$0x2960 ss:$0x1] =	vst.idx.msk $0xffff, v8  }
0x19d: {  	v8 =	vmul.f32 $1.442695020e+00, v13;
	(erf) = vpow2.f32 v6;
	v6 =	vld.idx.msk [tilespmem:v2+s6+$0x2970 ss:$0x1], $0xffff  }
0x19e: {  	v13 =	vmul.f32 $1.442695020e+00, v14;
	v14 =	vld.idx.msk [tilespmem:v2+s13+$0x2900 ss:$0x1], $0xffff;
	(erf) = vpow2.f32 v15  }
0x19f: {  	(erf) = vpow2.f32 v9;
	v9 =	vmul.f32 v10, v1;
	v10 =	vpop (erf)  }
0x1a0: {  	(erf) = vpow2.f32 v8;
	[tilespmem:v2+s31+$0x2940 ss:$0x1] =	vst.idx.msk $0xffff, v10;
	v8 =	vmul.f32 v16, v1  }
0x1a1: {  	v10 =	vmul.f32 v17, v1;
	(erf) = vpow2.f32 v13  }
0x1a2: {  	v9 =	vmul.f32 $1.442695020e+00, v9;
	v13 =	vpop (erf);
	v15 =	vld.idx.msk [tilespmem:v2+s31+$0x2950 ss:$0x1], $0xffff;
	v8 =	vmul.f32 $1.442695020e+00, v8  }
0x1a3: {  	v16 =	vmul.f32 v19, v1;
	v10 =	vmul.f32 $1.442695020e+00, v10;
	[tilespmem:v2+s9+$0x2890 ss:$0x1] =	vst.idx.msk $0xffff, v13  }
0x1a4: {  	v13 =	vmul.f32 v18, v1;
	v17 =	vld.idx.msk [tilespmem:v2+s9+$0x28A0 ss:$0x1], $0xffff;
	v18 =	vpop (erf);
	(erf) = vpow2.f32 v9  }
0x1a5: {  	v9 =	vmul.f32 v14, v1;
	[tilespmem:v2+s4+$0x2920 ss:$0x1] =	vst.idx.msk $0xffff, v11;
	(erf) = vpow2.f32 v8  }
0x1a6: {  	v6 =	vmul.f32 v6, v1;
	v8 =	vmul.f32 $1.442695020e+00, v16;
	v11 =	vpop (erf)  }
0x1a7: {  	v9 =	vmul.f32 $1.442695020e+00, v9;
	v14 =	vpop (erf);
	v16 =	vld.idx.msk [tilespmem:v2+s4+$0x2930 ss:$0x1], $0xffff;
	[tilespmem:v2+s4+$0x29B0 ss:$0x1] =	vst.idx.msk $0xffff, v18;
	(erf) = vpow2.f32 v10  }
0x1a8: {  	v6 =	vmul.f32 $1.442695020e+00, v6;
	v10 =	vpop (erf);
	[tilespmem:v2+s31+$0x28E0 ss:$0x1] =	vst.idx.msk $0xffff, v11;
	v11 =	vmul.f32 v15, v1  }
0x1a9: {  	v7 =	vmul.f32 $1.442695020e+00, v7;
	[tilespmem:v2+s7+$0x28B0 ss:$0x1] =	vst.idx.msk $0xffff, v10;
	v10 =	vpop (erf);
	v15 =	vld.idx.msk [tilespmem:v2+s31+$0x28F0 ss:$0x1], $0xffff;
	(erf) = vpow2.f32 v12  }
0x1aa: {  	v19 =	vmul.f32 v17, v1;
	v12 =	vpop (erf);
	v18 =	vld.idx.msk [tilespmem:v2+s7+$0x28C0 ss:$0x1], $0xffff;
	(erf) = vpow2.f32 v6  }
0x1ab: {  	v6 =	vmul.f32 $1.442695020e+00, v11;
	[tilespmem:v2+s13+$0x2800 ss:$0x1] =	vst.idx.msk $0xffff, v12;
	(erf) = vpow2.f32 v8  }
0x1ac: {  	v5 =	vmul.f32 $1.442695020e+00, v5;
	v8 =	vmul.f32 $1.442695020e+00, v19;
	v11 =	vld.idx.msk [tilespmem:v2+s4+$0x29C0 ss:$0x1], $0xffff  }
0x1ad: {  	v16 =	vmul.f32 v16, v1;
	v12 =	vld.idx.msk [tilespmem:v2+s13+$0x2810 ss:$0x1], $0xffff;
	v17 =	vpop (erf);
	(erf) = vpow2.f32 v6  }
0x1ae: {  	v6 =	vmul.f32 $1.442695020e+00, v13;
	(erf) = vpow2.f32 v8;
	v8 =	vld.idx.msk [tilespmem:v2+s4+$0x2840 ss:$0x1], $0xffff;
	[tilespmem:v2+s31+$0x2850 ss:$0x1] =	vst.idx.msk $0xffff, v17;
	v13 =	vpop (erf)  }
0x1af: {  	(erf) = vpow2.f32 v9;
	v9 =	vmul.f32 $1.442695020e+00, v16;
	v16 =	vld.idx.msk [tilespmem:v2+s31+$0x2860 ss:$0x1], $0xffff;
	[tilespmem:v2+s6+$0x29F0 ss:$0x1] =	vst.idx.msk $0xffff, v13  }
0x1b0: {  	v13 =	vmul.f32 v18, v1;
	(erf) = vpow2.f32 v7;
	v7 =	vpop (erf)  }
0x1b1: {  	v3 =	vmul.f32 $1.442695020e+00, v3;
	[tilespmem:v2+s7+$0x2910 ss:$0x1] =	vst.idx.msk $0xffff, v10;
	(erf) = vpow2.f32 v9  }
0x1b2: {  	v9 =	vmul.f32 $1.442695020e+00, v13;
	(erf) = vpow2.f32 v5;
	[tilespmem:v2+s31+$0x29D0 ss:$0x1] =	vst.idx.msk $0xffff, v7;
	v5 =	vpop (erf)  }
0x1b3: {  	(erf) = vpow2.f32 v6;
	v6 =	vmul.f32 v11, v1;
	v7 =	vld.idx.msk [tilespmem:v2+s31+$0x29E0 ss:$0x1], $0xffff;
	[tilespmem:v2+s6+$0x2870 ss:$0x1] =	vst.idx.msk $0xffff, v5;
	v5 =	vpop (erf)  }
0x1b4: {  	v8 =	vmul.f32 v8, v1;
	v10 =	vpop (erf);
	v11 =	vld.idx.msk [tilespmem:v2+s7+$0x2920 ss:$0x1], $0xffff;
	(erf) = vpow2.f32 v9;
	[tilespmem:v2+s6+$0x2970 ss:$0x1] =	vst.idx.msk $0xffff, v5;
	s6 =	smov.u32 s31;
	s31 =	smov.u32 s4;
	s4 =	smov.u32 s7  }
0x1b5: {  	v5 =	vmul.f32 v12, v1;
	v9 =	vmul.f32 v16, v1;
	s7 =	smov.u32 s9;
	[tilespmem:v2+s9+$0x2990 ss:$0x1] =	vst.idx.msk $0xffff, v20;
	s9 =	smov.u32 s13  }
0x1b6: {  	v17 =	vmul.f32 $1.442695020e+00, v6;
	[tilespmem:v2+s13+$0x2980 ss:$0x1] =	vst.idx.msk $0xffff, v10;
	v10 =	vmul.f32 v15, v1;
	v12 =	vpop (erf)  }
0x1b7: {  	v13 =	vmul.f32 $1.442695020e+00, v5;
	v9 =	vmul.f32 $1.442695020e+00, v9;
	v5 =	vld.idx.msk [tilespmem:v2+s7+$0x29A0 ss:$0x1], $0xffff;
	v15 =	vpop (erf);
	[tilespmem:v2+s6+$0x2950 ss:$0x1] =	vst.idx.msk $0xffff, v12  }
0x1b8: {  	v16 =	vpop (erf);
	[tilespmem:v2+s7+$0x28A0 ss:$0x1] =	vst.idx.msk $0xffff, v15;
	(erf) = vpow2.f32 v17;
	v12 =	vmul.f32 $1.442695020e+00, v10;
	v15 =	vld.idx.msk [tilespmem:v2+s6+$0x2960 ss:$0x1], $0xffff  }
0x1b9: {  	v17 =	vmul.f32 v7, v1;
	[tilespmem:v2+s13+$0x2880 ss:$0x1] =	vst.idx.msk $0xffff, v14;
	v14 =	vld.idx.msk [tilespmem:v2+s13+$0x2990 ss:$0x1], $0xffff;
	v6 =	vpop (erf);
	(erf) = vpow2.f32 v9  }
0x1ba: {  	v9 =	vmul.f32 v11, v1;
	(erf) = vpow2.f32 v3;
	[tilespmem:v2+s31+$0x28D0 ss:$0x1] =	vst.idx.msk $0xffff, v6;
	v3 =	vpop (erf)  }
0x1bb: {  	v11 =	vmul.f32 $1.442695020e+00, v8;
	v10 =	vpop (erf);
	v6 =	vld.idx.msk [tilespmem:v2+s31+$0x28E0 ss:$0x1], $0xffff;
	[tilespmem:v2+s31+$0x2930 ss:$0x1] =	vst.idx.msk $0xffff, v3;
	v3 =	vmul.f32 $1.442695020e+00, v17  }
.Ltmp2:
0x1bc: {  	v17 =	vmul.f32 $1.442695020e+00, v9;
	v7 =	vpop (erf);
	[tilespmem:v2+s4+$0x29A0 ss:$0x1] =	vst.idx.msk $0xffff, v10;
	v10 =	vld.idx.msk [tilespmem:v2+s31+$0x2940 ss:$0x1], $0xffff;
	(erf) = vpow2.f32 v12;
	(pc) =	sbr.rel @p0 .LBB2_8-.Ltmp2, $4  }
0x1bd: {  	v5 =	vmul.f32 v5, v1;
	[tilespmem:v2+s7+$0x2820 ss:$0x1] =	vst.idx.msk $0xffff, v7;
	v8 =	vld.idx.msk [tilespmem:v2+s4+$0x29B0 ss:$0x1], $0xffff;
	v7 =	vpop (erf);
	(erf) = vpow2.f32 v11  }
0x1be: {  	v11 =	vld.idx.msk [tilespmem:v2+s13+$0x2890 ss:$0x1], $0xffff;
	(erf) = vpow2.f32 v13;
	[tilespmem:v2+s4+$0x28C0 ss:$0x1] =	vst.idx.msk $0xffff, v7;
	v13 =	vmul.f32 v15, v1  }
0x1bf: {  	v12 =	vmul.f32 v14, v1;
	v9 =	vld.idx.msk [tilespmem:v2+s7+$0x28B0 ss:$0x1], $0xffff;
	(erf) = vpow2.f32 v3  }
0x1c0: {  	s13 =	sadd.s32 $0x200, s13;
	[tilespmem:v2+s7+$0x2900 ss:$0x1] =	vst.idx.msk $0xffff, v4;
	v7 =	vld.idx.msk [tilespmem:v2+s4+$0x28D0 ss:$0x1], $0xffff;
	(erf) = vpow2.f32 v17;
	v3 =	vmul.f32 $1.442695020e+00, v13;
	v4 =	vmov v16  }
0x1c1: {  	_ = 	snop  }
0x1c2: {  	v10 =	vmul.f32 v10, v1  }
0x1c3: {  	v12 =	vmul.f32 $1.442695020e+00, v12;
	v13 =	vpop (erf);
	v11 =	vmul.f32 v11, v1  }
0x1c4: {  	v14 =	vpop (erf);
	(erf) = vpow2.f32 v3;
	v10 =	vmul.f32 $1.442695020e+00, v10  }
0x1c5: {  	(erf) = vpow2.f32 v12;
	v48 =	vpop (erf);
	v11 =	vmul.f32 $1.442695020e+00, v11  }
0x1c6: {  	v49 =	vld.idx.msk [tilespmem:v2+s7+$0x2910 ss:$0x1], $0xffff;
	v3 =	vpop (erf);
	(erf) = vpow2.f32 v10  }
0x1c7: {  	v15 =	vpop (erf);
	(erf) = vpow2.f32 v11  }
0x1c8: {  	v8 =	vmul.f32 v8, v1;
	[tilespmem:v2+s31+$0x29C0 ss:$0x1] =	vst.idx.msk $0xffff, v13  }
0x1c9: {  	v17 =	vld.idx.msk [tilespmem:v2+s31+$0x29D0 ss:$0x1], $0xffff;
	v50 =	vpop (erf);
	[tilespmem:v2+s31+$0x2840 ss:$0x1] =	vst.idx.msk $0xffff, v15  }
0x1ca: {  	v6 =	vmul.f32 v6, v1;
	[tilespmem:v2+s6+$0x2860 ss:$0x1] =	vst.idx.msk $0xffff, v14;
	v8 =	vmul.f32 $1.442695020e+00, v8;
	v51 =	vpop (erf);
	v16 =	vld.idx.msk [tilespmem:v2+s31+$0x2850 ss:$0x1], $0xffff  }
0x1cb: {  	v14 =	vld.idx.msk [tilespmem:v2+s6+$0x2870 ss:$0x1], $0xffff;
	v9 =	vmul.f32 v9, v1;
	v10 =	vmul.f32 v49, v1;
	[tilespmem:v2+s6+$0x29E0 ss:$0x1] =	vst.idx.msk $0xffff, v51  }
0x1cc: {  	v6 =	vmul.f32 $1.442695020e+00, v6;
	v7 =	vmul.f32 v7, v1;
	v53 =	vpop (erf);
	v52 =	vld.idx.msk [tilespmem:v2+s6+$0x29F0 ss:$0x1], $0xffff  }
0x1cd: {  	v9 =	vmul.f32 $1.442695020e+00, v9;
	v10 =	vmul.f32 $1.442695020e+00, v10;
	v18 =	vpop (erf)  }
0x1ce: {  	v17 =	vmul.f32 v17, v1;
	(erf) = vpow2.f32 v8;
	[tilespmem:v2+s4+$0x2920 ss:$0x1] =	vst.idx.msk $0xffff, v53;
	v8 =	vpop (erf)  }
0x1cf: {  	(erf) = vpow2.f32 v6;
	v62 =	vld.idx.msk [tilespmem:v2+s4+$0x2930 ss:$0x1], $0xffff;
	[tilespmem:v2+s6+$0x2960 ss:$0x1] =	vst.idx.msk $0xffff, v18;
	v55 =	vmul.f32 v16, v1;
	v56 =	vpop (erf)  }
0x1d0: {  	v14 =	vmul.f32 v14, v1;
	(erf) = vpow2.f32 v9;
	v54 =	vld.idx.msk [tilespmem:v2+s6+$0x2970 ss:$0x1], $0xffff;
	[tilespmem:v2+s31+$0x2940 ss:$0x1] =	vst.idx.msk $0xffff, v56;
	v57 =	vpop (erf)  }
0x1d1: {  	v13 =	vmul.f32 v52, v1;
	v9 =	vmul.f32 $1.442695020e+00, v55;
	v58 =	vld.idx.msk [tilespmem:v2+s31+$0x2950 ss:$0x1], $0xffff;
	[tilespmem:v2+s9+$0x2890 ss:$0x1] =	vst.idx.msk $0xffff, v57  }
0x1d2: {  	v61 =	vmul.f32 $1.442695020e+00, v17;
	(erf) = vpow2.f32 v10;
	v60 =	vld.idx.msk [tilespmem:v2+s9+$0x28A0 ss:$0x1], $0xffff  }
0x1d3: {  	v59 =	vmul.f32 $1.442695020e+00, v13;
	(erf) = vpow2.f32 v9  }
0x1d4: {  	v63 =	vmul.f32 $1.442695020e+00, v14;
	v9 =	vmul.f32 v62, v1  }
0x1d5: {  	v6 =	vmul.f32 v54, v1;
	(erf) = vpow2.f32 v59  }
0x1d6: {  	(erf) = vpow2.f32 v61;
	v21 =	vmul.f32 v58, v1  }
0x1d7: {  	v20 =	vpop (erf);
	v6 =	vmul.f32 $1.442695020e+00, v6;
	v23 =	vmul.f32 v60, v1  }
0x1d8: {  	v22 =	vpop (erf);
	(erf) = vpow2.f32 v63;
	v26 =	vmul.f32 $1.442695020e+00, v21  }
0x1d9: {  	v24 =	vld.idx.msk [tilespmem:v2+s7+$0x2830 ss:$0x1], $0xffff;
	[tilespmem:v2+s9+$0x2810 ss:$0x1] =	vst.idx.msk $0xffff, v50;
	v25 =	vpop (erf);
	(erf) = vpow2.f32 v6;
	v10 =	vmul.f32 $1.442695020e+00, v23  }
0x1da: {  	v7 =	vmul.f32 $1.442695020e+00, v7;
	v27 =	vld.idx.msk [tilespmem:v2+s9+$0x2820 ss:$0x1], $0xffff;
	[tilespmem:v2+s7+$0x28B0 ss:$0x1] =	vst.idx.msk $0xffff, v25;
	(erf) = vpow2.f32 v26  }
0x1db: {  	v29 =	vmul.f32 $1.442695020e+00, v9;
	[tilespmem:v2+s4+$0x29B0 ss:$0x1] =	vst.idx.msk $0xffff, v20;
	v11 =	vld.idx.msk [tilespmem:v2+s7+$0x28C0 ss:$0x1], $0xffff;
	v28 =	vpop (erf);
	(erf) = vpow2.f32 v10  }
0x1dc: {  	v31 =	vld.idx.msk [tilespmem:v2+s4+$0x29C0 ss:$0x1], $0xffff;
	[tilespmem:v2+s31+$0x28E0 ss:$0x1] =	vst.idx.msk $0xffff, v22;
	v30 =	vpop (erf);
	(erf) = vpow2.f32 v7  }
0x1dd: {  	v35 =	vld.idx.msk [tilespmem:v2+s31+$0x28F0 ss:$0x1], $0xffff;
	[tilespmem:v2+s31+$0x2850 ss:$0x1] =	vst.idx.msk $0xffff, v30;
	(erf) = vpow2.f32 v29  }
0x1de: {  	v32 =	vmul.f32 v24, v1;
	v34 =	vld.idx.msk [tilespmem:v2+s31+$0x2860 ss:$0x1], $0xffff  }
0x1df: {  	v36 =	vmul.f32 $1.442695020e+00, v5;
	v33 =	vmul.f32 v27, v1;
	v5 =	vpop (erf)  }
0x1e0: {  	[tilespmem:v2+s4+$0x2830 ss:$0x1] =	vst.idx.msk $0xffff, v48;
	v39 =	vmul.f32 $1.442695020e+00, v32;
	v11 =	vmul.f32 v11, v1;
	v38 =	vpop (erf)  }
0x1e1: {  	v37 =	vld.idx.msk [tilespmem:v2+s4+$0x2840 ss:$0x1], $0xffff;
	v9 =	vmul.f32 $1.442695020e+00, v33;
	v40 =	vmul.f32 v31, v1;
	v6 =	vpop (erf)  }
0x1e2: {  	v12 =	vmul.f32 v35, v1;
	v11 =	vmul.f32 $1.442695020e+00, v11;
	v7 =	vpop (erf)  }
0x1e3: {  	(erf) = vpow2.f32 v36;
	[tilespmem:v2+s31+$0x29D0 ss:$0x1] =	vst.idx.msk $0xffff, v38;
	v10 =	vmul.f32 v34, v1;
	v42 =	vpop (erf)  }
0x1e4: {  	[tilespmem:v2+s7+$0x2910 ss:$0x1] =	vst.idx.msk $0xffff, v28;
	(erf) = vpow2.f32 v9;
	v41 =	vld.idx.msk [tilespmem:v2+s31+$0x29E0 ss:$0x1], $0xffff;
	v9 =	vmul.f32 $1.442695020e+00, v40;
	v43 =	vpop (erf)  }
0x1e5: {  	v45 =	vld.idx.msk [tilespmem:v2+s7+$0x2920 ss:$0x1], $0xffff;
	(erf) = vpow2.f32 v11;
	v10 =	vmul.f32 $1.442695020e+00, v10;
	v44 =	vpop (erf)  }
0x1e6: {  	v14 =	vmul.f32 v37, v1;
	[tilespmem:v2+s31+$0x2950 ss:$0x1] =	vst.idx.msk $0xffff, v42;
	(erf) = vpow2.f32 v9;
	v47 =	vpop (erf)  }
0x1e7: {  	v46 =	vmul.f32 $1.442695020e+00, v12;
	v48 =	vld.idx.msk [tilespmem:v2+s31+$0x2960 ss:$0x1], $0xffff;
	(erf) = vpow2.f32 v10;
	[tilespmem:v2+s4+$0x2930 ss:$0x1] =	vst.idx.msk $0xffff, v47  }
0x1e8: {  	v49 =	vmul.f32 $1.442695020e+00, v14;
	(erf) = vpow2.f32 v39;
	v11 =	vld.idx.msk [tilespmem:v2+s4+$0x2940 ss:$0x1], $0xffff  }
0x1e9: {  	v13 =	vmul.f32 v41, v1;
	(erf) = vpow2.f32 v46  }
0x1ea: {  	v51 =	vmul.f32 v45, v1;
	(erf) = vpow2.f32 v49  }
0x1eb: {  	v50 =	vmul.f32 $1.442695020e+00, v13  }
0x1ec: {  	v10 =	vmul.f32 $1.442695020e+00, v51;
	v52 =	vpop (erf);
	v12 =	vmul.f32 v48, v1  }
0x1ed: {  	v53 =	vpop (erf);
	(erf) = vpow2.f32 v50;
	v11 =	vmul.f32 v11, v1  }
0x1ee: {  	[tilespmem:v2+s9+$0x28A0 ss:$0x1] =	vst.idx.msk $0xffff, v43;
	v55 =	vpop (erf);
	v12 =	vmul.f32 $1.442695020e+00, v12  }
0x1ef: {  	v58 =	vld.idx.msk [tilespmem:v2+s9+$0x28B0 ss:$0x1], $0xffff;
	[tilespmem:v2+s7+$0x29A0 ss:$0x1] =	vst.idx.msk $0xffff, v52;
	(erf) = vpow2.f32 v10;
	v57 =	vpop (erf);
	v11 =	vmul.f32 $1.442695020e+00, v11  }
0x1f0: {  	[tilespmem:v2+s4+$0x28D0 ss:$0x1] =	vst.idx.msk $0xffff, v44;
	v56 =	vld.idx.msk [tilespmem:v2+s7+$0x29B0 ss:$0x1], $0xffff;
	v59 =	vpop (erf);
	(erf) = vpow2.f32 v12  }
0x1f1: {  	[tilespmem:v2+s9+$0x2900 ss:$0x1] =	vst.idx.msk $0xffff, v4;
	v54 =	vld.idx.msk [tilespmem:v2+s4+$0x28E0 ss:$0x1], $0xffff;
	v60 =	vpop (erf);
	(erf) = vpow2.f32 v11  }
0x1f2: {  	v61 =	vld.idx.msk [tilespmem:v2+s9+$0x2910 ss:$0x1], $0xffff;
	[tilespmem:v2+s7+$0x28C0 ss:$0x1] =	vst.idx.msk $0xffff, v55;
	v4 =	vpop (erf)  }
0x1f3: {  	v63 =	vld.idx.msk [tilespmem:v2+s7+$0x28D0 ss:$0x1], $0xffff;
	[tilespmem:v2+s4+$0x29C0 ss:$0x1] =	vst.idx.msk $0xffff, v57;
	v62 =	vpop (erf)  }
0x1f4: {  	v23 =	vmul.f32 v58, v1;
	v20 =	vld.idx.msk [tilespmem:v2+s4+$0x29D0 ss:$0x1], $0xffff;
	[tilespmem:v2+s4+$0x2840 ss:$0x1] =	vst.idx.msk $0xffff, v62  }
0x1f5: {  	v15 =	vmul.f32 v56, v1;
	[tilespmem:v2+s31+$0x2860 ss:$0x1] =	vst.idx.msk $0xffff, v59;
	v24 =	vld.idx.msk [tilespmem:v2+s4+$0x2850 ss:$0x1], $0xffff  }
0x1f6: {  	v22 =	vmul.f32 v54, v1;
	v27 =	vmul.f32 $1.442695020e+00, v23;
	v19 =	vld.idx.msk [tilespmem:v2+s31+$0x2870 ss:$0x1], $0xffff;
	v25 =	vpop (erf)  }
0x1f7: {  	v15 =	vmul.f32 $1.442695020e+00, v15;
	v11 =	vmul.f32 v61, v1;
	[tilespmem:v2+s31+$0x29E0 ss:$0x1] =	vst.idx.msk $0xffff, v25  }
0x1f8: {  	v26 =	vmul.f32 $1.442695020e+00, v22;
	v30 =	vmul.f32 v63, v1;
	v29 =	vpop (erf);
	v28 =	vld.idx.msk [tilespmem:v2+s31+$0x29F0 ss:$0x1], $0xffff  }
0x1f9: {  	(erf) = vpow2.f32 v15;
	v11 =	vmul.f32 $1.442695020e+00, v11;
	[tilespmem:v2+s7+$0x2920 ss:$0x1] =	vst.idx.msk $0xffff, v29;
	v31 =	vpop (erf)  }
0x1fa: {  	v37 =	vmul.f32 v20, v1;
	v38 =	vld.idx.msk [tilespmem:v2+s7+$0x2930 ss:$0x1], $0xffff;
	[tilespmem:v2+s31+$0x2960 ss:$0x1] =	vst.idx.msk $0xffff, v31;
	v32 =	vmul.f32 v24, v1;
	v33 =	vpop (erf)  }
0x1fb: {  	v34 =	vmul.f32 v19, v1;
	(erf) = vpow2.f32 v26;
	v18 =	vld.idx.msk [tilespmem:v2+s31+$0x2970 ss:$0x1], $0xffff;
	[tilespmem:v2+s4+$0x2940 ss:$0x1] =	vst.idx.msk $0xffff, v33  }
0x1fc: {  	(erf) = vpow2.f32 v27;
	v10 =	vmul.f32 $1.442695020e+00, v32;
	v36 =	vld.idx.msk [tilespmem:v2+s4+$0x2950 ss:$0x1], $0xffff  }
0x1fd: {  	v35 =	vmul.f32 v28, v1;
	(erf) = vpow2.f32 v11  }
0x1fe: {  	v16 =	vmul.f32 $1.442695020e+00, v34;
	(erf) = vpow2.f32 v10  }
0x1ff: {  	v11 =	vmul.f32 $1.442695020e+00, v37;
	v13 =	vmul.f32 $1.442695020e+00, v35  }
0x200: {  	v10 =	vmul.f32 v38, v1;
	v39 =	vmul.f32 v18, v1  }
0x201: {  	(erf) = vpow2.f32 v13;
	v41 =	vmul.f32 v36, v1  }
0x202: {  	v40 =	vpop (erf);
	(erf) = vpow2.f32 v11;
	v13 =	vmul.f32 $1.442695020e+00, v39  }
0x203: {  	[tilespmem:v2+s9+$0x2990 ss:$0x1] =	vst.idx.msk $0xffff, v8;
	(erf) = vpow2.f32 v16;
	v11 =	vmul.f32 $1.442695020e+00, v41  }
0x204: {  	v43 =	vld.idx.msk [tilespmem:v2+s9+$0x29A0 ss:$0x1], $0xffff;
	[tilespmem:v2+s9+$0x2820 ss:$0x1] =	vst.idx.msk $0xffff, v53;
	v46 =	vmul.f32 $1.442695020e+00, v30;
	v42 =	vpop (erf);
	(erf) = vpow2.f32 v13  }
0x205: {  	v45 =	vld.idx.msk [tilespmem:v2+s9+$0x2830 ss:$0x1], $0xffff;
	[tilespmem:v2+s7+$0x2830 ss:$0x1] =	vst.idx.msk $0xffff, v60;
	v10 =	vmul.f32 $1.442695020e+00, v10;
	v44 =	vpop (erf);
	(erf) = vpow2.f32 v11  }
0x206: {  	v56 =	vld.idx.msk [tilespmem:v2+s7+$0x2840 ss:$0x1], $0xffff;
	[tilespmem:v2+s9+$0x28B0 ss:$0x1] =	vst.idx.msk $0xffff, v44;
	v48 =	vpop (erf);
	(erf) = vpow2.f32 v46  }
0x207: {  	[tilespmem:v2+s7+$0x29B0 ss:$0x1] =	vst.idx.msk $0xffff, v40;
	v47 =	vld.idx.msk [tilespmem:v2+s9+$0x28C0 ss:$0x1], $0xffff;
	v49 =	vpop (erf);
	(erf) = vpow2.f32 v10  }
0x208: {  	v50 =	vld.idx.msk [tilespmem:v2+s7+$0x29C0 ss:$0x1], $0xffff;
	[tilespmem:v2+s4+$0x2850 ss:$0x1] =	vst.idx.msk $0xffff, v49  }
0x209: {  	v51 =	vmul.f32 v43, v1;
	v52 =	vld.idx.msk [tilespmem:v2+s4+$0x2860 ss:$0x1], $0xffff  }
0x20a: {  	v53 =	vmul.f32 v45, v1;
	v8 =	vpop (erf)  }
0x20b: {  	v55 =	vmul.f32 $1.442695020e+00, v51;
	v17 =	vmul.f32 v56, v1;
	[tilespmem:v2+s4+$0x28E0 ss:$0x1] =	vst.idx.msk $0xffff, v42;
	v57 =	vpop (erf)  }
0x20c: {  	v12 =	vmul.f32 $1.442695020e+00, v53;
	v54 =	vld.idx.msk [tilespmem:v2+s4+$0x28F0 ss:$0x1], $0xffff;
	[tilespmem:v2+s9+$0x2910 ss:$0x1] =	vst.idx.msk $0xffff, v48;
	v13 =	vmul.f32 v47, v1;
	v9 =	vpop (erf)  }
0x20d: {  	v27 =	vmul.f32 $1.442695020e+00, v17;
	v58 =	vmul.f32 v50, v1;
	v21 =	vld.idx.msk [tilespmem:v2+s9+$0x2920 ss:$0x1], $0xffff;
	[tilespmem:v2+s4+$0x29D0 ss:$0x1] =	vst.idx.msk $0xffff, v57;
	v10 =	vpop (erf)  }
0x20e: {  	v59 =	vld.idx.msk [tilespmem:v2+s4+$0x29E0 ss:$0x1], $0xffff;
	v13 =	vmul.f32 $1.442695020e+00, v13;
	v60 =	vmul.f32 v52, v1;
	v61 =	vpop (erf)  }
0x20f: {  	v62 =	vmul.f32 $1.442695020e+00, v58;
	(erf) = vpow2.f32 v55;
	v63 =	vpop (erf)  }
0x210: {  	(erf) = vpow2.f32 v13;
	v13 =	vmul.f32 $1.442695020e+00, v60;
	[tilespmem:v2+s4+$0x2950 ss:$0x1] =	vst.idx.msk $0xffff, v61;
	v22 =	vpop (erf)  }
0x211: {  	v15 =	vmul.f32 v54, v1;
	(erf) = vpow2.f32 v62;
	v24 =	vld.idx.msk [tilespmem:v2+s4+$0x2960 ss:$0x1], $0xffff;
	[tilespmem:v2+s7+$0x2930 ss:$0x1] =	vst.idx.msk $0xffff, v22  }
0x212: {  	v28 =	vmul.f32 v21, v1;
	(erf) = vpow2.f32 v13;
	v26 =	vld.idx.msk [tilespmem:v2+s7+$0x2940 ss:$0x1], $0xffff  }
0x213: {  	v23 =	vmul.f32 $1.442695020e+00, v15;
	v25 =	vmul.f32 v59, v1  }
0x214: {  	v11 =	vmul.f32 $1.442695020e+00, v28;
	(erf) = vpow2.f32 v12  }
0x215: {  	v14 =	vmul.f32 $1.442695020e+00, v25;
	(erf) = vpow2.f32 v23  }
0x216: {  	(erf) = vpow2.f32 v27;
	v29 =	vmul.f32 v24, v1  }
0x217: {  	(erf) = vpow2.f32 v14;
	v13 =	vmul.f32 v26, v1  }
0x218: {  	v30 =	vpop (erf);
	v12 =	vmul.f32 $1.442695020e+00, v29  }
0x219: {  	v31 =	vpop (erf);
	(erf) = vpow2.f32 v11;
	v32 =	vmul.f32 $1.442695020e+00, v13  }
0x21a: {  	[tilespmem:v2+s9+$0x29A0 ss:$0x1] =	vst.idx.msk $0xffff, v30;
	v33 =	vpop (erf);
	(erf) = vpow2.f32 v12  }
0x21b: {  	[tilespmem:v2+s7+$0x28D0 ss:$0x1] =	vst.idx.msk $0xffff, v63;
	v36 =	vld.idx.msk [tilespmem:v2+s9+$0x29B0 ss:$0x1], $0xffff;
	v35 =	vpop (erf);
	(erf) = vpow2.f32 v32  }
0x21c: {  	v34 =	vld.idx.msk [tilespmem:v2+s7+$0x28E0 ss:$0x1], $0xffff  }
0x21d: {  	[tilespmem:v2+s9+$0x28C0 ss:$0x1] =	vst.idx.msk $0xffff, v31;
	v37 =	vpop (erf)  }
0x21e: {  	v15 =	vld.idx.msk [tilespmem:v2+s9+$0x28D0 ss:$0x1], $0xffff;
	[tilespmem:v2+s7+$0x29C0 ss:$0x1] =	vst.idx.msk $0xffff, v33;
	v11 =	vpop (erf)  }
0x21f: {  	[tilespmem:v2+s4+$0x2860 ss:$0x1] =	vst.idx.msk $0xffff, v35;
	v44 =	vld.idx.msk [tilespmem:v2+s7+$0x29D0 ss:$0x1], $0xffff;
	v38 =	vpop (erf)  }
0x220: {  	v42 =	vmul.f32 v36, v1;
	v39 =	vld.idx.msk [tilespmem:v2+s4+$0x2870 ss:$0x1], $0xffff;
	[tilespmem:v2+s7+$0x2840 ss:$0x1] =	vst.idx.msk $0xffff, v38;
	v40 =	vpop (erf)  }
0x221: {  	v12 =	vmul.f32 v34, v1;
	v41 =	vld.idx.msk [tilespmem:v2+s7+$0x2850 ss:$0x1], $0xffff;
	[tilespmem:v2+s4+$0x29E0 ss:$0x1] =	vst.idx.msk $0xffff, v40  }
0x222: {  	v13 =	vmul.f32 $1.442695020e+00, v42;
	v43 =	vpop (erf);
	v14 =	vld.idx.msk [tilespmem:v2+s4+$0x29F0 ss:$0x1], $0xffff  }
0x223: {  	v12 =	vmul.f32 $1.442695020e+00, v12;
	[tilespmem:v2+s9+$0x2920 ss:$0x1] =	vst.idx.msk $0xffff, v43;
	v21 =	vpop (erf)  }
0x224: {  	v15 =	vmul.f32 v15, v1;
	(erf) = vpow2.f32 v13;
	v48 =	vld.idx.msk [tilespmem:v2+s9+$0x2930 ss:$0x1], $0xffff;
	[tilespmem:v2+s4+$0x2960 ss:$0x1] =	vst.idx.msk $0xffff, v21;
	v45 =	vpop (erf)  }
0x225: {  	(erf) = vpow2.f32 v12;
	v20 =	vmul.f32 v44, v1;
	v46 =	vld.idx.msk [tilespmem:v2+s4+$0x2970 ss:$0x1], $0xffff;
	[tilespmem:v2+s7+$0x2940 ss:$0x1] =	vst.idx.msk $0xffff, v45  }
0x226: {  	v18 =	vmul.f32 v39, v1;
	v19 =	vmul.f32 v41, v1;
	v21 =	vld.idx.msk [tilespmem:v2+s7+$0x2950 ss:$0x1], $0xffff  }
0x227: {  	v49 =	vmul.f32 $1.442695020e+00, v20;
	v14 =	vmul.f32 v14, v1  }
0x228: {  	v18 =	vmul.f32 $1.442695020e+00, v18;
	v19 =	vmul.f32 $1.442695020e+00, v19  }
0x229: {  	v47 =	vmul.f32 $1.442695020e+00, v14;
	v14 =	vmul.f32 v48, v1  }
0x22a: {  	(erf) = vpow2.f32 v19;
	v50 =	vmul.f32 v46, v1  }
0x22b: {  	(erf) = vpow2.f32 v47;
	v51 =	vmul.f32 v21, v1  }
0x22c: {  	(erf) = vpow2.f32 v49;
	v12 =	vmul.f32 $1.442695020e+00, v50  }
0x22d: {  	(erf) = vpow2.f32 v18;
	v13 =	vmul.f32 $1.442695020e+00, v51  }
0x22e: {  	v15 =	vmul.f32 $1.442695020e+00, v15;
	(erf) = vpow2.f32 v12  }
0x22f: {  	v52 =	vmul.f32 $1.442695020e+00, v14;
	(erf) = vpow2.f32 v13  }
0x230: {  	v53 =	vpop (erf);
	(erf) = vpow2.f32 v15  }
0x231: {  	v54 =	vpop (erf);
	(erf) = vpow2.f32 v52  }
0x232: {  	[tilespmem:v2+s9+$0x29B0 ss:$0x1] =	vst.idx.msk $0xffff, v53  }
0x233: {  	[tilespmem:v2+s9+$0x2830 ss:$0x1] =	vst.idx.msk $0xffff, v37;
	v55 =	vld.idx.msk [tilespmem:v2+s9+$0x29C0 ss:$0x1], $0xffff;
	v56 =	vpop (erf)  }
0x234: {  	v17 =	vld.idx.msk [tilespmem:v2+s9+$0x2840 ss:$0x1], $0xffff;
	[tilespmem:v2+s7+$0x2850 ss:$0x1] =	vst.idx.msk $0xffff, v56;
	v12 =	vpop (erf)  }
0x235: {  	[tilespmem:v2+s7+$0x28E0 ss:$0x1] =	vst.idx.msk $0xffff, v54;
	v58 =	vld.idx.msk [tilespmem:v2+s7+$0x2860 ss:$0x1], $0xffff;
	v59 =	vpop (erf)  }
0x236: {  	v57 =	vld.idx.msk [tilespmem:v2+s7+$0x28F0 ss:$0x1], $0xffff;
	v13 =	vpop (erf)  }
0x237: {  	[tilespmem:v2+s7+$0x29D0 ss:$0x1] =	vst.idx.msk $0xffff, v59;
	v19 =	vpop (erf)  }
0x238: {  	v14 =	vmul.f32 v55, v1;
	v60 =	vld.idx.msk [tilespmem:v2+s7+$0x29E0 ss:$0x1], $0xffff;
	v61 =	vpop (erf)  }
0x239: {  	v62 =	vpop (erf)  }
0x23a: {  	v14 =	vmul.f32 $1.442695020e+00, v14;
	v16 =	vmul.f32 v58, v1;
	[tilespmem:v2+s7+$0x2950 ss:$0x1] =	vst.idx.msk $0xffff, v61;
	v63 =	vpop (erf)  }
0x23b: {  	v17 =	vmul.f32 v17, v1;
	v15 =	vmul.f32 v57, v1;
	v24 =	vld.idx.msk [tilespmem:v2+s7+$0x2960 ss:$0x1], $0xffff;
	[tilespmem:v2+s9+$0x2930 ss:$0x1] =	vst.idx.msk $0xffff, v63  }
0x23c: {  	(erf) = vpow2.f32 v14;
	v16 =	vmul.f32 $1.442695020e+00, v16;
	v20 =	vld.idx.msk [tilespmem:v2+s9+$0x2940 ss:$0x1], $0xffff  }
0x23d: {  	v15 =	vmul.f32 $1.442695020e+00, v15;
	v18 =	vmul.f32 v60, v1  }
0x23e: {  	v25 =	vmul.f32 $1.442695020e+00, v17;
	(erf) = vpow2.f32 v16  }
0x23f: {  	v26 =	vmul.f32 $1.442695020e+00, v18;
	(erf) = vpow2.f32 v15  }
0x240: {  	(erf) = vpow2.f32 v25;
	v14 =	vmul.f32 v24, v1  }
0x241: {  	(erf) = vpow2.f32 v26;
	v27 =	vmul.f32 v20, v1  }
0x242: {  	v14 =	vmul.f32 $1.442695020e+00, v14  }
0x243: {  	v15 =	vmul.f32 $1.442695020e+00, v27  }
0x244: {  	(erf) = vpow2.f32 v14  }
0x245: {  	v28 =	vpop (erf);
	(erf) = vpow2.f32 v15  }
0x246: {  	[tilespmem:v2+s9+$0x28D0 ss:$0x1] =	vst.idx.msk $0xffff, v62  }
0x247: {  	v31 =	vld.idx.msk [tilespmem:v2+s9+$0x28E0 ss:$0x1], $0xffff;
	v29 =	vpop (erf)  }
0x248: {  	[tilespmem:v2+s9+$0x29C0 ss:$0x1] =	vst.idx.msk $0xffff, v28;
	v30 =	vpop (erf)  }
0x249: {  	v36 =	vld.idx.msk [tilespmem:v2+s9+$0x29D0 ss:$0x1], $0xffff;
	[tilespmem:v2+s7+$0x2860 ss:$0x1] =	vst.idx.msk $0xffff, v29;
	v32 =	vpop (erf)  }
0x24a: {  	v33 =	vld.idx.msk [tilespmem:v2+s7+$0x2870 ss:$0x1], $0xffff;
	[tilespmem:v2+s9+$0x2840 ss:$0x1] =	vst.idx.msk $0xffff, v32;
	v35 =	vpop (erf)  }
0x24b: {  	v34 =	vld.idx.msk [tilespmem:v2+s9+$0x2850 ss:$0x1], $0xffff;
	[tilespmem:v2+s7+$0x29E0 ss:$0x1] =	vst.idx.msk $0xffff, v35  }
0x24c: {  	v17 =	vmul.f32 v31, v1;
	v15 =	vld.idx.msk [tilespmem:v2+s7+$0x29F0 ss:$0x1], $0xffff  }
0x24d: {  	v37 =	vpop (erf)  }
0x24e: {  	v17 =	vmul.f32 $1.442695020e+00, v17;
	[tilespmem:v2+s7+$0x2960 ss:$0x1] =	vst.idx.msk $0xffff, v37;
	v38 =	vpop (erf)  }
0x24f: {  	v20 =	vmul.f32 v36, v1;
	v22 =	vld.idx.msk [tilespmem:v2+s7+$0x2970 ss:$0x1], $0xffff;
	[tilespmem:v2+s9+$0x2940 ss:$0x1] =	vst.idx.msk $0xffff, v38  }
0x250: {  	(erf) = vpow2.f32 v17;
	v14 =	vmul.f32 v34, v1;
	v21 =	vld.idx.msk [tilespmem:v2+s9+$0x2950 ss:$0x1], $0xffff  }
0x251: {  	v18 =	vmul.f32 v33, v1;
	v15 =	vmul.f32 v15, v1  }
0x252: {  	v39 =	vmul.f32 $1.442695020e+00, v20;
	v14 =	vmul.f32 $1.442695020e+00, v14  }
0x253: {  	v18 =	vmul.f32 $1.442695020e+00, v18;
	v15 =	vmul.f32 $1.442695020e+00, v15  }
0x254: {  	(erf) = vpow2.f32 v14;
	v40 =	vmul.f32 v22, v1  }
0x255: {  	(erf) = vpow2.f32 v15;
	v41 =	vmul.f32 v21, v1  }
0x256: {  	(erf) = vpow2.f32 v39;
	v14 =	vmul.f32 $1.442695020e+00, v40  }
0x257: {  	(erf) = vpow2.f32 v18;
	v15 =	vmul.f32 $1.442695020e+00, v41  }
0x258: {  	(erf) = vpow2.f32 v14  }
0x259: {  	(erf) = vpow2.f32 v15;
	_ =	sdelay $0x2  }
0x25a: {  	v42 =	vpop (erf)  }
0x25b: {  	v43 =	vpop (erf)  }
0x25c: {  	[tilespmem:v2+s9+$0x2850 ss:$0x1] =	vst.idx.msk $0xffff, v43;
	v44 =	vpop (erf)  }
0x25d: {  	v45 =	vld.idx.msk [tilespmem:v2+s9+$0x2860 ss:$0x1], $0xffff;
	v46 =	vpop (erf)  }
0x25e: {  	[tilespmem:v2+s9+$0x28E0 ss:$0x1] =	vst.idx.msk $0xffff, v42;
	v47 =	vpop (erf)  }
0x25f: {  	v48 =	vld.idx.msk [tilespmem:v2+s9+$0x28F0 ss:$0x1], $0xffff;
	[tilespmem:v2+s9+$0x29D0 ss:$0x1] =	vst.idx.msk $0xffff, v46;
	v49 =	vpop (erf)  }
0x260: {  	v50 =	vld.idx.msk [tilespmem:v2+s9+$0x29E0 ss:$0x1], $0xffff;
	v51 =	vpop (erf)  }
0x261: {  	[tilespmem:v2+s9+$0x2950 ss:$0x1] =	vst.idx.msk $0xffff, v51  }
0x262: {  	v17 =	vmul.f32 v45, v1;
	v22 =	vld.idx.msk [tilespmem:v2+s9+$0x2960 ss:$0x1], $0xffff;
	_ =	sdelay $0x1  }
0x263: {  	v20 =	vmul.f32 v48, v1;
	v17 =	vmul.f32 $1.442695020e+00, v17  }
0x264: {  	v21 =	vmul.f32 v50, v1  }
0x265: {  	v52 =	vmul.f32 $1.442695020e+00, v20;
	(erf) = vpow2.f32 v17  }
0x266: {  	v53 =	vmul.f32 $1.442695020e+00, v21;
	v54 =	vmul.f32 v22, v1  }
0x267: {  	(erf) = vpow2.f32 v52  }
0x268: {  	(erf) = vpow2.f32 v53;
	v55 =	vmul.f32 $1.442695020e+00, v54;
	_ =	sdelay $0x1  }
0x269: {  	(erf) = vpow2.f32 v55;
	_ =	sdelay $0x4  }
0x26a: {  	v56 =	vpop (erf)  }
0x26b: {  	v57 =	vpop (erf)  }
0x26c: {  	v58 =	vpop (erf)  }
0x26d: {  	[tilespmem:v2+s9+$0x29E0 ss:$0x1] =	vst.idx.msk $0xffff, v58  }
0x26e: {  	[tilespmem:v2+s9+$0x2860 ss:$0x1] =	vst.idx.msk $0xffff, v56;
	v59 =	vld.idx.msk [tilespmem:v2+s9+$0x29F0 ss:$0x1], $0xffff;
	v60 =	vpop (erf)  }
0x26f: {  	v61 =	vld.idx.msk [tilespmem:v2+s9+$0x2870 ss:$0x1], $0xffff;
	[tilespmem:v2+s9+$0x2960 ss:$0x1] =	vst.idx.msk $0xffff, v60  }
0x270: {  	[tilespmem:v2+s6+$0x28F0 ss:$0x1] =	vst.idx.msk $0xffff, v3;
	v3 =	vld.idx.msk [tilespmem:v2+s9+$0x2970 ss:$0x1], $0xffff  }
0x271: {  	[tilespmem:v2+s6+$0x29F0 ss:$0x1] =	vst.idx.msk $0xffff, v5  }
0x272: {  	[tilespmem:v2+s6+$0x2870 ss:$0x1] =	vst.idx.msk $0xffff, v6  }
0x273: {  	[tilespmem:v2+s6+$0x2970 ss:$0x1] =	vst.idx.msk $0xffff, v7;
	v62 =	vmul.f32 v59, v1  }
0x274: {  	[tilespmem:v2+s31+$0x28F0 ss:$0x1] =	vst.idx.msk $0xffff, v4;
	v63 =	vmul.f32 v61, v1  }
0x275: {  	[tilespmem:v2+s31+$0x29F0 ss:$0x1] =	vst.idx.msk $0xffff, v8;
	v5 =	vmul.f32 $1.442695020e+00, v62;
	v3 =	vmul.f32 v3, v1  }
0x276: {  	[tilespmem:v2+s31+$0x2870 ss:$0x1] =	vst.idx.msk $0xffff, v9;
	v4 =	vmul.f32 $1.442695020e+00, v63  }
0x277: {  	[tilespmem:v2+s31+$0x2970 ss:$0x1] =	vst.idx.msk $0xffff, v10;
	(erf) = vpow2.f32 v5;
	v3 =	vmul.f32 $1.442695020e+00, v3  }
0x278: {  	[tilespmem:v2+s4+$0x28F0 ss:$0x1] =	vst.idx.msk $0xffff, v11;
	(erf) = vpow2.f32 v4  }
0x279: {  	[tilespmem:v2+s4+$0x29F0 ss:$0x1] =	vst.idx.msk $0xffff, v12;
	(erf) = vpow2.f32 v3  }
0x27a: {  	[tilespmem:v2+s4+$0x2870 ss:$0x1] =	vst.idx.msk $0xffff, v13  }
0x27b: {  	[tilespmem:v2+s4+$0x2970 ss:$0x1] =	vst.idx.msk $0xffff, v19  }
0x27c: {  	[tilespmem:v2+s7+$0x28F0 ss:$0x1] =	vst.idx.msk $0xffff, v30  }
0x27d: {  	[tilespmem:v2+s7+$0x29F0 ss:$0x1] =	vst.idx.msk $0xffff, v44  }
0x27e: {  	[tilespmem:v2+s7+$0x2870 ss:$0x1] =	vst.idx.msk $0xffff, v47  }
0x27f: {  	[tilespmem:v2+s7+$0x2970 ss:$0x1] =	vst.idx.msk $0xffff, v49  }
0x280: {  	[tilespmem:v2+s9+$0x28F0 ss:$0x1] =	vst.idx.msk $0xffff, v57;
	v3 =	vpop (erf)  }
0x281: {  	p0 =	seq.s32 s3, $0x3D;
	[tilespmem:v2+s9+$0x29F0 ss:$0x1] =	vst.idx.msk $0xffff, v3;
	v3 =	vpop (erf)  }
.Ltmp3:
0x282: {  	[tilespmem:v2+s9+$0x2870 ss:$0x1] =	vst.idx.msk $0xffff, v3;
	v3 =	vpop (erf);
	(pc) =	sbr.rel @p0 .LBB2_11-.Ltmp3, $4  }
0x283: {  	[tilespmem:v2+s9+$0x2970 ss:$0x1] =	vst.idx.msk $0xffff, v3  }
0x284: {  	_ =	swait.ge [sflag:s29], $0x2800  }
0x285: {  	[sflag:s29] =	ssyncset.done $0x0  }
0x286: {  	[sflag:s29] =	ssyncadd.s32 $0xFFFFD800  }
0x287: {  	s4 =	sadd.s32 $0x3, s30  }
0x288: {  	s6 =	smulhi.u32 $0x55555556, s4;
	_ =	sdelay $0x1  }
0x289: {  	s6 =	smul.u32 $0x3, s6  }
0x28a: {  	s7 =	smul.u32 $0x50, s4  }
0x28b: {  	s4 =	ssub.s32 s4, s6  }
0x28c: {  	s30 =	sadd.s32 s7, s20;
	s4 =	smul.u32 $0xA000, s4  }
0x28d: {  	s31 =	sshll.u32 s11, $0x7;
	s6 =	sshll.u32 s30, $0x4  }
.Ltmp4:
0x28e: {  	s6 =	sadd.s32 s5, s6;
	s4 =	sshrl.u32 s4, $0x2;
	(pc) =	sbr.rel .LBB2_5-.Ltmp4, $4  }
0x28f: {  	[tilespmem:s4], [sflag:$0x2] =	stream.linear.gather [hbm4b:s6+s2], $0x2800, $0x38;
	[tilespmem:$0x1F880] =	vst v63  }
0x290: {  	s3 =	sadd.s32 $0x1, s3;
	s14 =	sadd.s32 $0x5000, s14;
	s4 =	sand.u32 $0x3FFFFF80, s31  }
0x291: {  	s0 =	sadd.s32 $0x2, s0;
	s8 =	sadd.s32 $0x2, s8;
	s4 =	sadd.s32 $0x7800, s4  }
0x292: {  	[spmem:s1] =	stream.indirect.scatter.add.f32 [tilespmem:s12], [sflag:$0x3], $0x80, s4, s26, $0xb8;
	[tilespmem:$0x1F880] =	vst v63  }
.LBB2_11:
0x293: {  	s0 =	simm.s32 $0xB580  }
0x294: {  	[spmem:s1] =	stream.indirect.scatter.add.f32 [tilespmem:s12], [sflag:$0x3], $0x80, s0, s26, $0xb8;
	[tilespmem:$0x1F880] =	vst v63  }
0x295: {  	_ =	swait.ge [sflag:s25], $0x2800  }
0x296: {  	[sflag:s25] =	ssyncset.done $0x0  }
0x297: {  	s0 =	simm.s32 $0x29F0;
	[sflag:s25] =	ssyncadd.s32 $0xFFFFD800  }
0x298: {  	v2 =	vld [tilespmem:s0+$0xFFFFFE10]  }
0x299: {  	v3 =	vld [tilespmem:s0+$0xFFFFFFE0]  }
0x29a: {  	v4 =	vld [tilespmem:s0+$0x0]  }
0x29b: {  	v5 =	vld [tilespmem:s0+$0xFFFFFFC0]  }
0x29c: {  	v7 =	vld [tilespmem:s0+$0xFFFFFFD0]  }
0x29d: {  	v9 =	vld [tilespmem:s0+$0xFFFFFFB0]  }
0x29e: {  	v10 =	vld [tilespmem:s0+$0xFFFFFF30]  }
0x29f: {  	v6 =	vld [tilespmem:s0+$0xFFFFFF70]  }
0x2a0: {  	v8 =	vld [tilespmem:s0+$0xFFFFFFF0]  }
0x2a1: {  	v12 =	vld [tilespmem:s0+$0xFFFFFF90];
	v2 =	vmul.f32 v2, v1;
	v3 =	vmul.f32 v3, v1  }
0x2a2: {  	v15 =	vld [tilespmem:s0+$0xFFFFFE50];
	v5 =	vmul.f32 v5, v1;
	v7 =	vmul.f32 v7, v1  }
0x2a3: {  	v16 =	vld [tilespmem:s0+$0xFFFFFF50];
	v14 =	vmul.f32 v9, v1;
	v10 =	vmul.f32 v10, v1  }
0x2a4: {  	v17 =	vld [tilespmem:s0+$0xFFFFFEE0];
	v2 =	vmul.f32 $1.442695020e+00, v2;
	v11 =	vmul.f32 $1.442695020e+00, v3  }
0x2a5: {  	v3 =	vmul.f32 v4, v1;
	v4 =	vld [tilespmem:s0+$0xFFFFFF10];
	v5 =	vmul.f32 $1.442695020e+00, v5  }
0x2a6: {  	(erf) = vpow2.f32 v2;
	v2 =	vmul.f32 v8, v1;
	v8 =	vld [tilespmem:s0+$0xFFFFFE60]  }
0x2a7: {  	v20 =	vld [tilespmem:s0+$0xFFFFFF80];
	v6 =	vmul.f32 v6, v1;
	v12 =	vmul.f32 v12, v1  }
0x2a8: {  	v3 =	vmul.f32 $1.442695020e+00, v3;
	(erf) = vpow2.f32 v5  }
0x2a9: {  	v53 =	vmul.f32 v15, v1;
	v16 =	vmul.f32 v16, v1  }
0x2aa: {  	v17 =	vmul.f32 v17, v1;
	(erf) = vpow2.f32 v3  }
0x2ab: {  	v4 =	vmul.f32 v4, v1;
	v3 =	vmul.f32 v8, v1;
	v8 =	vld [tilespmem:s0+$0xFFFFFF60]  }
0x2ac: {  	v13 =	vld [tilespmem:s0+$0xFFFFFED0];
	v56 =	vmul.f32 v20, v1;
	v7 =	vmul.f32 $1.442695020e+00, v7  }
0x2ad: {  	v10 =	vmul.f32 $1.442695020e+00, v10;
	v5 =	vld [tilespmem:s0+$0xFFFFFE70];
	v4 =	vmul.f32 $1.442695020e+00, v4  }
0x2ae: {  	v54 =	vld [tilespmem:s0+$0xFFFFFEC0];
	v55 =	vmul.f32 $1.442695020e+00, v16;
	v57 =	vmul.f32 $1.442695020e+00, v56  }
0x2af: {  	v9 =	vld [tilespmem:s0+$0xFFFFFE90];
	v58 =	vmul.f32 $1.442695020e+00, v17;
	(erf) = vpow2.f32 v7  }
0x2b0: {  	v19 =	vpop (erf);
	(erf) = vpow2.f32 v11;
	v8 =	vmul.f32 v8, v1  }
0x2b1: {  	v7 =	vmul.f32 v13, v1;
	(erf) = vpow2.f32 v4;
	v4 =	vpop (erf)  }
0x2b2: {  	v18 =	vmul.f32 v5, v1;
	[tilespmem:s0+$0xFFFFFFC0] =	vst v4;
	v4 =	vmul.f32 $1.442695020e+00, v8;
	v8 =	vld [tilespmem:s0+$0xFFFFFFA0]  }
0x2b3: {  	v5 =	vmul.f32 $1.442695020e+00, v7;
	v11 =	vmul.f32 v54, v1  }
0x2b4: {  	v9 =	vmul.f32 v9, v1;
	v7 =	vld [tilespmem:s0+$0xFFFFFF40];
	(erf) = vpow2.f32 v10  }
0x2b5: {  	v10 =	vmul.f32 $1.442695020e+00, v11;
	v11 =	vld [tilespmem:s0+$0xFFFFFF20];
	(erf) = vpow2.f32 v5  }
0x2b6: {  	v5 =	vmul.f32 $1.442695020e+00, v6;
	v6 =	vld [tilespmem:s0+$0xFFFFFE30];
	(erf) = vpow2.f32 v55  }
0x2b7: {  	(erf) = vpow2.f32 v4;
	v4 =	vld [tilespmem:s0+$0xFFFFFEB0];
	v8 =	vmul.f32 v8, v1  }
0x2b8: {  	v13 =	vmul.f32 $1.442695020e+00, v53;
	(erf) = vpow2.f32 v10  }
0x2b9: {  	v59 =	vld [tilespmem:s0+$0xFFFFFE80];
	v7 =	vmul.f32 v7, v1;
	v10 =	vpop (erf);
	(erf) = vpow2.f32 v5  }
0x2ba: {  	v61 =	vld [tilespmem:s0+$0xFFFFFE20];
	v5 =	vpop (erf);
	v11 =	vmul.f32 v11, v1;
	(erf) = vpow2.f32 v57  }
0x2bb: {  	[tilespmem:s0+$0xFFFFFE10] =	vst v19;
	v6 =	vmul.f32 v6, v1;
	v60 =	vmul.f32 $1.442695020e+00, v8;
	v8 =	vpop (erf)  }
0x2bc: {  	[tilespmem:s0+$0x0] =	vst v10;
	v11 =	vmul.f32 $1.442695020e+00, v11;
	v4 =	vmul.f32 v4, v1;
	v10 =	vpop (erf)  }
0x2bd: {  	[tilespmem:s0+$0xFFFFFFD0] =	vst v5;
	v6 =	vmul.f32 $1.442695020e+00, v6;
	(erf) = vpow2.f32 v58;
	v5 =	vpop (erf)  }
0x2be: {  	[tilespmem:s0+$0xFFFFFFE0] =	vst v8;
	v8 =	vld [tilespmem:s0+$0xFFFFFEA0];
	v62 =	vpop (erf);
	(erf) = vpow2.f32 v11;
	v11 =	vmul.f32 v59, v1  }
0x2bf: {  	v63 =	vmul.f32 $1.442695020e+00, v4;
	v4 =	vmul.f32 v61, v1;
	[tilespmem:s0+$0xFFFFFF10] =	vst v10;
	v10 =	vld [tilespmem:s0+$0xFFFFFEF0]  }
0x2c0: {  	v7 =	vmul.f32 $1.442695020e+00, v7;
	[tilespmem:s0+$0xFFFFFF30] =	vst v5;
	(erf) = vpow2.f32 v6  }
0x2c1: {  	v9 =	vmul.f32 $1.442695020e+00, v9;
	[tilespmem:s0+$0xFFFFFED0] =	vst v62;
	v5 =	vpop (erf);
	v6 =	vmul.f32 $1.442695020e+00, v11  }
0x2c2: {  	[tilespmem:s0+$0xFFFFFF50] =	vst v5;
	v5 =	vmul.f32 $1.442695020e+00, v4;
	(erf) = vpow2.f32 v7;
	v11 =	vpop (erf)  }
0x2c3: {  	v7 =	vmul.f32 v8, v1;
	(erf) = vpow2.f32 v9;
	[tilespmem:s0+$0xFFFFFF60] =	vst v11;
	v4 =	vpop (erf)  }
0x2c4: {  	v8 =	vmul.f32 v10, v1;
	v9 =	vld [tilespmem:s0+$0xFFFFFF00];
	[tilespmem:s0+$0xFFFFFEC0] =	vst v4;
	v4 =	vpop (erf);
	(erf) = vpow2.f32 v6  }
0x2c5: {  	v11 =	vmul.f32 $1.442695020e+00, v18;
	[tilespmem:s0+$0xFFFFFF70] =	vst v4;
	v4 =	vpop (erf);
	(erf) = vpow2.f32 v60  }
0x2c6: {  	v7 =	vmul.f32 $1.442695020e+00, v7;
	[tilespmem:s0+$0xFFFFFF80] =	vst v4;
	(erf) = vpow2.f32 v13;
	v4 =	vpop (erf)  }
0x2c7: {  	v10 =	vld [tilespmem:s0+$0xFFFFFE40];
	v6 =	vmul.f32 $1.442695020e+00, v12;
	[tilespmem:s0+$0xFFFFFEE0] =	vst v4;
	(erf) = vpow2.f32 v11;
	v4 =	vpop (erf)  }
0x2c8: {  	s3 =	simm.s32 $0x0;
	s4 =	simm.s32 $0x2BF0;
	[tilespmem:s0+$0xFFFFFF20] =	vst v4;
	v4 =	vmul.f32 $1.442695020e+00, v14;
	(erf) = vpow2.f32 v63  }
.LBB2_12:
0x2c9: {  	v11 =	vld [tilespmem:s4+$0xFFFFFE10];
	s3 =	sadd.s32 $0x4, s3;
	v9 =	vmul.f32 v9, v1;
	v12 =	vpop (erf);
	(erf) = vpow2.f32 v6  }
0x2ca: {  	v8 =	vmul.f32 $1.442695020e+00, v8;
	v6 =	vld [tilespmem:s4+$0xFFFFFFE0];
	p0 =	slt.u32 s3, $0x4C;
	(erf) = vpow2.f32 v4  }
0x2cb: {  	v15 =	vmul.f32 $1.442695020e+00, v3;
	v4 =	vld [tilespmem:s4+$0x0];
	v9 =	vmul.f32 $1.442695020e+00, v9;
	v13 =	vpop (erf)  }
0x2cc: {  	v14 =	vld [tilespmem:s4+$0xFFFFFFC0];
	v10 =	vmul.f32 v10, v1;
	[tilespmem:s0+$0xFFFFFF40] =	vst v13;
	v13 =	vpop (erf);
	(erf) = vpow2.f32 v8  }
0x2cd: {  	v2 =	vmul.f32 $1.442695020e+00, v2;
	v8 =	vld [tilespmem:s4+$0xFFFFFF70];
	[tilespmem:s0+$0xFFFFFE90] =	vst v13;
	(erf) = vpow2.f32 v15;
	v3 =	vpop (erf)  }
0x2ce: {  	v11 =	vmul.f32 v11, v1;
	v13 =	vld [tilespmem:s4+$0xFFFFFFD0];
	[tilespmem:s0+$0xFFFFFE30] =	vst v12;
	v10 =	vmul.f32 $1.442695020e+00, v10;
	v12 =	vpop (erf)  }
0x2cf: {  	v17 =	vmul.f32 v6, v1;
	v15 =	vld [tilespmem:s4+$0xFFFFFFF0];
	[tilespmem:s0+$0xFFFFFFA0] =	vst v12;
	v12 =	vpop (erf);
	(erf) = vpow2.f32 v2  }
0x2d0: {  	v18 =	vmul.f32 $1.442695020e+00, v11;
	v11 =	vld [tilespmem:s4+$0xFFFFFFB0];
	[tilespmem:s0+$0xFFFFFE50] =	vst v12;
	v12 =	vpop (erf);
	(erf) = vpow2.f32 v9  }
0x2d1: {  	v9 =	vld [tilespmem:s4+$0xFFFFFF30];
	v16 =	vmul.f32 $1.442695020e+00, v17;
	[tilespmem:s0+$0xFFFFFE70] =	vst v12;
	(erf) = vpow2.f32 v10;
	v6 =	vpop (erf)  }
0x2d2: {  	v12 =	vmul.f32 v4, v1;
	v10 =	vld [tilespmem:s4+$0xFFFFFF90];
	[tilespmem:s0+$0xFFFFFEB0] =	vst v6;
	(erf) = vpow2.f32 v5;
	v4 =	vpop (erf)  }
0x2d3: {  	v6 =	vmul.f32 v14, v1;
	v5 =	vld [tilespmem:s4+$0xFFFFFF10];
	(erf) = vpow2.f32 v18;
	[tilespmem:s0+$0xFFFFFF90] =	vst v4;
	v2 =	vpop (erf)  }
0x2d4: {  	v18 =	vmul.f32 v13, v1;
	v14 =	vld [tilespmem:s4+$0xFFFFFED0];
	[tilespmem:s0+$0xFFFFFFB0] =	vst v2;
	(erf) = vpow2.f32 v7  }
0x2d5: {  	v6 =	vmul.f32 $1.442695020e+00, v6;
	v2 =	vmul.f32 v15, v1;
	v7 =	vld [tilespmem:s4+$0xFFFFFE60];
	v15 =	vpop (erf)  }
0x2d6: {  	v4 =	vmul.f32 v11, v1;
	v11 =	vmul.f32 $1.442695020e+00, v18;
	v17 =	vld [tilespmem:s4+$0xFFFFFF20];
	[tilespmem:s0+$0xFFFFFEF0] =	vst v15;
	v13 =	vpop (erf)  }
0x2d7: {  	v12 =	vmul.f32 $1.442695020e+00, v12;
	v9 =	vmul.f32 v9, v1;
	v15 =	vld [tilespmem:s4+$0xFFFFFE90];
	[tilespmem:s0+$0xFFFFFE60] =	vst v13  }
0x2d8: {  	v13 =	vld [tilespmem:s4+$0xFFFFFE50];
	v5 =	vmul.f32 v5, v1;
	(erf) = vpow2.f32 v6;
	[tilespmem:s0+$0xFFFFFE80] =	vst v3;
	v3 =	vpop (erf)  }
0x2d9: {  	v8 =	vmul.f32 v8, v1;
	v6 =	vmul.f32 v10, v1;
	v18 =	vld [tilespmem:s4+$0xFFFFFE70];
	[tilespmem:s0+$0xFFFFFFF0] =	vst v3;
	v3 =	vpop (erf)  }
0x2da: {  	v9 =	vmul.f32 $1.442695020e+00, v9;
	v10 =	vld [tilespmem:s4+$0xFFFFFF50];
	(erf) = vpow2.f32 v12;
	[tilespmem:s0+$0xFFFFFF00] =	vst v3;
	v3 =	vpop (erf)  }
0x2db: {  	v5 =	vmul.f32 $1.442695020e+00, v5;
	v12 =	vld [tilespmem:s4+$0xFFFFFEE0];
	(erf) = vpow2.f32 v11;
	[tilespmem:s0+$0xFFFFFE40] =	vst v3;
	v11 =	vpop (erf)  }
0x2dc: {  	v3 =	vmul.f32 v7, v1;
	v7 =	vmul.f32 v14, v1;
	v14 =	vld [tilespmem:s4+$0xFFFFFF60];
	v19 =	vpop (erf);
	[tilespmem:s0+$0xFFFFFE20] =	vst v11  }
0x2dd: {  	[tilespmem:s4+$0xFFFFFE10] =	vst v19;
	v11 =	vmul.f32 v13, v1;
	v13 =	vmul.f32 v15, v1;
	v15 =	vld [tilespmem:s4+$0xFFFFFEC0];
	v19 =	vpop (erf)  }
0x2de: {  	v7 =	vmul.f32 $1.442695020e+00, v7;
	v18 =	vmul.f32 v18, v1;
	[tilespmem:s0+$0xFFFFFEA0] =	vst v19;
	s0 =	smov.u32 s4  }
0x2df: {  	v11 =	vmul.f32 $1.442695020e+00, v11;
	v19 =	vld [tilespmem:s4+$0xFFFFFF40];
	v10 =	vmul.f32 v10, v1  }
0x2e0: {  	v12 =	vmul.f32 v12, v1;
	v20 =	vld [tilespmem:s4+$0xFFFFFF80];
	(erf) = vpow2.f32 v16  }
0x2e1: {  	v14 =	vmul.f32 v14, v1;
	(erf) = vpow2.f32 v5;
	v5 =	vpop (erf)  }
0x2e2: {  	v10 =	vmul.f32 $1.442695020e+00, v10;
	v15 =	vmul.f32 v15, v1;
	[tilespmem:s4+$0xFFFFFFC0] =	vst v5  }
0x2e3: {  	v5 =	vmul.f32 $1.442695020e+00, v14;
	v14 =	vld [tilespmem:s4+$0xFFFFFFA0];
	(erf) = vpow2.f32 v9;
	v9 =	vpop (erf)  }
0x2e4: {  	v15 =	vmul.f32 $1.442695020e+00, v15;
	v16 =	vmul.f32 v19, v1;
	[tilespmem:s4+$0x0] =	vst v9;
	v9 =	vpop (erf)  }
0x2e5: {  	v19 =	vmul.f32 v20, v1;
	[tilespmem:s4+$0xFFFFFFD0] =	vst v9;
	(erf) = vpow2.f32 v7  }
0x2e6: {  	v20 =	vmul.f32 $1.442695020e+00, v8;
	(erf) = vpow2.f32 v10  }
0x2e7: {  	v8 =	vld [tilespmem:s4+$0xFFFFFE30];
	v9 =	vmul.f32 $1.442695020e+00, v19;
	(erf) = vpow2.f32 v5  }
0x2e8: {  	v5 =	vld [tilespmem:s4+$0xFFFFFEB0];
	v10 =	vmul.f32 v14, v1;
	(erf) = vpow2.f32 v15  }
0x2e9: {  	v12 =	vmul.f32 $1.442695020e+00, v12;
	(erf) = vpow2.f32 v20;
	v7 =	vpop (erf)  }
0x2ea: {  	v19 =	vmul.f32 v17, v1;
	v14 =	vld [tilespmem:s4+$0xFFFFFE80];
	v10 =	vmul.f32 $1.442695020e+00, v10;
	[tilespmem:s4+$0xFFFFFFE0] =	vst v7;
	v7 =	vpop (erf)  }
0x2eb: {  	v17 =	vld [tilespmem:s4+$0xFFFFFE20];
	[tilespmem:s4+$0xFFFFFF10] =	vst v7;
	v7 =	vmul.f32 $1.442695020e+00, v16;
	(erf) = vpow2.f32 v9  }
0x2ec: {  	v9 =	vmul.f32 $1.442695020e+00, v19;
	v8 =	vmul.f32 v8, v1;
	v15 =	vpop (erf)  }
0x2ed: {  	v16 =	vmul.f32 v5, v1;
	[tilespmem:s4+$0xFFFFFF30] =	vst v15;
	(erf) = vpow2.f32 v12  }
0x2ee: {  	v8 =	vmul.f32 $1.442695020e+00, v8;
	v12 =	vld [tilespmem:s4+$0xFFFFFEA0];
	v15 =	vpop (erf);
	(erf) = vpow2.f32 v9  }
0x2ef: {  	v9 =	vmul.f32 v14, v1;
	v14 =	vmul.f32 $1.442695020e+00, v16;
	[tilespmem:s4+$0xFFFFFED0] =	vst v15;
	v5 =	vpop (erf)  }
0x2f0: {  	v15 =	vmul.f32 v17, v1;
	v16 =	vld [tilespmem:s4+$0xFFFFFEF0];
	[tilespmem:s4+$0xFFFFFF50] =	vst v5;
	(erf) = vpow2.f32 v8;
	v5 =	vpop (erf)  }
0x2f1: {  	v8 =	vmul.f32 $1.442695020e+00, v9;
	v9 =	vmul.f32 $1.442695020e+00, v13;
	[tilespmem:s4+$0xFFFFFF60] =	vst v5;
	v13 =	vpop (erf)  }
0x2f2: {  	v5 =	vmul.f32 $1.442695020e+00, v15;
	[tilespmem:s4+$0xFFFFFEC0] =	vst v13;
	(erf) = vpow2.f32 v7;
	v7 =	vpop (erf)  }
0x2f3: {  	v12 =	vmul.f32 v12, v1;
	[tilespmem:s4+$0xFFFFFF70] =	vst v7;
	(erf) = vpow2.f32 v9  }
.Ltmp5:
0x2f4: {  	v13 =	vmul.f32 $1.442695020e+00, v18;
	v9 =	vld [tilespmem:s4+$0xFFFFFF00];
	(erf) = vpow2.f32 v8;
	v7 =	vpop (erf);
	(pc) =	sbr.rel @p0 .LBB2_12-.Ltmp5, $4  }
0x2f5: {  	v8 =	vmul.f32 v16, v1;
	[tilespmem:s4+$0xFFFFFF80] =	vst v7;
	(erf) = vpow2.f32 v10  }
0x2f6: {  	v7 =	vmul.f32 $1.442695020e+00, v12;
	(erf) = vpow2.f32 v11;
	v11 =	vpop (erf)  }
0x2f7: {  	v6 =	vmul.f32 $1.442695020e+00, v6;
	v10 =	vld [tilespmem:s4+$0xFFFFFE40];
	[tilespmem:s4+$0xFFFFFEE0] =	vst v11;
	(erf) = vpow2.f32 v13;
	v11 =	vpop (erf)  }
0x2f8: {  	v4 =	vmul.f32 $1.442695020e+00, v4;
	s4 =	sadd.s32 $0x200, s4;
	[tilespmem:s0+$0xFFFFFF20] =	vst v11;
	(erf) = vpow2.f32 v14  }
0x2f9: {  	v9 =	vmul.f32 v9, v1;
	(erf) = vpow2.f32 v6  }
0x2fa: {  	v58 =	vmul.f32 $1.442695020e+00, v8;
	v59 =	vpop (erf);
	v3 =	vmul.f32 $1.442695020e+00, v3  }
0x2fb: {  	v2 =	vmul.f32 $1.442695020e+00, v2;
	(erf) = vpow2.f32 v4;
	v60 =	vpop (erf)  }
0x2fc: {  	[tilespmem:s0+$0xFFFFFE30] =	vst v59;
	(erf) = vpow2.f32 v58;
	v1 =	vmul.f32 v10, v1;
	v61 =	vpop (erf)  }
0x2fd: {  	[tilespmem:s0+$0xFFFFFF40] =	vst v60;
	(erf) = vpow2.f32 v3;
	v3 =	vmul.f32 $1.442695020e+00, v9;
	v62 =	vpop (erf)  }
0x2fe: {  	[tilespmem:s0+$0xFFFFFE90] =	vst v61;
	(erf) = vpow2.f32 v2;
	v1 =	vmul.f32 $1.442695020e+00, v1;
	v63 =	vpop (erf)  }
0x2ff: {  	[tilespmem:s0+$0xFFFFFE80] =	vst v62;
	v2 =	vpop (erf);
	(erf) = vpow2.f32 v3  }
0x300: {  	[tilespmem:s0+$0xFFFFFFA0] =	vst v63;
	(erf) = vpow2.f32 v1  }
0x301: {  	[tilespmem:s0+$0xFFFFFE50] =	vst v2;
	v2 =	vpop (erf);
	(erf) = vpow2.f32 v5  }
0x302: {  	[tilespmem:s0+$0xFFFFFE70] =	vst v2;
	v1 =	vpop (erf);
	(erf) = vpow2.f32 v7  }
0x303: {  	[tilespmem:s0+$0xFFFFFEB0] =	vst v1;
	v1 =	vpop (erf)  }
0x304: {  	[tilespmem:s0+$0xFFFFFF90] =	vst v1;
	v1 =	vpop (erf)  }
0x305: {  	[tilespmem:s0+$0xFFFFFFB0] =	vst v1;
	v1 =	vpop (erf)  }
0x306: {  	[tilespmem:s0+$0xFFFFFEF0] =	vst v1;
	v1 =	vpop (erf)  }
0x307: {  	[tilespmem:s0+$0xFFFFFE60] =	vst v1;
	v1 =	vpop (erf)  }
0x308: {  	[tilespmem:s0+$0xFFFFFFF0] =	vst v1;
	v1 =	vpop (erf)  }
0x309: {  	[tilespmem:s0+$0xFFFFFF00] =	vst v1;
	v1 =	vpop (erf)  }
0x30a: {  	[tilespmem:s0+$0xFFFFFE40] =	vst v1;
	v1 =	vpop (erf)  }
0x30b: {  	[tilespmem:s0+$0xFFFFFE20] =	vst v1;
	v1 =	vpop (erf)  }
0x30c: {  	[tilespmem:s0+$0xFFFFFEA0] =	vst v1  }
0x30d: {  	_ =	swait.ge [sflag:s29], $0x2800  }
0x30e: {  	[sflag:s29] =	ssyncset.done $0x0  }
0x30f: {  	s20 =	simm.s32 $0xB600;
	[sflag:s29] =	ssyncadd.s32 $0xFFFFD800  }
0x310: {  	[spmem:s1] =	stream.indirect.scatter.add.f32 [tilespmem:s24], [sflag:$0x3], $0x80, s20, s26, $0xb8;
	[tilespmem:$0x1F880] =	vst v63  }
0x311: {  	_ =	swait.ge [sflag:s29], $0x2800  }
0x312: {  	s23 =	smul.u32 $0x2800, s23;
	s30 =	stileid.u32;
	[sflag:s29] =	ssyncset.done $0x0  }
0x313: {  	s31 =	sshrl.u32 s10, $0x3;
	s3 =	rddreg [dreg:$0x7];
	[sflag:s29] =	ssyncadd.s32 $0xFFFFD800  }
0x314: {  	s21 =	sadd.s32 $0x1, s21;
	s0 =	sadd.s32 s3, s23;
	[bflag:$0x0] =	sbarrier.arrive $0xFFFF  }
0x315: {  	s3 =	sshll.u32 s30, $0x6;
	s0 =	sshll.u32 s0, $0x4;
	s4 =	rddreg [dreg:$0x5]  }
0x316: {  	p0 =	sne.s32 s21, $0x4;
	s3 =	sor.u32 $0x1C04, s3;
	s0 =	sadd.s32 s4, s0  }
0x317: {  	[hbm:s0], [sflag:s3] =	dma.local [spmem:s31], $0x2800  }
.Ltmp6:
0x318: {  	_ =	swait.ge [sflag:s22], $0x2800;
	(pc) =	sbr.rel @p0 .LBB2_2-.Ltmp6, $3  }
0x319: {  	[sflag:s22] =	ssyncset.done $0x0  }
0x31a: {  	[sflag:s22] =	ssyncadd.s32 $0xFFFFD800  }
0x31b: {  	[bflag:$0x0] =	sbarrier.arrive $0xFFFF;
	_ =	sdelay $0x1  }
0x31c: {  	s3 =	rddreg [dreg:$0xf]  }
0x31d: {  	s0 =	rddreg [dreg:$0xe];
	s3 =	sadd.s32 $0x1, s3  }
0x31e: {  	p0 =	sne.s32 s3, s0  }
.Ltmp7:
0x31f: {  	_ = 	snop;
	(pc) =	sbr.rel @p0 .LBB2_1-.Ltmp7, $1  }
0x320: {  	_ =	sdelay $0x3  }
0x321: {  	_ =	sfence.sel $0x180000  }
0x322: {  	[bflag:$0x0] =	sbarrier.arrive $0xFFFF  }
0x323: {  	_ =	strace $0x90000047  }
0x324: {  	s0 =	stileid.u32;
	[bflag:$0x2] =	sbarrier.arrive $0xFFFF  }
0x325: {  	p0 =	sne.s32 s0, $0x0;
	s0 =	rddreg [dreg:$0x3]  }
0x326: {  	s0 =	sadd.s32 @!p0 $0x100000, s0  }
0x327: {  	[sflag:s0] =	ssyncadd.tile.s32 @!p0 $0x1;
	_ =	shalt  }
.Lfunc_end2:
_tile_overlayer_lowered:
.L_overlay_start_2:
0x328: {  	(tag) =	ssettag $0x2  }
0x329: {  	s0 =	rddreg [dreg:$0x0];
	s2 =	stileid.u32  }
0x32a: {  	s1 =	rddreg [dreg:$0x1];
	p0 =	sne.s32 s2, $0x0  }
0x32b: {  	s3 =	rddreg [dreg:$0x2];
	[bflag:$0x3] =	sbarrier.arrive $0xFFFF;
	s2 =	simm.s32 @!p0 $0x1C04  }
0x32c: {  	[timem:s3], [sflag:s2] =	dma.local @!p0 [hbm:s0], s1  }
0x32d: {  	s0 =	simm.s32 @!p0 $0x4  }
0x32e: {  	_ =	swait.ge @!p0 [sflag:s0], s1  }
0x32f: {  	s1 =	ssub.s32 @!p0 $0x0, s1;
	[sflag:s0] =	ssyncset.done @!p0 $0x0  }
0x330: {  	[sflag:s0] =	ssyncadd.s32 @!p0 s1  }
0x331: {  	[bflag:$0x3] =	sbarrier.arrive $0xFFFF  }
0x332: {  	_ =	shalt  }

</sc_bundles>
